<compile_context>
chip_gen: v7x
topology: tpu7x:2x2x1
jax: 0.10.2.dev20260603
libtpu: 0.0.44.dev20260713+nightly
codegen_flags: <defaults>
</compile_context>

<pallas_src>
import functools

import jax
import jax.numpy as jnp
from jax import lax
from jax.experimental import pallas as pl
from jax.experimental.pallas import tpu as pltpu
from jax.experimental.pallas import tpu_sc as plsc

_N = 43008
_H = 64
_W = 2 * _H
_E = 688128
_NSC = 2
_NT = 16
_NW = _NSC * _NT
_CH = 128
_K = _E // (_NT * _CH)
_KD = _E // (_NW * _CH)
_QTR = _N // 4
_TRASH = 96
_ACC_ROWS = _QTR + _TRASH
_DUMP_PT = _QTR // _NT
_ZERO_PT = _ACC_ROWS // _NT
_ZCH = 113
_RB = 1024
_G = _N // _RB
_B = 128


def _deg_body(edge_hbm, deg_hbm, colstage, hist):
  c = lax.axis_index("c")
  s = lax.axis_index("s")
  wid = s * _NSC + c
  pltpu.sync_copy(edge_hbm.at[1, pl.ds(wid * _KD * _CH, _KD * _CH)], colstage)

  zero16 = jnp.zeros((16,), jnp.float32)

  @pl.loop(0, _N // 16)
  def _(i):
    hist[pl.ds(i * 16, 16)] = zero16

  @pl.loop(0, _KD)
  def _(k):
    for j in range(8):
      idx = colstage[pl.ds(k * _CH + j * 16, 16)]
      cnt, last = plsc.scan_count(idx)
      plsc.addupdate_scatter(hist, [idx], cnt.astype(jnp.float32), mask=last)

  pltpu.sync_copy(hist, deg_hbm.at[wid])


_STRIP = 21
_NSTRIP = _K // _STRIP
_SEL = _STRIP * _CH + _CH


_SCH = _STRIP * _CH


def _sweep_body(edge_hbm, y_hbm, zeros_hbm, acc_hbm,
                rbuf, cbuf, rsel, dsel, didx, gbuf, acc, sem, sem_i,
                sem_s0, sem_s1):
  c = lax.axis_index("c")
  t = lax.axis_index("s")
  iota = lax.iota(jnp.int32, 16)
  ebase = t * _K * _CH

  for q in range(2):
    lo = (c * 2 + q) * _QTR

    for z in range(_ZERO_PT // _ZCH):
      pltpu.sync_copy(zeros_hbm, acc.at[pl.ds(t * _ZERO_PT + z * _ZCH, _ZCH)])
    pltpu.async_copy(edge_hbm.at[0, pl.ds(ebase, _SCH)], rbuf, sem_i)
    pltpu.async_copy(edge_hbm.at[1, pl.ds(ebase, _SCH)], cbuf, sem_i)
    plsc.subcore_barrier()

    @pl.loop(0, _NSTRIP)
    def _(s):
      pltpu.make_async_copy(edge_hbm.at[0, pl.ds(0, _SCH)], rbuf,
                            sem_i).wait()
      pltpu.make_async_copy(edge_hbm.at[1, pl.ds(0, _SCH)], cbuf,
                            sem_i).wait()

      def _filter(k, cur):
        ds_, rs_, ms_, incls = [], [], [], []
        for j in range(8):
          d = cbuf[pl.ds(k * _CH + j * 16, 16)]
          r = rbuf[pl.ds(k * _CH + j * 16, 16)]
          m = (d >= lo) & (d < lo + _QTR)
          ds_.append(d)
          rs_.append(r)
          ms_.append(m)
          incls.append(plsc.cumsum(m.astype(jnp.int32)))
        for j in range(8):
          pos = cur + incls[j] - 1
          plsc.store_scatter(dsel, [pos], ds_[j] - lo, mask=ms_[j])
          plsc.store_scatter(rsel, [pos], rs_[j], mask=ms_[j])
          cur = cur + incls[j][15]
        return cur

      cur = pl.loop(0, _STRIP, init_carry=0)(_filter)

      @pl.when(s < _NSTRIP - 1)
      def _():
        pltpu.async_copy(
            edge_hbm.at[0, pl.ds(ebase + (s + 1) * _SCH, _SCH)], rbuf, sem_i)
        pltpu.async_copy(
            edge_hbm.at[1, pl.ds(ebase + (s + 1) * _SCH, _SCH)], cbuf, sem_i)

      for j in range(8):
        rows = j * 16 + iota
        plsc.store_scatter(rsel, [cur + rows], rows)
        plsc.store_scatter(dsel, [cur + rows], _QTR + lax.rem(rows, _TRASH))

      @pl.when(cur > 0)
      def _():
        pltpu.async_copy(y_hbm.at[rsel.at[pl.ds(0, _CH)]], gbuf.at[0], sem)

      nr = (cur + _CH - 1) // _CH

      @pl.loop(0, _SEL // _CH)
      def _(r):
        @pl.when(r * _CH < cur)
        def _():
          p = lax.rem(r, 2)

          @pl.when((r >= 2) & (p == 0))
          def _():
            pltpu.make_async_copy(gbuf.at[1], acc.at[didx.at[1]],
                                  sem_s1).wait()

          @pl.when(p == 1)
          def _():
            pltpu.make_async_copy(gbuf.at[0], acc.at[didx.at[0]],
                                  sem_s0).wait()

          pltpu.make_async_copy(y_hbm.at[pl.ds(0, _CH)], gbuf.at[0],
                                sem).wait()

          @pl.when((r + 1) * _CH < cur)
          def _():
            pltpu.async_copy(y_hbm.at[rsel.at[pl.ds((r + 1) * _CH, _CH)]],
                             gbuf.at[1 - p], sem)

          @pl.when(p == 0)
          def _():
            for j in range(8):
              didx[0, pl.ds(j * 16, 16)] = dsel[pl.ds(r * _CH + j * 16, 16)]
            pltpu.async_copy(gbuf.at[0], acc.at[didx.at[0]], sem_s0, add=True)

          @pl.when(p == 1)
          def _():
            for j in range(8):
              didx[1, pl.ds(j * 16, 16)] = dsel[pl.ds(r * _CH + j * 16, 16)]
            pltpu.async_copy(gbuf.at[1], acc.at[didx.at[1]], sem_s1, add=True)

      @pl.when(lax.rem(nr, 2) == 1)
      def _():
        pltpu.make_async_copy(gbuf.at[0], acc.at[didx.at[0]], sem_s0).wait()

      @pl.when((nr > 0) & (lax.rem(nr, 2) == 0))
      def _():
        pltpu.make_async_copy(gbuf.at[1], acc.at[didx.at[1]], sem_s1).wait()

    plsc.subcore_barrier()
    pltpu.sync_copy(acc.at[pl.ds(t * _DUMP_PT, _DUMP_PT)],
                    acc_hbm.at[pl.ds(lo + t * _DUMP_PT, _DUMP_PT)])
    plsc.subcore_barrier()


def _deg_col(deg_ref):
  return lax.dot_general(deg_ref[...], jnp.ones((_NW, 1), jnp.float32),
                         (((0,), (0,)), ((), ())),
                         preferred_element_type=jnp.float32)


def _pre_body(amp_ref, ph_ref, pos_ref, deg_ref, wa_ref, wp_ref, y_ref):
  a = amp_ref[...] + pos_ref[...]
  p = ph_ref[...] + pos_ref[...]
  dis = lax.rsqrt(_deg_col(deg_ref) + 1.0)
  y_ref[:, 0:_H] = dis * jnp.dot(a, wa_ref[...],
                                 preferred_element_type=jnp.float32)
  y_ref[:, _H:_W] = dis * jnp.dot(p, wp_ref[...],
                                  preferred_element_type=jnp.float32)


def _post_body(acc_ref, y_ref, deg_ref, batch_ref, b1a_ref, b1p_ref,
               cw_ref, cb_ref, lwt_ref, lb_ref, s_ref,
               out_ref, pool_a, pool_p, cnt):
  i = pl.program_id(0)
  dis = lax.rsqrt(_deg_col(deg_ref) + 1.0)
  u = acc_ref[...] + y_ref[...]
  ha = jnp.maximum(dis * u[:, 0:_H] + b1a_ref[...], 0.0)
  hp = jnp.maximum(dis * u[:, _H:_W] + b1p_ref[...], 0.0)
  onehot = (batch_ref[0] == lax.broadcasted_iota(jnp.int32, (_RB, _B), 1)
            ).astype(jnp.float32)
  dims = (((0,), (0,)), ((), ()))
  pa = lax.dot_general(onehot, ha, dims, preferred_element_type=jnp.float32)
  pp = lax.dot_general(onehot, hp, dims, preferred_element_type=jnp.float32)
  c = lax.dot_general(onehot, jnp.ones((_RB, _B), jnp.float32), dims,
                      preferred_element_type=jnp.float32)

  @pl.when(i == 0)
  def _():
    pool_a[...] = pa
    pool_p[...] = pp
    cnt[...] = c

  @pl.when(i > 0)
  def _():
    pool_a[...] += pa
    pool_p[...] += pp
    cnt[...] += c

  @pl.when(i == _G - 1)
  def _():
    cm = jnp.maximum(cnt[...][:, 0:_H], 1.0)
    x = (pool_a[...] / cm) * cw_ref[:, 0:1] + (pool_p[...] / cm) * cw_ref[:, 1:2]
    x = x + cb_ref[...]
    logits = jnp.dot(x, lwt_ref[...], preferred_element_type=jnp.float32)
    logits = (logits + lb_ref[...]) * s_ref[...]
    mx = jnp.max(logits, axis=1, keepdims=True)
    e = jnp.exp(logits - mx)
    out_ref[...] = e / jnp.sum(e, axis=1, keepdims=True)


@functools.cache
def _sc_kernels():
  mesh = plsc.VectorSubcoreMesh(core_axis_name="c", subcore_axis_name="s",
                                num_cores=_NSC, num_subcores=_NT)
  deg_kernel = pl.kernel(
      _deg_body,
      out_type=jax.ShapeDtypeStruct((_NW, _N), jnp.float32),
      mesh=mesh,
      compiler_params=pltpu.CompilerParams(needs_layout_passes=False),
      scratch_types=[
          pltpu.VMEM((_KD * _CH,), jnp.int32),
          pltpu.VMEM((_N,), jnp.float32),
      ],
  )
  sweep_kernel = pl.kernel(
      _sweep_body,
      out_type=jax.ShapeDtypeStruct((_N, _W), jnp.float32),
      mesh=mesh,
      compiler_params=pltpu.CompilerParams(needs_layout_passes=False),
      scratch_types=[
          pltpu.VMEM((_SCH,), jnp.int32),
          pltpu.VMEM((_SCH,), jnp.int32),
          pltpu.VMEM((_SEL,), jnp.int32),
          pltpu.VMEM((_SEL,), jnp.int32),
          pltpu.VMEM((2, _CH), jnp.int32),
          pltpu.VMEM((2, _CH, _W), jnp.float32),
          pltpu.VMEM_SHARED((_ACC_ROWS, _W), jnp.float32),
          pltpu.SemaphoreType.DMA,
          pltpu.SemaphoreType.DMA,
          pltpu.SemaphoreType.DMA,
          pltpu.SemaphoreType.DMA,
      ],
  )
  return deg_kernel, sweep_kernel


_pre_kernel = pl.pallas_call(
    _pre_body,
    grid=(_G,),
    in_specs=[
        pl.BlockSpec((_RB, _H), lambda i: (i, 0)),
        pl.BlockSpec((_RB, _H), lambda i: (i, 0)),
        pl.BlockSpec((_RB, _H), lambda i: (i, 0)),
        pl.BlockSpec((_NW, _RB), lambda i: (0, i)),
        pl.BlockSpec((_H, _H), lambda i: (0, 0)),
        pl.BlockSpec((_H, _H), lambda i: (0, 0)),
    ],
    out_specs=pl.BlockSpec((_RB, _W), lambda i: (i, 0)),
    out_shape=jax.ShapeDtypeStruct((_N, _W), jnp.float32),
)

_post_kernel = pl.pallas_call(
    _post_body,
    grid=(_G,),
    in_specs=[
        pl.BlockSpec((_RB, _W), lambda i: (i, 0)),
        pl.BlockSpec((_RB, _W), lambda i: (i, 0)),
        pl.BlockSpec((_NW, _RB), lambda i: (0, i)),
        pl.BlockSpec((1, _RB, 1), lambda i: (i, 0, 0)),
        pl.BlockSpec((1, _H), lambda i: (0, 0)),
        pl.BlockSpec((1, _H), lambda i: (0, 0)),
        pl.BlockSpec((1, 2), lambda i: (0, 0)),
        pl.BlockSpec((1, 1), lambda i: (0, 0)),
        pl.BlockSpec((_H, 10), lambda i: (0, 0)),
        pl.BlockSpec((1, 10), lambda i: (0, 0)),
        pl.BlockSpec((1, 1), lambda i: (0, 0)),
    ],
    out_specs=pl.BlockSpec((_B, 10), lambda i: (0, 0)),
    out_shape=jax.ShapeDtypeStruct((_B, 10), jnp.float32),
    scratch_shapes=[
        pltpu.VMEM((_B, _H), jnp.float32),
        pltpu.VMEM((_B, _H), jnp.float32),
        pltpu.VMEM((_B, _B), jnp.float32),
    ],
)


def kernel(amp, ph, pos_embed, W1_amp, b1_amp, W1_ph, b1_ph, conv1d_w,
           conv1d_b, lin_W, lin_b, edge_index, batch, batch_size):
  bs = amp.shape[0]
  amp_r = amp.reshape(_N, _H)
  ph_r = ph.reshape(_N, _H)
  pos_r = pos_embed.reshape(_N, _H)
  zeros_fill = jnp.zeros((_ZCH, _W), jnp.float32)

  deg_kernel, sweep_kernel = _sc_kernels()
  deg32 = deg_kernel(edge_index)
  y = _pre_kernel(amp_r, ph_r, pos_r, deg32, W1_amp.T, W1_ph.T)
  acc = sweep_kernel(edge_index, y, zeros_fill)

  batch3 = batch.reshape(_G, _RB, 1)
  scale = (jnp.float32(batch_size) / bs).reshape(1, 1)
  return _post_kernel(
      acc, y, deg32, batch3,
      b1_amp.reshape(1, _H), b1_ph.reshape(1, _H),
      conv1d_w.reshape(1, 2), conv1d_b.reshape(1, 1),
      lin_W.T, lin_b.reshape(1, 10), scale)

# --- scband reference (transcript-rebuilt; emitter-appended) ---
"""Pipeline reference for scband-gnn-78589311582920 (READ-ONLY COPY).

The authoritative reference and input builder live on the scoring server;
editing this copy changes nothing except your own understanding.
"""

import jax, jax.numpy as jnp
import numpy as np

B = 128
NPG = 336  # 21 * iso_amount(16) nodes per graph
N = B * NPG  # 43008
H = 64
E = N * 16  # 688128
NUM_CLASSES = 10


def setup_inputs(seed: int = 0) -> dict:
    key = jax.random.key(seed)
    ks = jax.random.split(key, 12)
    amp = jax.random.normal(ks[0], (B, NPG, H), dtype=jnp.float32)
    ph = jax.random.normal(ks[1], (B, NPG, H), dtype=jnp.float32)
    edge_index = jax.random.randint(ks[2], (2, E), 0, N, dtype=jnp.int32)
    batch = jnp.sort(jax.random.randint(ks[3], (N,), 0, B, dtype=jnp.int32))
    # learned params (emb_type='none', is_pos_embed='only_param', depth=1)
    pos_embed = jnp.zeros((B, NPG, H), dtype=jnp.float32)  # nn.Parameter zeros init
    W1_amp = jax.random.normal(ks[4], (H, H), dtype=jnp.float32) * 0.05
    b1_amp = jnp.zeros((H,), dtype=jnp.float32)
    W1_ph = jax.random.normal(ks[5], (H, H), dtype=jnp.float32) * 0.05
    b1_ph = jnp.zeros((H,), dtype=jnp.float32)
    conv1d_w = jax.random.normal(ks[6], (1, 2, 1), dtype=jnp.float32) * 0.5
    conv1d_b = jax.random.normal(ks[7], (1,), dtype=jnp.float32) * 0.1
    lin_W = jax.random.normal(ks[8], (NUM_CLASSES, H), dtype=jnp.float32) * 0.05
    lin_b = jnp.zeros((NUM_CLASSES,), dtype=jnp.float32)
    return {"amp": amp, "ph": ph, "pos_embed": pos_embed, "W1_amp": W1_amp,
            "b1_amp": b1_amp, "W1_ph": W1_ph, "b1_ph": b1_ph,
            "conv1d_w": conv1d_w, "conv1d_b": conv1d_b, "lin_W": lin_W,
            "lin_b": lin_b, "edge_index": edge_index, "batch": batch,
            "batch_size": B}


def gcn_conv(x, edge_index, W, b):
    # torch_geometric GCNConv: add self-loops, symmetric gcn_norm, x@W.T, scatter-add at dst, +bias
    n = x.shape[0]
    loop = jnp.arange(n, dtype=edge_index.dtype)
    row = jnp.concatenate([edge_index[0], loop])
    col = jnp.concatenate([edge_index[1], loop])
    deg = jnp.zeros((n,), dtype=x.dtype).at[col].add(1.0)
    dis = jnp.where(deg > 0, jax.lax.rsqrt(deg), 0.0)
    norm = dis[row] * dis[col]
    xw = x @ W.T
    out = jnp.zeros_like(xw).at[col].add(norm[:, None] * xw[row])
    return out + b


def global_mean_pool(x, batch, num_graphs):
    s = jax.ops.segment_sum(x, batch, num_segments=num_graphs)
    cnt = jax.ops.segment_sum(jnp.ones((x.shape[0],), x.dtype), batch, num_segments=num_graphs)
    return s / jnp.maximum(cnt, 1.0)[:, None]


def reference(amp, ph, pos_embed, W1_amp, b1_amp, W1_ph, b1_ph, conv1d_w,
              conv1d_b, lin_W, lin_b, edge_index, batch, batch_size):
    # emb_type='none' -> raw inputs; is_pos_embed='only_param' -> add learned pos_embed
    bs = amp.shape[0]
    a = amp + pos_embed
    p = ph + pos_embed
    a = a.reshape(bs * NPG, -1)
    p = p.reshape(bs * NPG, -1)
    a = jax.nn.relu(gcn_conv(a, edge_index, W1_amp, b1_amp))
    p = jax.nn.relu(gcn_conv(p, edge_index, W1_ph, b1_ph))
    a = global_mean_pool(a, batch, bs)
    p = global_mean_pool(p, batch, bs)
    # conv1d(in=2,out=1,k=1) over channel dim, then squeeze
    x = a * conv1d_w[0, 0, 0] + p * conv1d_w[0, 1, 0] + conv1d_b[0]
    # dropout p=0.1 in eval mode -> identity
    x = x @ lin_W.T + lin_b
    x = x * (batch_size / bs)
    return jax.nn.softmax(x, axis=1)

if __name__ == "__main__":
    import jax
    _d = setup_inputs()
    print(jax.jit(kernel)(*tuple(_d.values())))

</pallas_src>

<mosaic_0001>
#map = affine_map<(d0, d1) -> (0, 0)>
module attributes {stable_mosaic.version = 14 : i64} {
  func.func @_sweep_body(%arg0: i32, %arg1: i32, %arg2: memref<2x688128xi32, #tpu.memory_space<hbm>>, %arg3: memref<43008x128xf32, #tpu.memory_space<hbm>>, %arg4: memref<113x128xf32, #tpu.memory_space<hbm>>, %arg5: memref<43008x128xf32, #tpu.memory_space<hbm>>, %arg6: memref<2688xi32, #tpu.memory_space<vmem>>, %arg7: memref<2688xi32, #tpu.memory_space<vmem>>, %arg8: memref<2816xi32, #tpu.memory_space<vmem>>, %arg9: memref<2816xi32, #tpu.memory_space<vmem>>, %arg10: memref<2x128xi32, #tpu.memory_space<vmem>>, %arg11: memref<2x128x128xf32, #tpu.memory_space<vmem>>, %arg12: memref<10848x128xf32, #tpu.memory_space<vmem_shared>>, %arg13: memref<!tpu.dma_semaphore, #tpu.memory_space<semaphore_mem>>, %arg14: memref<!tpu.dma_semaphore, #tpu.memory_space<semaphore_mem>>, %arg15: memref<!tpu.dma_semaphore, #tpu.memory_space<semaphore_mem>>, %arg16: memref<!tpu.dma_semaphore, #tpu.memory_space<semaphore_mem>>) attributes {dimension_semantics = [#tpu.dimension_semantics<core_parallel>, #tpu.dimension_semantics<subcore_parallel>], iteration_bounds = array<i64: 2, 16>, scalar_prefetch = 0 : i64, scratch_operands = 11 : i64, tpu.core_type = #tpu.core_type<sc_vector_subcore>, window_params = [{transform_indices = #map}, {transform_indices = #map}, {transform_indices = #map}, {transform_indices = #map}]} {
    %iota3A = tpu.iota {dimensions = array<i32: 0>} : vector<16xi32>
    %mul3A = arith.constant 336 : i32
    %mul3A_0 = arith.muli %arg1, %mul3A : i32
    %mul3A_1 = arith.constant 128 : i32
    %mul3A_2 = arith.muli %mul3A_0, %mul3A_1 : i32
    %mul3A_3 = arith.constant 2 : i32
    %mul3A_4 = arith.muli %arg0, %mul3A_3 : i32
    %add3A = arith.constant 0 : i32
    %add3A_5 = arith.addi %mul3A_4, %add3A : i32
    %mul3A_6 = arith.constant 10752 : i32
    %mul3A_7 = arith.muli %add3A_5, %mul3A_6 : i32
    %mul3A_8 = arith.constant 678 : i32
    %mul3A_9 = arith.muli %arg1, %mul3A_8 : i32
    %add3A_10 = arith.constant 0 : i32
    %add3A_11 = arith.addi %mul3A_9, %add3A_10 : i32
    "tpu.region"() ({
      %run_scoped3A = tpu.sem_alloc : memref<!tpu.dma_semaphore, #tpu.memory_space<semaphore_mem>>
      %dma_start3A_105 = arith.constant 0 : i32
      %dma_start3A_106 = tpu.memref_slice %arg12[%add3A_11, %dma_start3A_105] : memref<10848x128xf32, #tpu.memory_space<vmem_shared>> -> memref<113x128xf32, #tpu.memory_space<vmem_shared>>
      tpu.enqueue_dma source(%arg4 : memref<113x128xf32, #tpu.memory_space<hbm>>) target(%dma_start3A_106 : memref<113x128xf32, #tpu.memory_space<vmem_shared>>) target_semaphore(%run_scoped3A : memref<!tpu.dma_semaphore, #tpu.memory_space<semaphore_mem>>)
      %dma_wait3A = arith.constant 0 : i32
      %dma_wait3A_107 = tpu.memref_slice %arg12[%add3A_11, %dma_wait3A] : memref<10848x128xf32, #tpu.memory_space<vmem_shared>> -> memref<113x128xf32, #tpu.memory_space<vmem_shared>>
      tpu.wait_dma2 semaphore(%run_scoped3A : memref<!tpu.dma_semaphore, #tpu.memory_space<semaphore_mem>>) src(%arg4 : memref<113x128xf32, #tpu.memory_space<hbm>>) dst(%dma_wait3A_107 : memref<113x128xf32, #tpu.memory_space<vmem_shared>>)
      tpu.yield
    }) : () -> ()
    %mul3A_12 = arith.constant 678 : i32
    %mul3A_13 = arith.muli %arg1, %mul3A_12 : i32
    %add3A_14 = arith.constant 113 : i32
    %add3A_15 = arith.addi %mul3A_13, %add3A_14 : i32
    "tpu.region"() ({
      %run_scoped3A = tpu.sem_alloc : memref<!tpu.dma_semaphore, #tpu.memory_space<semaphore_mem>>
      %dma_start3A_105 = arith.constant 0 : i32
      %dma_start3A_106 = tpu.memref_slice %arg12[%add3A_15, %dma_start3A_105] : memref<10848x128xf32, #tpu.memory_space<vmem_shared>> -> memref<113x128xf32, #tpu.memory_space<vmem_shared>>
      tpu.enqueue_dma source(%arg4 : memref<113x128xf32, #tpu.memory_space<hbm>>) target(%dma_start3A_106 : memref<113x128xf32, #tpu.memory_space<vmem_shared>>) target_semaphore(%run_scoped3A : memref<!tpu.dma_semaphore, #tpu.memory_space<semaphore_mem>>)
      %dma_wait3A = arith.constant 0 : i32
      %dma_wait3A_107 = tpu.memref_slice %arg12[%add3A_15, %dma_wait3A] : memref<10848x128xf32, #tpu.memory_space<vmem_shared>> -> memref<113x128xf32, #tpu.memory_space<vmem_shared>>
      tpu.wait_dma2 semaphore(%run_scoped3A : memref<!tpu.dma_semaphore, #tpu.memory_space<semaphore_mem>>) src(%arg4 : memref<113x128xf32, #tpu.memory_space<hbm>>) dst(%dma_wait3A_107 : memref<113x128xf32, #tpu.memory_space<vmem_shared>>)
      tpu.yield
    }) : () -> ()
    %mul3A_16 = arith.constant 678 : i32
    %mul3A_17 = arith.muli %arg1, %mul3A_16 : i32
    %add3A_18 = arith.constant 226 : i32
    %add3A_19 = arith.addi %mul3A_17, %add3A_18 : i32
    "tpu.region"() ({
      %run_scoped3A = tpu.sem_alloc : memref<!tpu.dma_semaphore, #tpu.memory_space<semaphore_mem>>
      %dma_start3A_105 = arith.constant 0 : i32
      %dma_start3A_106 = tpu.memref_slice %arg12[%add3A_19, %dma_start3A_105] : memref<10848x128xf32, #tpu.memory_space<vmem_shared>> -> memref<113x128xf32, #tpu.memory_space<vmem_shared>>
      tpu.enqueue_dma source(%arg4 : memref<113x128xf32, #tpu.memory_space<hbm>>) target(%dma_start3A_106 : memref<113x128xf32, #tpu.memory_space<vmem_shared>>) target_semaphore(%run_scoped3A : memref<!tpu.dma_semaphore, #tpu.memory_space<semaphore_mem>>)
      %dma_wait3A = arith.constant 0 : i32
      %dma_wait3A_107 = tpu.memref_slice %arg12[%add3A_19, %dma_wait3A] : memref<10848x128xf32, #tpu.memory_space<vmem_shared>> -> memref<113x128xf32, #tpu.memory_space<vmem_shared>>
      tpu.wait_dma2 semaphore(%run_scoped3A : memref<!tpu.dma_semaphore, #tpu.memory_space<semaphore_mem>>) src(%arg4 : memref<113x128xf32, #tpu.memory_space<hbm>>) dst(%dma_wait3A_107 : memref<113x128xf32, #tpu.memory_space<vmem_shared>>)
      tpu.yield
    }) : () -> ()
    %mul3A_20 = arith.constant 678 : i32
    %mul3A_21 = arith.muli %arg1, %mul3A_20 : i32
    %add3A_22 = arith.constant 339 : i32
    %add3A_23 = arith.addi %mul3A_21, %add3A_22 : i32
    "tpu.region"() ({
      %run_scoped3A = tpu.sem_alloc : memref<!tpu.dma_semaphore, #tpu.memory_space<semaphore_mem>>
      %dma_start3A_105 = arith.constant 0 : i32
      %dma_start3A_106 = tpu.memref_slice %arg12[%add3A_23, %dma_start3A_105] : memref<10848x128xf32, #tpu.memory_space<vmem_shared>> -> memref<113x128xf32, #tpu.memory_space<vmem_shared>>
      tpu.enqueue_dma source(%arg4 : memref<113x128xf32, #tpu.memory_space<hbm>>) target(%dma_start3A_106 : memref<113x128xf32, #tpu.memory_space<vmem_shared>>) target_semaphore(%run_scoped3A : memref<!tpu.dma_semaphore, #tpu.memory_space<semaphore_mem>>)
      %dma_wait3A = arith.constant 0 : i32
      %dma_wait3A_107 = tpu.memref_slice %arg12[%add3A_23, %dma_wait3A] : memref<10848x128xf32, #tpu.memory_space<vmem_shared>> -> memref<113x128xf32, #tpu.memory_space<vmem_shared>>
      tpu.wait_dma2 semaphore(%run_scoped3A : memref<!tpu.dma_semaphore, #tpu.memory_space<semaphore_mem>>) src(%arg4 : memref<113x128xf32, #tpu.memory_space<hbm>>) dst(%dma_wait3A_107 : memref<113x128xf32, #tpu.memory_space<vmem_shared>>)
      tpu.yield
    }) : () -> ()
    %mul3A_24 = arith.constant 678 : i32
    %mul3A_25 = arith.muli %arg1, %mul3A_24 : i32
    %add3A_26 = arith.constant 452 : i32
    %add3A_27 = arith.addi %mul3A_25, %add3A_26 : i32
    "tpu.region"() ({
      %run_scoped3A = tpu.sem_alloc : memref<!tpu.dma_semaphore, #tpu.memory_space<semaphore_mem>>
      %dma_start3A_105 = arith.constant 0 : i32
      %dma_start3A_106 = tpu.memref_slice %arg12[%add3A_27, %dma_start3A_105] : memref<10848x128xf32, #tpu.memory_space<vmem_shared>> -> memref<113x128xf32, #tpu.memory_space<vmem_shared>>
      tpu.enqueue_dma source(%arg4 : memref<113x128xf32, #tpu.memory_space<hbm>>) target(%dma_start3A_106 : memref<113x128xf32, #tpu.memory_space<vmem_shared>>) target_semaphore(%run_scoped3A : memref<!tpu.dma_semaphore, #tpu.memory_space<semaphore_mem>>)
      %dma_wait3A = arith.constant 0 : i32
      %dma_wait3A_107 = tpu.memref_slice %arg12[%add3A_27, %dma_wait3A] : memref<10848x128xf32, #tpu.memory_space<vmem_shared>> -> memref<113x128xf32, #tpu.memory_space<vmem_shared>>
      tpu.wait_dma2 semaphore(%run_scoped3A : memref<!tpu.dma_semaphore, #tpu.memory_space<semaphore_mem>>) src(%arg4 : memref<113x128xf32, #tpu.memory_space<hbm>>) dst(%dma_wait3A_107 : memref<113x128xf32, #tpu.memory_space<vmem_shared>>)
      tpu.yield
    }) : () -> ()
    %mul3A_28 = arith.constant 678 : i32
    %mul3A_29 = arith.muli %arg1, %mul3A_28 : i32
    %add3A_30 = arith.constant 565 : i32
    %add3A_31 = arith.addi %mul3A_29, %add3A_30 : i32
    "tpu.region"() ({
      %run_scoped3A = tpu.sem_alloc : memref<!tpu.dma_semaphore, #tpu.memory_space<semaphore_mem>>
      %dma_start3A_105 = arith.constant 0 : i32
      %dma_start3A_106 = tpu.memref_slice %arg12[%add3A_31, %dma_start3A_105] : memref<10848x128xf32, #tpu.memory_space<vmem_shared>> -> memref<113x128xf32, #tpu.memory_space<vmem_shared>>
      tpu.enqueue_dma source(%arg4 : memref<113x128xf32, #tpu.memory_space<hbm>>) target(%dma_start3A_106 : memref<113x128xf32, #tpu.memory_space<vmem_shared>>) target_semaphore(%run_scoped3A : memref<!tpu.dma_semaphore, #tpu.memory_space<semaphore_mem>>)
      %dma_wait3A = arith.constant 0 : i32
      %dma_wait3A_107 = tpu.memref_slice %arg12[%add3A_31, %dma_wait3A] : memref<10848x128xf32, #tpu.memory_space<vmem_shared>> -> memref<113x128xf32, #tpu.memory_space<vmem_shared>>
      tpu.wait_dma2 semaphore(%run_scoped3A : memref<!tpu.dma_semaphore, #tpu.memory_space<semaphore_mem>>) src(%arg4 : memref<113x128xf32, #tpu.memory_space<hbm>>) dst(%dma_wait3A_107 : memref<113x128xf32, #tpu.memory_space<vmem_shared>>)
      tpu.yield
    }) : () -> ()
    %dma_start3A = arith.constant 0 : i32
    %dma_start3A_32 = tpu.memref_slice %arg2[%dma_start3A, %mul3A_2] : memref<2x688128xi32, #tpu.memory_space<hbm>> -> memref<1x2688xi32, #tpu.memory_space<hbm>>
    %dma_start3A_33 = tpu.memref_squeeze %dma_start3A_32 : memref<1x2688xi32, #tpu.memory_space<hbm>> -> memref<2688xi32, #tpu.memory_space<hbm>>
    %dma_start3A_34 = tpu.memref_slice %arg2[%dma_start3A, %mul3A_2] : memref<2x688128xi32, #tpu.memory_space<hbm>> -> memref<1x2688xi32, #tpu.memory_space<hbm>>
    %dma_start3A_35 = tpu.memref_squeeze %dma_start3A_34 : memref<1x2688xi32, #tpu.memory_space<hbm>> -> memref<2688xi32, #tpu.memory_space<hbm>>
    tpu.enqueue_dma source(%dma_start3A_35 : memref<2688xi32, #tpu.memory_space<hbm>>) target(%arg6 : memref<2688xi32, #tpu.memory_space<vmem>>) target_semaphore(%arg14 : memref<!tpu.dma_semaphore, #tpu.memory_space<semaphore_mem>>)
    %dma_start3A_36 = arith.constant 1 : i32
    %dma_start3A_37 = tpu.memref_slice %arg2[%dma_start3A_36, %mul3A_2] : memref<2x688128xi32, #tpu.memory_space<hbm>> -> memref<1x2688xi32, #tpu.memory_space<hbm>>
    %dma_start3A_38 = tpu.memref_squeeze %dma_start3A_37 : memref<1x2688xi32, #tpu.memory_space<hbm>> -> memref<2688xi32, #tpu.memory_space<hbm>>
    %dma_start3A_39 = tpu.memref_slice %arg2[%dma_start3A_36, %mul3A_2] : memref<2x688128xi32, #tpu.memory_space<hbm>> -> memref<1x2688xi32, #tpu.memory_space<hbm>>
    %dma_start3A_40 = tpu.memref_squeeze %dma_start3A_39 : memref<1x2688xi32, #tpu.memory_space<hbm>> -> memref<2688xi32, #tpu.memory_space<hbm>>
    tpu.enqueue_dma source(%dma_start3A_40 : memref<2688xi32, #tpu.memory_space<hbm>>) target(%arg7 : memref<2688xi32, #tpu.memory_space<vmem>>) target_semaphore(%arg14 : memref<!tpu.dma_semaphore, #tpu.memory_space<semaphore_mem>>)
    %barrier3A = arith.constant 0 : index
    tpu.barrier barrier_id(%barrier3A)
    %scan3A = arith.constant 0 : i32
    %scan3A_41 = arith.constant 16 : i32
    %scan3A_42 = arith.addi %scan3A, %scan3A_41 : i32
    %scan3A_43 = arith.constant 1 : i32
    scf.for %scan3A_105 = %scan3A to %scan3A_42 step %scan3A_43  : i32 {
      %mul3A_106 = arith.constant 1 : i32
      %mul3A_107 = arith.muli %scan3A_105, %mul3A_106 : i32
      %add3A_108 = arith.constant 0 : i32
      %add3A_109 = arith.addi %add3A_108, %mul3A_107 : i32
      %dma_wait3A = arith.constant 0 : i32
      %dma_wait3A_110 = arith.constant 0 : i32
      %dma_wait3A_111 = tpu.memref_slice %arg2[%dma_wait3A, %dma_wait3A_110] : memref<2x688128xi32, #tpu.memory_space<hbm>> -> memref<1x2688xi32, #tpu.memory_space<hbm>>
      %dma_wait3A_112 = tpu.memref_squeeze %dma_wait3A_111 : memref<1x2688xi32, #tpu.memory_space<hbm>> -> memref<2688xi32, #tpu.memory_space<hbm>>
      %dma_wait3A_113 = arith.constant 0 : i32
      %dma_wait3A_114 = tpu.memref_slice %arg2[%dma_wait3A, %dma_wait3A_113] : memref<2x688128xi32, #tpu.memory_space<hbm>> -> memref<1x2688xi32, #tpu.memory_space<hbm>>
      %dma_wait3A_115 = tpu.memref_squeeze %dma_wait3A_114 : memref<1x2688xi32, #tpu.memory_space<hbm>> -> memref<2688xi32, #tpu.memory_space<hbm>>
      tpu.wait_dma2 semaphore(%arg14 : memref<!tpu.dma_semaphore, #tpu.memory_space<semaphore_mem>>) src(%dma_wait3A_115 : memref<2688xi32, #tpu.memory_space<hbm>>) dst(%arg6 : memref<2688xi32, #tpu.memory_space<vmem>>)
      %dma_wait3A_116 = arith.constant 1 : i32
      %dma_wait3A_117 = arith.constant 0 : i32
      %dma_wait3A_118 = tpu.memref_slice %arg2[%dma_wait3A_116, %dma_wait3A_117] : memref<2x688128xi32, #tpu.memory_space<hbm>> -> memref<1x2688xi32, #tpu.memory_space<hbm>>
      %dma_wait3A_119 = tpu.memref_squeeze %dma_wait3A_118 : memref<1x2688xi32, #tpu.memory_space<hbm>> -> memref<2688xi32, #tpu.memory_space<hbm>>
      %dma_wait3A_120 = arith.constant 0 : i32
      %dma_wait3A_121 = tpu.memref_slice %arg2[%dma_wait3A_116, %dma_wait3A_120] : memref<2x688128xi32, #tpu.memory_space<hbm>> -> memref<1x2688xi32, #tpu.memory_space<hbm>>
      %dma_wait3A_122 = tpu.memref_squeeze %dma_wait3A_121 : memref<1x2688xi32, #tpu.memory_space<hbm>> -> memref<2688xi32, #tpu.memory_space<hbm>>
      tpu.wait_dma2 semaphore(%arg14 : memref<!tpu.dma_semaphore, #tpu.memory_space<semaphore_mem>>) src(%dma_wait3A_122 : memref<2688xi32, #tpu.memory_space<hbm>>) dst(%arg7 : memref<2688xi32, #tpu.memory_space<vmem>>)
      %scan3A_123 = arith.constant 0 : i32
      %scan3A_124 = arith.constant 0 : i32
      %scan3A_125 = arith.constant 21 : i32
      %scan3A_126 = arith.addi %scan3A_124, %scan3A_125 : i32
      %scan3A_127 = arith.constant 1 : i32
      %scan3A_128 = scf.for %scan3A_281 = %scan3A_124 to %scan3A_126 step %scan3A_127 iter_args(%scan3A_282 = %scan3A_123) -> (i32)  : i32 {
        %mul3A_283 = arith.constant 1 : i32
        %mul3A_284 = arith.muli %scan3A_281, %mul3A_283 : i32
        %add3A_285 = arith.constant 0 : i32
        %add3A_286 = arith.addi %add3A_285, %mul3A_284 : i32
        %mul3A_287 = arith.constant 128 : i32
        %mul3A_288 = arith.muli %add3A_286, %mul3A_287 : i32
        %add3A_289 = arith.constant 0 : i32
        %add3A_290 = arith.addi %mul3A_288, %add3A_289 : i32
        %get3A = arith.index_cast %add3A_290 : i32 to index
        %get3A_291 = tpu.vector_load %arg7[%get3A] {strides = array<i32>} : memref<2688xi32, #tpu.memory_space<vmem>>, vector<16xi32>,
        %mul3A_292 = arith.constant 128 : i32
        %mul3A_293 = arith.muli %add3A_286, %mul3A_292 : i32
        %add3A_294 = arith.constant 0 : i32
        %add3A_295 = arith.addi %mul3A_293, %add3A_294 : i32
        %get3A_296 = arith.index_cast %add3A_295 : i32 to index
        %get3A_297 = tpu.vector_load %arg6[%get3A_296] {strides = array<i32>} : memref<2688xi32, #tpu.memory_space<vmem>>, vector<16xi32>,
        %ge3A = vector.broadcast %mul3A_7 : i32 to vector<16xi32>
        %ge3A_298 = arith.cmpi sge, %get3A_291, %ge3A : vector<16xi32>
        %add3A_299 = arith.constant 10752 : i32
        %add3A_300 = arith.addi %mul3A_7, %add3A_299 : i32
        %lt3A_301 = vector.broadcast %add3A_300 : i32 to vector<16xi32>
        %lt3A_302 = arith.cmpi slt, %get3A_291, %lt3A_301 : vector<16xi32>
        %and3A_303 = arith.andi %ge3A_298, %lt3A_302 : vector<16xi1>
        %convert_element_type3A_304 = arith.extui %and3A_303 : vector<16xi1> to vector<16xi32>
        %broadcast_in_dim3A = arith.constant true
        %broadcast_in_dim3A_305 = vector.broadcast %broadcast_in_dim3A : i1 to vector<16xi1>
        %masked_cumsum3A = tpu.scan <sum>, %convert_element_type3A_304 masked %broadcast_in_dim3A_305 : vector<16xi32>, vector<16xi1> -> vector<16xi32>
        %mul3A_306 = arith.constant 128 : i32
        %mul3A_307 = arith.muli %add3A_286, %mul3A_306 : i32
        %add3A_308 = arith.constant 16 : i32
        %add3A_309 = arith.addi %mul3A_307, %add3A_308 : i32
        %get3A_310 = arith.index_cast %add3A_309 : i32 to index
        %get3A_311 = tpu.vector_load %arg7[%get3A_310] {strides = array<i32>} : memref<2688xi32, #tpu.memory_space<vmem>>, vector<16xi32>,
        %mul3A_312 = arith.constant 128 : i32
        %mul3A_313 = arith.muli %add3A_286, %mul3A_312 : i32
        %add3A_314 = arith.constant 16 : i32
        %add3A_315 = arith.addi %mul3A_313, %add3A_314 : i32
        %get3A_316 = arith.index_cast %add3A_315 : i32 to index
        %get3A_317 = tpu.vector_load %arg6[%get3A_316] {strides = array<i32>} : memref<2688xi32, #tpu.memory_space<vmem>>, vector<16xi32>,
        %ge3A_318 = vector.broadcast %mul3A_7 : i32 to vector<16xi32>
        %ge3A_319 = arith.cmpi sge, %get3A_311, %ge3A_318 : vector<16xi32>
        %add3A_320 = arith.constant 10752 : i32
        %add3A_321 = arith.addi %mul3A_7, %add3A_320 : i32
        %lt3A_322 = vector.broadcast %add3A_321 : i32 to vector<16xi32>
        %lt3A_323 = arith.cmpi slt, %get3A_311, %lt3A_322 : vector<16xi32>
        %and3A_324 = arith.andi %ge3A_319, %lt3A_323 : vector<16xi1>
        %convert_element_type3A_325 = arith.extui %and3A_324 : vector<16xi1> to vector<16xi32>
        %broadcast_in_dim3A_326 = arith.constant true
        %broadcast_in_dim3A_327 = vector.broadcast %broadcast_in_dim3A_326 : i1 to vector<16xi1>
        %masked_cumsum3A_328 = tpu.scan <sum>, %convert_element_type3A_325 masked %broadcast_in_dim3A_327 : vector<16xi32>, vector<16xi1> -> vector<16xi32>
        %mul3A_329 = arith.constant 128 : i32
        %mul3A_330 = arith.muli %add3A_286, %mul3A_329 : i32
        %add3A_331 = arith.constant 32 : i32
        %add3A_332 = arith.addi %mul3A_330, %add3A_331 : i32
        %get3A_333 = arith.index_cast %add3A_332 : i32 to index
        %get3A_334 = tpu.vector_load %arg7[%get3A_333] {strides = array<i32>} : memref<2688xi32, #tpu.memory_space<vmem>>, vector<16xi32>,
        %mul3A_335 = arith.constant 128 : i32
        %mul3A_336 = arith.muli %add3A_286, %mul3A_335 : i32
        %add3A_337 = arith.constant 32 : i32
        %add3A_338 = arith.addi %mul3A_336, %add3A_337 : i32
        %get3A_339 = arith.index_cast %add3A_338 : i32 to index
        %get3A_340 = tpu.vector_load %arg6[%get3A_339] {strides = array<i32>} : memref<2688xi32, #tpu.memory_space<vmem>>, vector<16xi32>,
        %ge3A_341 = vector.broadcast %mul3A_7 : i32 to vector<16xi32>
        %ge3A_342 = arith.cmpi sge, %get3A_334, %ge3A_341 : vector<16xi32>
        %add3A_343 = arith.constant 10752 : i32
        %add3A_344 = arith.addi %mul3A_7, %add3A_343 : i32
        %lt3A_345 = vector.broadcast %add3A_344 : i32 to vector<16xi32>
        %lt3A_346 = arith.cmpi slt, %get3A_334, %lt3A_345 : vector<16xi32>
        %and3A_347 = arith.andi %ge3A_342, %lt3A_346 : vector<16xi1>
        %convert_element_type3A_348 = arith.extui %and3A_347 : vector<16xi1> to vector<16xi32>
        %broadcast_in_dim3A_349 = arith.constant true
        %broadcast_in_dim3A_350 = vector.broadcast %broadcast_in_dim3A_349 : i1 to vector<16xi1>
        %masked_cumsum3A_351 = tpu.scan <sum>, %convert_element_type3A_348 masked %broadcast_in_dim3A_350 : vector<16xi32>, vector<16xi1> -> vector<16xi32>
        %mul3A_352 = arith.constant 128 : i32
        %mul3A_353 = arith.muli %add3A_286, %mul3A_352 : i32
        %add3A_354 = arith.constant 48 : i32
        %add3A_355 = arith.addi %mul3A_353, %add3A_354 : i32
        %get3A_356 = arith.index_cast %add3A_355 : i32 to index
        %get3A_357 = tpu.vector_load %arg7[%get3A_356] {strides = array<i32>} : memref<2688xi32, #tpu.memory_space<vmem>>, vector<16xi32>,
        %mul3A_358 = arith.constant 128 : i32
        %mul3A_359 = arith.muli %add3A_286, %mul3A_358 : i32
        %add3A_360 = arith.constant 48 : i32
        %add3A_361 = arith.addi %mul3A_359, %add3A_360 : i32
        %get3A_362 = arith.index_cast %add3A_361 : i32 to index
        %get3A_363 = tpu.vector_load %arg6[%get3A_362] {strides = array<i32>} : memref<2688xi32, #tpu.memory_space<vmem>>, vector<16xi32>,
        %ge3A_364 = vector.broadcast %mul3A_7 : i32 to vector<16xi32>
        %ge3A_365 = arith.cmpi sge, %get3A_357, %ge3A_364 : vector<16xi32>
        %add3A_366 = arith.constant 10752 : i32
        %add3A_367 = arith.addi %mul3A_7, %add3A_366 : i32
        %lt3A_368 = vector.broadcast %add3A_367 : i32 to vector<16xi32>
        %lt3A_369 = arith.cmpi slt, %get3A_357, %lt3A_368 : vector<16xi32>
        %and3A_370 = arith.andi %ge3A_365, %lt3A_369 : vector<16xi1>
        %convert_element_type3A_371 = arith.extui %and3A_370 : vector<16xi1> to vector<16xi32>
        %broadcast_in_dim3A_372 = arith.constant true
        %broadcast_in_dim3A_373 = vector.broadcast %broadcast_in_dim3A_372 : i1 to vector<16xi1>
        %masked_cumsum3A_374 = tpu.scan <sum>, %convert_element_type3A_371 masked %broadcast_in_dim3A_373 : vector<16xi32>, vector<16xi1> -> vector<16xi32>
        %mul3A_375 = arith.constant 128 : i32
        %mul3A_376 = arith.muli %add3A_286, %mul3A_375 : i32
        %add3A_377 = arith.constant 64 : i32
        %add3A_378 = arith.addi %mul3A_376, %add3A_377 : i32
        %get3A_379 = arith.index_cast %add3A_378 : i32 to index
        %get3A_380 = tpu.vector_load %arg7[%get3A_379] {strides = array<i32>} : memref<2688xi32, #tpu.memory_space<vmem>>, vector<16xi32>,
        %mul3A_381 = arith.constant 128 : i32
        %mul3A_382 = arith.muli %add3A_286, %mul3A_381 : i32
        %add3A_383 = arith.constant 64 : i32
        %add3A_384 = arith.addi %mul3A_382, %add3A_383 : i32
        %get3A_385 = arith.index_cast %add3A_384 : i32 to index
        %get3A_386 = tpu.vector_load %arg6[%get3A_385] {strides = array<i32>} : memref<2688xi32, #tpu.memory_space<vmem>>, vector<16xi32>,
        %ge3A_387 = vector.broadcast %mul3A_7 : i32 to vector<16xi32>
        %ge3A_388 = arith.cmpi sge, %get3A_380, %ge3A_387 : vector<16xi32>
        %add3A_389 = arith.constant 10752 : i32
        %add3A_390 = arith.addi %mul3A_7, %add3A_389 : i32
        %lt3A_391 = vector.broadcast %add3A_390 : i32 to vector<16xi32>
        %lt3A_392 = arith.cmpi slt, %get3A_380, %lt3A_391 : vector<16xi32>
        %and3A_393 = arith.andi %ge3A_388, %lt3A_392 : vector<16xi1>
        %convert_element_type3A_394 = arith.extui %and3A_393 : vector<16xi1> to vector<16xi32>
        %broadcast_in_dim3A_395 = arith.constant true
        %broadcast_in_dim3A_396 = vector.broadcast %broadcast_in_dim3A_395 : i1 to vector<16xi1>
        %masked_cumsum3A_397 = tpu.scan <sum>, %convert_element_type3A_394 masked %broadcast_in_dim3A_396 : vector<16xi32>, vector<16xi1> -> vector<16xi32>
        %mul3A_398 = arith.constant 128 : i32
        %mul3A_399 = arith.muli %add3A_286, %mul3A_398 : i32
        %add3A_400 = arith.constant 80 : i32
        %add3A_401 = arith.addi %mul3A_399, %add3A_400 : i32
        %get3A_402 = arith.index_cast %add3A_401 : i32 to index
        %get3A_403 = tpu.vector_load %arg7[%get3A_402] {strides = array<i32>} : memref<2688xi32, #tpu.memory_space<vmem>>, vector<16xi32>,
        %mul3A_404 = arith.constant 128 : i32
        %mul3A_405 = arith.muli %add3A_286, %mul3A_404 : i32
        %add3A_406 = arith.constant 80 : i32
        %add3A_407 = arith.addi %mul3A_405, %add3A_406 : i32
        %get3A_408 = arith.index_cast %add3A_407 : i32 to index
        %get3A_409 = tpu.vector_load %arg6[%get3A_408] {strides = array<i32>} : memref<2688xi32, #tpu.memory_space<vmem>>, vector<16xi32>,
        %ge3A_410 = vector.broadcast %mul3A_7 : i32 to vector<16xi32>
        %ge3A_411 = arith.cmpi sge, %get3A_403, %ge3A_410 : vector<16xi32>
        %add3A_412 = arith.constant 10752 : i32
        %add3A_413 = arith.addi %mul3A_7, %add3A_412 : i32
        %lt3A_414 = vector.broadcast %add3A_413 : i32 to vector<16xi32>
        %lt3A_415 = arith.cmpi slt, %get3A_403, %lt3A_414 : vector<16xi32>
        %and3A_416 = arith.andi %ge3A_411, %lt3A_415 : vector<16xi1>
        %convert_element_type3A_417 = arith.extui %and3A_416 : vector<16xi1> to vector<16xi32>
        %broadcast_in_dim3A_418 = arith.constant true
        %broadcast_in_dim3A_419 = vector.broadcast %broadcast_in_dim3A_418 : i1 to vector<16xi1>
        %masked_cumsum3A_420 = tpu.scan <sum>, %convert_element_type3A_417 masked %broadcast_in_dim3A_419 : vector<16xi32>, vector<16xi1> -> vector<16xi32>
        %mul3A_421 = arith.constant 128 : i32
        %mul3A_422 = arith.muli %add3A_286, %mul3A_421 : i32
        %add3A_423 = arith.constant 96 : i32
        %add3A_424 = arith.addi %mul3A_422, %add3A_423 : i32
        %get3A_425 = arith.index_cast %add3A_424 : i32 to index
        %get3A_426 = tpu.vector_load %arg7[%get3A_425] {strides = array<i32>} : memref<2688xi32, #tpu.memory_space<vmem>>, vector<16xi32>,
        %mul3A_427 = arith.constant 128 : i32
        %mul3A_428 = arith.muli %add3A_286, %mul3A_427 : i32
        %add3A_429 = arith.constant 96 : i32
        %add3A_430 = arith.addi %mul3A_428, %add3A_429 : i32
        %get3A_431 = arith.index_cast %add3A_430 : i32 to index
        %get3A_432 = tpu.vector_load %arg6[%get3A_431] {strides = array<i32>} : memref<2688xi32, #tpu.memory_space<vmem>>, vector<16xi32>,
        %ge3A_433 = vector.broadcast %mul3A_7 : i32 to vector<16xi32>
        %ge3A_434 = arith.cmpi sge, %get3A_426, %ge3A_433 : vector<16xi32>
        %add3A_435 = arith.constant 10752 : i32
        %add3A_436 = arith.addi %mul3A_7, %add3A_435 : i32
        %lt3A_437 = vector.broadcast %add3A_436 : i32 to vector<16xi32>
        %lt3A_438 = arith.cmpi slt, %get3A_426, %lt3A_437 : vector<16xi32>
        %and3A_439 = arith.andi %ge3A_434, %lt3A_438 : vector<16xi1>
        %convert_element_type3A_440 = arith.extui %and3A_439 : vector<16xi1> to vector<16xi32>
        %broadcast_in_dim3A_441 = arith.constant true
        %broadcast_in_dim3A_442 = vector.broadcast %broadcast_in_dim3A_441 : i1 to vector<16xi1>
        %masked_cumsum3A_443 = tpu.scan <sum>, %convert_element_type3A_440 masked %broadcast_in_dim3A_442 : vector<16xi32>, vector<16xi1> -> vector<16xi32>
        %mul3A_444 = arith.constant 128 : i32
        %mul3A_445 = arith.muli %add3A_286, %mul3A_444 : i32
        %add3A_446 = arith.constant 112 : i32
        %add3A_447 = arith.addi %mul3A_445, %add3A_446 : i32
        %get3A_448 = arith.index_cast %add3A_447 : i32 to index
        %get3A_449 = tpu.vector_load %arg7[%get3A_448] {strides = array<i32>} : memref<2688xi32, #tpu.memory_space<vmem>>, vector<16xi32>,
        %mul3A_450 = arith.constant 128 : i32
        %mul3A_451 = arith.muli %add3A_286, %mul3A_450 : i32
        %add3A_452 = arith.constant 112 : i32
        %add3A_453 = arith.addi %mul3A_451, %add3A_452 : i32
        %get3A_454 = arith.index_cast %add3A_453 : i32 to index
        %get3A_455 = tpu.vector_load %arg6[%get3A_454] {strides = array<i32>} : memref<2688xi32, #tpu.memory_space<vmem>>, vector<16xi32>,
        %ge3A_456 = vector.broadcast %mul3A_7 : i32 to vector<16xi32>
        %ge3A_457 = arith.cmpi sge, %get3A_449, %ge3A_456 : vector<16xi32>
        %add3A_458 = arith.constant 10752 : i32
        %add3A_459 = arith.addi %mul3A_7, %add3A_458 : i32
        %lt3A_460 = vector.broadcast %add3A_459 : i32 to vector<16xi32>
        %lt3A_461 = arith.cmpi slt, %get3A_449, %lt3A_460 : vector<16xi32>
        %and3A_462 = arith.andi %ge3A_457, %lt3A_461 : vector<16xi1>
        %convert_element_type3A_463 = arith.extui %and3A_462 : vector<16xi1> to vector<16xi32>
        %broadcast_in_dim3A_464 = arith.constant true
        %broadcast_in_dim3A_465 = vector.broadcast %broadcast_in_dim3A_464 : i1 to vector<16xi1>
        %masked_cumsum3A_466 = tpu.scan <sum>, %convert_element_type3A_463 masked %broadcast_in_dim3A_465 : vector<16xi32>, vector<16xi1> -> vector<16xi32>
        %add3A_467 = vector.broadcast %scan3A_282 : i32 to vector<16xi32>
        %add3A_468 = arith.addi %add3A_467, %masked_cumsum3A : vector<16xi32>
        %sub3A_469 = arith.constant 1 : i32
        %sub3A_470 = vector.broadcast %sub3A_469 : i32 to vector<16xi32>
        %sub3A_471 = arith.subi %add3A_468, %sub3A_470 : vector<16xi32>
        %sub3A_472 = vector.broadcast %mul3A_7 : i32 to vector<16xi32>
        %sub3A_473 = arith.subi %get3A_291, %sub3A_472 : vector<16xi32>
        tpu.vector_store_idx %arg9[%sub3A_471], %sub3A_473 masked %and3A_303 : memref<2816xi32, #tpu.memory_space<vmem>>[vector<16xi32>], vector<16xi32>, vector<16xi1>
        tpu.vector_store_idx %arg8[%sub3A_471], %get3A_297 masked %and3A_303 : memref<2816xi32, #tpu.memory_space<vmem>>[vector<16xi32>], vector<16xi32>, vector<16xi1>
        %slice3A = vector.extract_strided_slice %masked_cumsum3A {offsets = [15], sizes = [1], strides = [1]} : vector<16xi32> to vector<1xi32>
        %squeeze3A = vector.extract %slice3A[0] : i32 from vector<1xi32>
        %add3A_474 = arith.addi %scan3A_282, %squeeze3A : i32
        %add3A_475 = vector.broadcast %add3A_474 : i32 to vector<16xi32>
        %add3A_476 = arith.addi %add3A_475, %masked_cumsum3A_328 : vector<16xi32>
        %sub3A_477 = arith.constant 1 : i32
        %sub3A_478 = vector.broadcast %sub3A_477 : i32 to vector<16xi32>
        %sub3A_479 = arith.subi %add3A_476, %sub3A_478 : vector<16xi32>
        %sub3A_480 = vector.broadcast %mul3A_7 : i32 to vector<16xi32>
        %sub3A_481 = arith.subi %get3A_311, %sub3A_480 : vector<16xi32>
        tpu.vector_store_idx %arg9[%sub3A_479], %sub3A_481 masked %and3A_324 : memref<2816xi32, #tpu.memory_space<vmem>>[vector<16xi32>], vector<16xi32>, vector<16xi1>
        tpu.vector_store_idx %arg8[%sub3A_479], %get3A_317 masked %and3A_324 : memref<2816xi32, #tpu.memory_space<vmem>>[vector<16xi32>], vector<16xi32>, vector<16xi1>
        %slice3A_482 = vector.extract_strided_slice %masked_cumsum3A_328 {offsets = [15], sizes = [1], strides = [1]} : vector<16xi32> to vector<1xi32>
        %squeeze3A_483 = vector.extract %slice3A_482[0] : i32 from vector<1xi32>
        %add3A_484 = arith.addi %add3A_474, %squeeze3A_483 : i32
        %add3A_485 = vector.broadcast %add3A_484 : i32 to vector<16xi32>
        %add3A_486 = arith.addi %add3A_485, %masked_cumsum3A_351 : vector<16xi32>
        %sub3A_487 = arith.constant 1 : i32
        %sub3A_488 = vector.broadcast %sub3A_487 : i32 to vector<16xi32>
        %sub3A_489 = arith.subi %add3A_486, %sub3A_488 : vector<16xi32>
        %sub3A_490 = vector.broadcast %mul3A_7 : i32 to vector<16xi32>
        %sub3A_491 = arith.subi %get3A_334, %sub3A_490 : vector<16xi32>
        tpu.vector_store_idx %arg9[%sub3A_489], %sub3A_491 masked %and3A_347 : memref<2816xi32, #tpu.memory_space<vmem>>[vector<16xi32>], vector<16xi32>, vector<16xi1>
        tpu.vector_store_idx %arg8[%sub3A_489], %get3A_340 masked %and3A_347 : memref<2816xi32, #tpu.memory_space<vmem>>[vector<16xi32>], vector<16xi32>, vector<16xi1>
        %slice3A_492 = vector.extract_strided_slice %masked_cumsum3A_351 {offsets = [15], sizes = [1], strides = [1]} : vector<16xi32> to vector<1xi32>
        %squeeze3A_493 = vector.extract %slice3A_492[0] : i32 from vector<1xi32>
        %add3A_494 = arith.addi %add3A_484, %squeeze3A_493 : i32
        %add3A_495 = vector.broadcast %add3A_494 : i32 to vector<16xi32>
        %add3A_496 = arith.addi %add3A_495, %masked_cumsum3A_374 : vector<16xi32>
        %sub3A_497 = arith.constant 1 : i32
        %sub3A_498 = vector.broadcast %sub3A_497 : i32 to vector<16xi32>
        %sub3A_499 = arith.subi %add3A_496, %sub3A_498 : vector<16xi32>
        %sub3A_500 = vector.broadcast %mul3A_7 : i32 to vector<16xi32>
        %sub3A_501 = arith.subi %get3A_357, %sub3A_500 : vector<16xi32>
        tpu.vector_store_idx %arg9[%sub3A_499], %sub3A_501 masked %and3A_370 : memref<2816xi32, #tpu.memory_space<vmem>>[vector<16xi32>], vector<16xi32>, vector<16xi1>
        tpu.vector_store_idx %arg8[%sub3A_499], %get3A_363 masked %and3A_370 : memref<2816xi32, #tpu.memory_space<vmem>>[vector<16xi32>], vector<16xi32>, vector<16xi1>
        %slice3A_502 = vector.extract_strided_slice %masked_cumsum3A_374 {offsets = [15], sizes = [1], strides = [1]} : vector<16xi32> to vector<1xi32>
        %squeeze3A_503 = vector.extract %slice3A_502[0] : i32 from vector<1xi32>
        %add3A_504 = arith.addi %add3A_494, %squeeze3A_503 : i32
        %add3A_505 = vector.broadcast %add3A_504 : i32 to vector<16xi32>
        %add3A_506 = arith.addi %add3A_505, %masked_cumsum3A_397 : vector<16xi32>
        %sub3A_507 = arith.constant 1 : i32
        %sub3A_508 = vector.broadcast %sub3A_507 : i32 to vector<16xi32>
        %sub3A_509 = arith.subi %add3A_506, %sub3A_508 : vector<16xi32>
        %sub3A_510 = vector.broadcast %mul3A_7 : i32 to vector<16xi32>
        %sub3A_511 = arith.subi %get3A_380, %sub3A_510 : vector<16xi32>
        tpu.vector_store_idx %arg9[%sub3A_509], %sub3A_511 masked %and3A_393 : memref<2816xi32, #tpu.memory_space<vmem>>[vector<16xi32>], vector<16xi32>, vector<16xi1>
        tpu.vector_store_idx %arg8[%sub3A_509], %get3A_386 masked %and3A_393 : memref<2816xi32, #tpu.memory_space<vmem>>[vector<16xi32>], vector<16xi32>, vector<16xi1>
        %slice3A_512 = vector.extract_strided_slice %masked_cumsum3A_397 {offsets = [15], sizes = [1], strides = [1]} : vector<16xi32> to vector<1xi32>
        %squeeze3A_513 = vector.extract %slice3A_512[0] : i32 from vector<1xi32>
        %add3A_514 = arith.addi %add3A_504, %squeeze3A_513 : i32
        %add3A_515 = vector.broadcast %add3A_514 : i32 to vector<16xi32>
        %add3A_516 = arith.addi %add3A_515, %masked_cumsum3A_420 : vector<16xi32>
        %sub3A_517 = arith.constant 1 : i32
        %sub3A_518 = vector.broadcast %sub3A_517 : i32 to vector<16xi32>
        %sub3A_519 = arith.subi %add3A_516, %sub3A_518 : vector<16xi32>
        %sub3A_520 = vector.broadcast %mul3A_7 : i32 to vector<16xi32>
        %sub3A_521 = arith.subi %get3A_403, %sub3A_520 : vector<16xi32>
        tpu.vector_store_idx %arg9[%sub3A_519], %sub3A_521 masked %and3A_416 : memref<2816xi32, #tpu.memory_space<vmem>>[vector<16xi32>], vector<16xi32>, vector<16xi1>
        tpu.vector_store_idx %arg8[%sub3A_519], %get3A_409 masked %and3A_416 : memref<2816xi32, #tpu.memory_space<vmem>>[vector<16xi32>], vector<16xi32>, vector<16xi1>
        %slice3A_522 = vector.extract_strided_slice %masked_cumsum3A_420 {offsets = [15], sizes = [1], strides = [1]} : vector<16xi32> to vector<1xi32>
        %squeeze3A_523 = vector.extract %slice3A_522[0] : i32 from vector<1xi32>
        %add3A_524 = arith.addi %add3A_514, %squeeze3A_523 : i32
        %add3A_525 = vector.broadcast %add3A_524 : i32 to vector<16xi32>
        %add3A_526 = arith.addi %add3A_525, %masked_cumsum3A_443 : vector<16xi32>
        %sub3A_527 = arith.constant 1 : i32
        %sub3A_528 = vector.broadcast %sub3A_527 : i32 to vector<16xi32>
        %sub3A_529 = arith.subi %add3A_526, %sub3A_528 : vector<16xi32>
        %sub3A_530 = vector.broadcast %mul3A_7 : i32 to vector<16xi32>
        %sub3A_531 = arith.subi %get3A_426, %sub3A_530 : vector<16xi32>
        tpu.vector_store_idx %arg9[%sub3A_529], %sub3A_531 masked %and3A_439 : memref<2816xi32, #tpu.memory_space<vmem>>[vector<16xi32>], vector<16xi32>, vector<16xi1>
        tpu.vector_store_idx %arg8[%sub3A_529], %get3A_432 masked %and3A_439 : memref<2816xi32, #tpu.memory_space<vmem>>[vector<16xi32>], vector<16xi32>, vector<16xi1>
        %slice3A_532 = vector.extract_strided_slice %masked_cumsum3A_443 {offsets = [15], sizes = [1], strides = [1]} : vector<16xi32> to vector<1xi32>
        %squeeze3A_533 = vector.extract %slice3A_532[0] : i32 from vector<1xi32>
        %add3A_534 = arith.addi %add3A_524, %squeeze3A_533 : i32
        %add3A_535 = vector.broadcast %add3A_534 : i32 to vector<16xi32>
        %add3A_536 = arith.addi %add3A_535, %masked_cumsum3A_466 : vector<16xi32>
        %sub3A_537 = arith.constant 1 : i32
        %sub3A_538 = vector.broadcast %sub3A_537 : i32 to vector<16xi32>
        %sub3A_539 = arith.subi %add3A_536, %sub3A_538 : vector<16xi32>
        %sub3A_540 = vector.broadcast %mul3A_7 : i32 to vector<16xi32>
        %sub3A_541 = arith.subi %get3A_449, %sub3A_540 : vector<16xi32>
        tpu.vector_store_idx %arg9[%sub3A_539], %sub3A_541 masked %and3A_462 : memref<2816xi32, #tpu.memory_space<vmem>>[vector<16xi32>], vector<16xi32>, vector<16xi1>
        tpu.vector_store_idx %arg8[%sub3A_539], %get3A_455 masked %and3A_462 : memref<2816xi32, #tpu.memory_space<vmem>>[vector<16xi32>], vector<16xi32>, vector<16xi1>
        %slice3A_542 = vector.extract_strided_slice %masked_cumsum3A_466 {offsets = [15], sizes = [1], strides = [1]} : vector<16xi32> to vector<1xi32>
        %squeeze3A_543 = vector.extract %slice3A_542[0] : i32 from vector<1xi32>
        %add3A_544 = arith.addi %add3A_534, %squeeze3A_543 : i32
        scf.yield %add3A_544 : i32
      }
      %scan3A_129 = arith.constant 21 : i32
      %lt3A = arith.constant 15 : i32
      %lt3A_130 = arith.cmpi slt, %add3A_109, %lt3A : i32
      %convert_element_type3A = arith.extui %lt3A_130 : i1 to i32
      %cond3A = arith.constant 0 : i32
      %cond3A_131 = arith.cmpi ne, %convert_element_type3A, %cond3A : i32
      scf.if %cond3A_131 {
        %add3A_281 = arith.constant 1 : i32
        %add3A_282 = arith.addi %add3A_109, %add3A_281 : i32
        %mul3A_283 = arith.constant 2688 : i32
        %mul3A_284 = arith.muli %add3A_282, %mul3A_283 : i32
        %add3A_285 = arith.addi %mul3A_2, %mul3A_284 : i32
        %dma_start3A_286 = arith.constant 0 : i32
        %dma_start3A_287 = tpu.memref_slice %arg2[%dma_start3A_286, %add3A_285] : memref<2x688128xi32, #tpu.memory_space<hbm>> -> memref<1x2688xi32, #tpu.memory_space<hbm>>
        %dma_start3A_288 = tpu.memref_squeeze %dma_start3A_287 : memref<1x2688xi32, #tpu.memory_space<hbm>> -> memref<2688xi32, #tpu.memory_space<hbm>>
        %dma_start3A_289 = tpu.memref_slice %arg2[%dma_start3A_286, %add3A_285] : memref<2x688128xi32, #tpu.memory_space<hbm>> -> memref<1x2688xi32, #tpu.memory_space<hbm>>
        %dma_start3A_290 = tpu.memref_squeeze %dma_start3A_289 : memref<1x2688xi32, #tpu.memory_space<hbm>> -> memref<2688xi32, #tpu.memory_space<hbm>>
        tpu.enqueue_dma source(%dma_start3A_290 : memref<2688xi32, #tpu.memory_space<hbm>>) target(%arg6 : memref<2688xi32, #tpu.memory_space<vmem>>) target_semaphore(%arg14 : memref<!tpu.dma_semaphore, #tpu.memory_space<semaphore_mem>>)
        %add3A_291 = arith.constant 1 : i32
        %add3A_292 = arith.addi %add3A_109, %add3A_291 : i32
        %mul3A_293 = arith.constant 2688 : i32
        %mul3A_294 = arith.muli %add3A_292, %mul3A_293 : i32
        %add3A_295 = arith.addi %mul3A_2, %mul3A_294 : i32
        %dma_start3A_296 = arith.constant 1 : i32
        %dma_start3A_297 = tpu.memref_slice %arg2[%dma_start3A_296, %add3A_295] : memref<2x688128xi32, #tpu.memory_space<hbm>> -> memref<1x2688xi32, #tpu.memory_space<hbm>>
        %dma_start3A_298 = tpu.memref_squeeze %dma_start3A_297 : memref<1x2688xi32, #tpu.memory_space<hbm>> -> memref<2688xi32, #tpu.memory_space<hbm>>
        %dma_start3A_299 = tpu.memref_slice %arg2[%dma_start3A_296, %add3A_295] : memref<2x688128xi32, #tpu.memory_space<hbm>> -> memref<1x2688xi32, #tpu.memory_space<hbm>>
        %dma_start3A_300 = tpu.memref_squeeze %dma_start3A_299 : memref<1x2688xi32, #tpu.memory_space<hbm>> -> memref<2688xi32, #tpu.memory_space<hbm>>
        tpu.enqueue_dma source(%dma_start3A_300 : memref<2688xi32, #tpu.memory_space<hbm>>) target(%arg7 : memref<2688xi32, #tpu.memory_space<vmem>>) target_semaphore(%arg14 : memref<!tpu.dma_semaphore, #tpu.memory_space<semaphore_mem>>)
      } else {
      }
      %add3A_132 = arith.constant 0 : i32
      %add3A_133 = vector.broadcast %add3A_132 : i32 to vector<16xi32>
      %add3A_134 = arith.addi %add3A_133, %iota3A : vector<16xi32>
      %add3A_135 = vector.broadcast %scan3A_128 : i32 to vector<16xi32>
      %add3A_136 = arith.addi %add3A_135, %add3A_134 : vector<16xi32>
      tpu.vector_store_idx %arg8[%add3A_136], %add3A_134 : memref<2816xi32, #tpu.memory_space<vmem>>[vector<16xi32>], vector<16xi32>,
      %add3A_137 = vector.broadcast %scan3A_128 : i32 to vector<16xi32>
      %add3A_138 = arith.addi %add3A_137, %add3A_134 : vector<16xi32>
      %rem3A = arith.constant 96 : i32
      %rem3A_139 = vector.broadcast %rem3A : i32 to vector<16xi32>
      %rem3A_140 = arith.remsi %add3A_134, %rem3A_139 : vector<16xi32>
      %add3A_141 = arith.constant 10752 : i32
      %add3A_142 = vector.broadcast %add3A_141 : i32 to vector<16xi32>
      %add3A_143 = arith.addi %add3A_142, %rem3A_140 : vector<16xi32>
      tpu.vector_store_idx %arg9[%add3A_138], %add3A_143 : memref<2816xi32, #tpu.memory_space<vmem>>[vector<16xi32>], vector<16xi32>,
      %add3A_144 = arith.constant 16 : i32
      %add3A_145 = vector.broadcast %add3A_144 : i32 to vector<16xi32>
      %add3A_146 = arith.addi %add3A_145, %iota3A : vector<16xi32>
      %add3A_147 = vector.broadcast %scan3A_128 : i32 to vector<16xi32>
      %add3A_148 = arith.addi %add3A_147, %add3A_146 : vector<16xi32>
      tpu.vector_store_idx %arg8[%add3A_148], %add3A_146 : memref<2816xi32, #tpu.memory_space<vmem>>[vector<16xi32>], vector<16xi32>,
      %add3A_149 = vector.broadcast %scan3A_128 : i32 to vector<16xi32>
      %add3A_150 = arith.addi %add3A_149, %add3A_146 : vector<16xi32>
      %rem3A_151 = arith.constant 96 : i32
      %rem3A_152 = vector.broadcast %rem3A_151 : i32 to vector<16xi32>
      %rem3A_153 = arith.remsi %add3A_146, %rem3A_152 : vector<16xi32>
      %add3A_154 = arith.constant 10752 : i32
      %add3A_155 = vector.broadcast %add3A_154 : i32 to vector<16xi32>
      %add3A_156 = arith.addi %add3A_155, %rem3A_153 : vector<16xi32>
      tpu.vector_store_idx %arg9[%add3A_150], %add3A_156 : memref<2816xi32, #tpu.memory_space<vmem>>[vector<16xi32>], vector<16xi32>,
      %add3A_157 = arith.constant 32 : i32
      %add3A_158 = vector.broadcast %add3A_157 : i32 to vector<16xi32>
      %add3A_159 = arith.addi %add3A_158, %iota3A : vector<16xi32>
      %add3A_160 = vector.broadcast %scan3A_128 : i32 to vector<16xi32>
      %add3A_161 = arith.addi %add3A_160, %add3A_159 : vector<16xi32>
      tpu.vector_store_idx %arg8[%add3A_161], %add3A_159 : memref<2816xi32, #tpu.memory_space<vmem>>[vector<16xi32>], vector<16xi32>,
      %add3A_162 = vector.broadcast %scan3A_128 : i32 to vector<16xi32>
      %add3A_163 = arith.addi %add3A_162, %add3A_159 : vector<16xi32>
      %rem3A_164 = arith.constant 96 : i32
      %rem3A_165 = vector.broadcast %rem3A_164 : i32 to vector<16xi32>
      %rem3A_166 = arith.remsi %add3A_159, %rem3A_165 : vector<16xi32>
      %add3A_167 = arith.constant 10752 : i32
      %add3A_168 = vector.broadcast %add3A_167 : i32 to vector<16xi32>
      %add3A_169 = arith.addi %add3A_168, %rem3A_166 : vector<16xi32>
      tpu.vector_store_idx %arg9[%add3A_163], %add3A_169 : memref<2816xi32, #tpu.memory_space<vmem>>[vector<16xi32>], vector<16xi32>,
      %add3A_170 = arith.constant 48 : i32
      %add3A_171 = vector.broadcast %add3A_170 : i32 to vector<16xi32>
      %add3A_172 = arith.addi %add3A_171, %iota3A : vector<16xi32>
      %add3A_173 = vector.broadcast %scan3A_128 : i32 to vector<16xi32>
      %add3A_174 = arith.addi %add3A_173, %add3A_172 : vector<16xi32>
      tpu.vector_store_idx %arg8[%add3A_174], %add3A_172 : memref<2816xi32, #tpu.memory_space<vmem>>[vector<16xi32>], vector<16xi32>,
      %add3A_175 = vector.broadcast %scan3A_128 : i32 to vector<16xi32>
      %add3A_176 = arith.addi %add3A_175, %add3A_172 : vector<16xi32>
      %rem3A_177 = arith.constant 96 : i32
      %rem3A_178 = vector.broadcast %rem3A_177 : i32 to vector<16xi32>
      %rem3A_179 = arith.remsi %add3A_172, %rem3A_178 : vector<16xi32>
      %add3A_180 = arith.constant 10752 : i32
      %add3A_181 = vector.broadcast %add3A_180 : i32 to vector<16xi32>
      %add3A_182 = arith.addi %add3A_181, %rem3A_179 : vector<16xi32>
      tpu.vector_store_idx %arg9[%add3A_176], %add3A_182 : memref<2816xi32, #tpu.memory_space<vmem>>[vector<16xi32>], vector<16xi32>,
      %add3A_183 = arith.constant 64 : i32
      %add3A_184 = vector.broadcast %add3A_183 : i32 to vector<16xi32>
      %add3A_185 = arith.addi %add3A_184, %iota3A : vector<16xi32>
      %add3A_186 = vector.broadcast %scan3A_128 : i32 to vector<16xi32>
      %add3A_187 = arith.addi %add3A_186, %add3A_185 : vector<16xi32>
      tpu.vector_store_idx %arg8[%add3A_187], %add3A_185 : memref<2816xi32, #tpu.memory_space<vmem>>[vector<16xi32>], vector<16xi32>,
      %add3A_188 = vector.broadcast %scan3A_128 : i32 to vector<16xi32>
      %add3A_189 = arith.addi %add3A_188, %add3A_185 : vector<16xi32>
      %rem3A_190 = arith.constant 96 : i32
      %rem3A_191 = vector.broadcast %rem3A_190 : i32 to vector<16xi32>
      %rem3A_192 = arith.remsi %add3A_185, %rem3A_191 : vector<16xi32>
      %add3A_193 = arith.constant 10752 : i32
      %add3A_194 = vector.broadcast %add3A_193 : i32 to vector<16xi32>
      %add3A_195 = arith.addi %add3A_194, %rem3A_192 : vector<16xi32>
      tpu.vector_store_idx %arg9[%add3A_189], %add3A_195 : memref<2816xi32, #tpu.memory_space<vmem>>[vector<16xi32>], vector<16xi32>,
      %add3A_196 = arith.constant 80 : i32
      %add3A_197 = vector.broadcast %add3A_196 : i32 to vector<16xi32>
      %add3A_198 = arith.addi %add3A_197, %iota3A : vector<16xi32>
      %add3A_199 = vector.broadcast %scan3A_128 : i32 to vector<16xi32>
      %add3A_200 = arith.addi %add3A_199, %add3A_198 : vector<16xi32>
      tpu.vector_store_idx %arg8[%add3A_200], %add3A_198 : memref<2816xi32, #tpu.memory_space<vmem>>[vector<16xi32>], vector<16xi32>,
      %add3A_201 = vector.broadcast %scan3A_128 : i32 to vector<16xi32>
      %add3A_202 = arith.addi %add3A_201, %add3A_198 : vector<16xi32>
      %rem3A_203 = arith.constant 96 : i32
      %rem3A_204 = vector.broadcast %rem3A_203 : i32 to vector<16xi32>
      %rem3A_205 = arith.remsi %add3A_198, %rem3A_204 : vector<16xi32>
      %add3A_206 = arith.constant 10752 : i32
      %add3A_207 = vector.broadcast %add3A_206 : i32 to vector<16xi32>
      %add3A_208 = arith.addi %add3A_207, %rem3A_205 : vector<16xi32>
      tpu.vector_store_idx %arg9[%add3A_202], %add3A_208 : memref<2816xi32, #tpu.memory_space<vmem>>[vector<16xi32>], vector<16xi32>,
      %add3A_209 = arith.constant 96 : i32
      %add3A_210 = vector.broadcast %add3A_209 : i32 to vector<16xi32>
      %add3A_211 = arith.addi %add3A_210, %iota3A : vector<16xi32>
      %add3A_212 = vector.broadcast %scan3A_128 : i32 to vector<16xi32>
      %add3A_213 = arith.addi %add3A_212, %add3A_211 : vector<16xi32>
      tpu.vector_store_idx %arg8[%add3A_213], %add3A_211 : memref<2816xi32, #tpu.memory_space<vmem>>[vector<16xi32>], vector<16xi32>,
      %add3A_214 = vector.broadcast %scan3A_128 : i32 to vector<16xi32>
      %add3A_215 = arith.addi %add3A_214, %add3A_211 : vector<16xi32>
      %rem3A_216 = arith.constant 96 : i32
      %rem3A_217 = vector.broadcast %rem3A_216 : i32 to vector<16xi32>
      %rem3A_218 = arith.remsi %add3A_211, %rem3A_217 : vector<16xi32>
      %add3A_219 = arith.constant 10752 : i32
      %add3A_220 = vector.broadcast %add3A_219 : i32 to vector<16xi32>
      %add3A_221 = arith.addi %add3A_220, %rem3A_218 : vector<16xi32>
      tpu.vector_store_idx %arg9[%add3A_215], %add3A_221 : memref<2816xi32, #tpu.memory_space<vmem>>[vector<16xi32>], vector<16xi32>,
      %add3A_222 = arith.constant 112 : i32
      %add3A_223 = vector.broadcast %add3A_222 : i32 to vector<16xi32>
      %add3A_224 = arith.addi %add3A_223, %iota3A : vector<16xi32>
      %add3A_225 = vector.broadcast %scan3A_128 : i32 to vector<16xi32>
      %add3A_226 = arith.addi %add3A_225, %add3A_224 : vector<16xi32>
      tpu.vector_store_idx %arg8[%add3A_226], %add3A_224 : memref<2816xi32, #tpu.memory_space<vmem>>[vector<16xi32>], vector<16xi32>,
      %add3A_227 = vector.broadcast %scan3A_128 : i32 to vector<16xi32>
      %add3A_228 = arith.addi %add3A_227, %add3A_224 : vector<16xi32>
      %rem3A_229 = arith.constant 96 : i32
      %rem3A_230 = vector.broadcast %rem3A_229 : i32 to vector<16xi32>
      %rem3A_231 = arith.remsi %add3A_224, %rem3A_230 : vector<16xi32>
      %add3A_232 = arith.constant 10752 : i32
      %add3A_233 = vector.broadcast %add3A_232 : i32 to vector<16xi32>
      %add3A_234 = arith.addi %add3A_233, %rem3A_231 : vector<16xi32>
      tpu.vector_store_idx %arg9[%add3A_228], %add3A_234 : memref<2816xi32, #tpu.memory_space<vmem>>[vector<16xi32>], vector<16xi32>,
      %gt3A = arith.constant 0 : i32
      %gt3A_235 = arith.cmpi sgt, %scan3A_128, %gt3A : i32
      %convert_element_type3A_236 = arith.extui %gt3A_235 : i1 to i32
      %cond3A_237 = arith.constant 0 : i32
      %cond3A_238 = arith.cmpi ne, %convert_element_type3A_236, %cond3A_237 : i32
      scf.if %cond3A_238 {
        %dma_start3A_281 = arith.constant 0 : i32
        %dma_start3A_282 = arith.constant 0 : i32
        %dma_start3A_283 = arith.constant 0 : i32
        %dma_start3A_284 = tpu.memref_slice %arg11[%dma_start3A_281, %dma_start3A_282, %dma_start3A_283] : memref<2x128x128xf32, #tpu.memory_space<vmem>> -> memref<1x128x128xf32, #tpu.memory_space<vmem>>
        %dma_start3A_285 = tpu.memref_squeeze %dma_start3A_284 : memref<1x128x128xf32, #tpu.memory_space<vmem>> -> memref<128x128xf32, #tpu.memory_space<vmem>>
        %dma_start3A_286 = arith.constant 0 : i32
        %dma_start3A_287 = tpu.memref_slice %arg8[%dma_start3A_286] : memref<2816xi32, #tpu.memory_space<vmem>> -> memref<128xi32, #tpu.memory_space<vmem>>
        %dma_start3A_288 = arith.constant 0 : i32
        %dma_start3A_289 = arith.constant 0 : i32
        %dma_start3A_290 = tpu.memref_slice %arg3[%dma_start3A_288, %dma_start3A_289] : memref<43008x128xf32, #tpu.memory_space<hbm>> -> memref<43008x128xf32, #tpu.memory_space<hbm>>
        tpu.enqueue_indirect_dma source(%dma_start3A_290 : memref<43008x128xf32, #tpu.memory_space<hbm>>) target(%dma_start3A_285 : memref<128x128xf32, #tpu.memory_space<vmem>>) offsets(%dma_start3A_287 : memref<128xi32, #tpu.memory_space<vmem>>) semaphore(%arg13 : memref<!tpu.dma_semaphore, #tpu.memory_space<semaphore_mem>>)
      } else {
      }
      %add3A_239 = arith.constant 128 : i32
      %add3A_240 = arith.addi %scan3A_128, %add3A_239 : i32
      %sub3A = arith.constant 1 : i32
      %sub3A_241 = arith.subi %add3A_240, %sub3A : i32
      %jit3A = arith.constant 128 : i32
      %div3A = arith.divsi %sub3A_241, %jit3A : i32
      %sign3A = arith.constant 0 : i32
      %sign3A_242 = arith.cmpi sgt, %sub3A_241, %sign3A : i32
      %sign3A_243 = arith.extui %sign3A_242 : i1 to i32
      %sign3A_244 = arith.constant 0 : i32
      %sign3A_245 = arith.cmpi slt, %sub3A_241, %sign3A_244 : i32
      %sign3A_246 = arith.extui %sign3A_245 : i1 to i32
      %sign3A_247 = arith.subi %sign3A_243, %sign3A_246 : i32
      %sign3A_248 = arith.constant 0 : i32
      %sign3A_249 = arith.cmpi sgt, %jit3A, %sign3A_248 : i32
      %sign3A_250 = arith.extui %sign3A_249 : i1 to i32
      %sign3A_251 = arith.constant 0 : i32
      %sign3A_252 = arith.cmpi slt, %jit3A, %sign3A_251 : i32
      %sign3A_253 = arith.extui %sign3A_252 : i1 to i32
      %sign3A_254 = arith.subi %sign3A_250, %sign3A_253 : i32
      %ne3A = arith.cmpi ne, %sign3A_247, %sign3A_254 : i32
      %rem3A_255 = arith.remsi %sub3A_241, %jit3A : i32
      %ne3A_256 = arith.constant 0 : i32
      %ne3A_257 = arith.cmpi ne, %rem3A_255, %ne3A_256 : i32
      %and3A = arith.andi %ne3A, %ne3A_257 : i1
      %sub3A_258 = arith.constant 1 : i32
      %sub3A_259 = arith.subi %div3A, %sub3A_258 : i32
      %select_n3A = arith.select %and3A, %sub3A_259, %div3A : i32
      %scan3A_260 = arith.constant 0 : i32
      %scan3A_261 = arith.constant 22 : i32
      %scan3A_262 = arith.addi %scan3A_260, %scan3A_261 : i32
      %scan3A_263 = arith.constant 1 : i32
      scf.for %scan3A_281 = %scan3A_260 to %scan3A_262 step %scan3A_263  : i32 {
        %mul3A_282 = arith.constant 1 : i32
        %mul3A_283 = arith.muli %scan3A_281, %mul3A_282 : i32
        %add3A_284 = arith.constant 0 : i32
        %add3A_285 = arith.addi %add3A_284, %mul3A_283 : i32
        %mul3A_286 = arith.constant 128 : i32
        %mul3A_287 = arith.muli %add3A_285, %mul3A_286 : i32
        %lt3A_288 = arith.cmpi slt, %mul3A_287, %scan3A_128 : i32
        %convert_element_type3A_289 = arith.extui %lt3A_288 : i1 to i32
        %cond3A_290 = arith.constant 0 : i32
        %cond3A_291 = arith.cmpi ne, %convert_element_type3A_289, %cond3A_290 : i32
        scf.if %cond3A_291 {
          %rem3A_292 = arith.constant 2 : i32
          %rem3A_293 = arith.remsi %add3A_285, %rem3A_292 : i32
          %ge3A = arith.constant 2 : i32
          %ge3A_294 = arith.cmpi sge, %add3A_285, %ge3A : i32
          %eq3A_295 = arith.constant 0 : i32
          %eq3A_296 = arith.cmpi eq, %rem3A_293, %eq3A_295 : i32
          %and3A_297 = arith.andi %ge3A_294, %eq3A_296 : i1
          %convert_element_type3A_298 = arith.extui %and3A_297 : i1 to i32
          %cond3A_299 = arith.constant 0 : i32
          %cond3A_300 = arith.cmpi ne, %convert_element_type3A_298, %cond3A_299 : i32
          scf.if %cond3A_300 {
            %dma_wait3A_339 = arith.constant 1 : i32
            %dma_wait3A_340 = arith.constant 1 : i32
            %dma_wait3A_341 = arith.constant 0 : i32
            %dma_wait3A_342 = arith.constant 0 : i32
            %dma_wait3A_343 = tpu.memref_slice %arg11[%dma_wait3A_339, %dma_wait3A_341, %dma_wait3A_342] : memref<2x128x128xf32, #tpu.memory_space<vmem>> -> memref<1x128x128xf32, #tpu.memory_space<vmem>>
            %dma_wait3A_344 = tpu.memref_squeeze %dma_wait3A_343 : memref<1x128x128xf32, #tpu.memory_space<vmem>> -> memref<128x128xf32, #tpu.memory_space<vmem>>
            %dma_wait3A_345 = arith.constant 0 : i32
            %dma_wait3A_346 = tpu.memref_slice %arg10[%dma_wait3A_340, %dma_wait3A_345] : memref<2x128xi32, #tpu.memory_space<vmem>> -> memref<1x128xi32, #tpu.memory_space<vmem>>
            %dma_wait3A_347 = tpu.memref_squeeze %dma_wait3A_346 : memref<1x128xi32, #tpu.memory_space<vmem>> -> memref<128xi32, #tpu.memory_space<vmem>>
            %dma_wait3A_348 = arith.constant 0 : i32
            %dma_wait3A_349 = arith.constant 0 : i32
            %dma_wait3A_350 = tpu.memref_slice %arg12[%dma_wait3A_348, %dma_wait3A_349] : memref<10848x128xf32, #tpu.memory_space<vmem_shared>> -> memref<10848x128xf32, #tpu.memory_space<vmem_shared>>
            tpu.wait_indirect_dma semaphore(%arg16 : memref<!tpu.dma_semaphore, #tpu.memory_space<semaphore_mem>>) src(%dma_wait3A_344 : memref<128x128xf32, #tpu.memory_space<vmem>>) dst(%dma_wait3A_350 : memref<10848x128xf32, #tpu.memory_space<vmem_shared>>)
          } else {
          }
          %eq3A_301 = arith.constant 1 : i32
          %eq3A_302 = arith.cmpi eq, %rem3A_293, %eq3A_301 : i32
          %convert_element_type3A_303 = arith.extui %eq3A_302 : i1 to i32
          %cond3A_304 = arith.constant 0 : i32
          %cond3A_305 = arith.cmpi ne, %convert_element_type3A_303, %cond3A_304 : i32
          scf.if %cond3A_305 {
            %dma_wait3A_339 = arith.constant 0 : i32
            %dma_wait3A_340 = arith.constant 0 : i32
            %dma_wait3A_341 = arith.constant 0 : i32
            %dma_wait3A_342 = arith.constant 0 : i32
            %dma_wait3A_343 = tpu.memref_slice %arg11[%dma_wait3A_339, %dma_wait3A_341, %dma_wait3A_342] : memref<2x128x128xf32, #tpu.memory_space<vmem>> -> memref<1x128x128xf32, #tpu.memory_space<vmem>>
            %dma_wait3A_344 = tpu.memref_squeeze %dma_wait3A_343 : memref<1x128x128xf32, #tpu.memory_space<vmem>> -> memref<128x128xf32, #tpu.memory_space<vmem>>
            %dma_wait3A_345 = arith.constant 0 : i32
            %dma_wait3A_346 = tpu.memref_slice %arg10[%dma_wait3A_340, %dma_wait3A_345] : memref<2x128xi32, #tpu.memory_space<vmem>> -> memref<1x128xi32, #tpu.memory_space<vmem>>
            %dma_wait3A_347 = tpu.memref_squeeze %dma_wait3A_346 : memref<1x128xi32, #tpu.memory_space<vmem>> -> memref<128xi32, #tpu.memory_space<vmem>>
            %dma_wait3A_348 = arith.constant 0 : i32
            %dma_wait3A_349 = arith.constant 0 : i32
            %dma_wait3A_350 = tpu.memref_slice %arg12[%dma_wait3A_348, %dma_wait3A_349] : memref<10848x128xf32, #tpu.memory_space<vmem_shared>> -> memref<10848x128xf32, #tpu.memory_space<vmem_shared>>
            tpu.wait_indirect_dma semaphore(%arg15 : memref<!tpu.dma_semaphore, #tpu.memory_space<semaphore_mem>>) src(%dma_wait3A_344 : memref<128x128xf32, #tpu.memory_space<vmem>>) dst(%dma_wait3A_350 : memref<10848x128xf32, #tpu.memory_space<vmem_shared>>)
          } else {
          }
          %dma_wait3A_306 = arith.constant 0 : i32
          %dma_wait3A_307 = arith.constant 0 : i32
          %dma_wait3A_308 = arith.constant 0 : i32
          %dma_wait3A_309 = tpu.memref_slice %arg11[%dma_wait3A_306, %dma_wait3A_307, %dma_wait3A_308] : memref<2x128x128xf32, #tpu.memory_space<vmem>> -> memref<1x128x128xf32, #tpu.memory_space<vmem>>
          %dma_wait3A_310 = tpu.memref_squeeze %dma_wait3A_309 : memref<1x128x128xf32, #tpu.memory_space<vmem>> -> memref<128x128xf32, #tpu.memory_space<vmem>>
          %dma_wait3A_311 = arith.constant 0 : i32
          %dma_wait3A_312 = arith.constant 0 : i32
          %dma_wait3A_313 = tpu.memref_slice %arg3[%dma_wait3A_311, %dma_wait3A_312] : memref<43008x128xf32, #tpu.memory_space<hbm>> -> memref<128x128xf32, #tpu.memory_space<hbm>>
          %dma_wait3A_314 = arith.constant 0 : i32
          %dma_wait3A_315 = arith.constant 0 : i32
          %dma_wait3A_316 = tpu.memref_slice %arg11[%dma_wait3A_306, %dma_wait3A_314, %dma_wait3A_315] : memref<2x128x128xf32, #tpu.memory_space<vmem>> -> memref<1x128x128xf32, #tpu.memory_space<vmem>>
          %dma_wait3A_317 = tpu.memref_squeeze %dma_wait3A_316 : memref<1x128x128xf32, #tpu.memory_space<vmem>> -> memref<128x128xf32, #tpu.memory_space<vmem>>
          %dma_wait3A_318 = arith.constant 0 : i32
          %dma_wait3A_319 = arith.constant 0 : i32
          %dma_wait3A_320 = tpu.memref_slice %arg3[%dma_wait3A_318, %dma_wait3A_319] : memref<43008x128xf32, #tpu.memory_space<hbm>> -> memref<128x128xf32, #tpu.memory_space<hbm>>
          tpu.wait_dma2 semaphore(%arg13 : memref<!tpu.dma_semaphore, #tpu.memory_space<semaphore_mem>>) src(%dma_wait3A_320 : memref<128x128xf32, #tpu.memory_space<hbm>>) dst(%dma_wait3A_317 : memref<128x128xf32, #tpu.memory_space<vmem>>)
          %add3A_321 = arith.constant 1 : i32
          %add3A_322 = arith.addi %add3A_285, %add3A_321 : i32
          %mul3A_323 = arith.constant 128 : i32
          %mul3A_324 = arith.muli %add3A_322, %mul3A_323 : i32
          %lt3A_325 = arith.cmpi slt, %mul3A_324, %scan3A_128 : i32
          %convert_element_type3A_326 = arith.extui %lt3A_325 : i1 to i32
          %cond3A_327 = arith.constant 0 : i32
          %cond3A_328 = arith.cmpi ne, %convert_element_type3A_326, %cond3A_327 : i32
          scf.if %cond3A_328 {
            %add3A_339 = arith.constant 1 : i32
            %add3A_340 = arith.addi %add3A_285, %add3A_339 : i32
            %mul3A_341 = arith.constant 128 : i32
            %mul3A_342 = arith.muli %add3A_340, %mul3A_341 : i32
            %sub3A_343 = arith.constant 1 : i32
            %sub3A_344 = arith.subi %sub3A_343, %rem3A_293 : i32
            %dma_start3A_345 = arith.constant 0 : i32
            %dma_start3A_346 = arith.constant 0 : i32
            %dma_start3A_347 = tpu.memref_slice %arg11[%sub3A_344, %dma_start3A_345, %dma_start3A_346] : memref<2x128x128xf32, #tpu.memory_space<vmem>> -> memref<1x128x128xf32, #tpu.memory_space<vmem>>
            %dma_start3A_348 = tpu.memref_squeeze %dma_start3A_347 : memref<1x128x128xf32, #tpu.memory_space<vmem>> -> memref<128x128xf32, #tpu.memory_space<vmem>>
            %dma_start3A_349 = tpu.memref_slice %arg8[%mul3A_342] : memref<2816xi32, #tpu.memory_space<vmem>> -> memref<128xi32, #tpu.memory_space<vmem>>
            %dma_start3A_350 = arith.constant 0 : i32
            %dma_start3A_351 = arith.constant 0 : i32
            %dma_start3A_352 = tpu.memref_slice %arg3[%dma_start3A_350, %dma_start3A_351] : memref<43008x128xf32, #tpu.memory_space<hbm>> -> memref<43008x128xf32, #tpu.memory_space<hbm>>
            tpu.enqueue_indirect_dma source(%dma_start3A_352 : memref<43008x128xf32, #tpu.memory_space<hbm>>) target(%dma_start3A_348 : memref<128x128xf32, #tpu.memory_space<vmem>>) offsets(%dma_start3A_349 : memref<128xi32, #tpu.memory_space<vmem>>) semaphore(%arg13 : memref<!tpu.dma_semaphore, #tpu.memory_space<semaphore_mem>>)
          } else {
          }
          %eq3A_329 = arith.constant 0 : i32
          %eq3A_330 = arith.cmpi eq, %rem3A_293, %eq3A_329 : i32
          %convert_element_type3A_331 = arith.extui %eq3A_330 : i1 to i32
          %cond3A_332 = arith.constant 0 : i32
          %cond3A_333 = arith.cmpi ne, %convert_element_type3A_331, %cond3A_332 : i32
          scf.if %cond3A_333 {
            %mul3A_339 = arith.constant 128 : i32
            %mul3A_340 = arith.muli %add3A_285, %mul3A_339 : i32
            %add3A_341 = arith.constant 0 : i32
            %add3A_342 = arith.addi %mul3A_340, %add3A_341 : i32
            %get3A = arith.index_cast %add3A_342 : i32 to index
            %get3A_343 = tpu.vector_load %arg9[%get3A] {strides = array<i32>} : memref<2816xi32, #tpu.memory_space<vmem>>, vector<16xi32>,
            %swap3A = arith.constant 0 : i32
            %swap3A_344 = arith.index_cast %swap3A : i32 to index
            %swap3A_345 = arith.constant 0 : index
            %swap3A_346 = tpu.vector_load %arg10[%swap3A_344, %swap3A_345] {strides = array<i32>} : memref<2x128xi32, #tpu.memory_space<vmem>>, vector<16xi32>,
            tpu.vector_store %arg10[%swap3A_344, %swap3A_345], %get3A_343 {strides = array<i32>} : memref<2x128xi32, #tpu.memory_space<vmem>>, vector<16xi32>,
            %mul3A_347 = arith.constant 128 : i32
            %mul3A_348 = arith.muli %add3A_285, %mul3A_347 : i32
            %add3A_349 = arith.constant 16 : i32
            %add3A_350 = arith.addi %mul3A_348, %add3A_349 : i32
            %get3A_351 = arith.index_cast %add3A_350 : i32 to index
            %get3A_352 = tpu.vector_load %arg9[%get3A_351] {strides = array<i32>} : memref<2816xi32, #tpu.memory_space<vmem>>, vector<16xi32>,
            %swap3A_353 = arith.constant 0 : i32
            %swap3A_354 = arith.index_cast %swap3A_353 : i32 to index
            %swap3A_355 = arith.constant 16 : index
            %swap3A_356 = tpu.vector_load %arg10[%swap3A_354, %swap3A_355] {strides = array<i32>} : memref<2x128xi32, #tpu.memory_space<vmem>>, vector<16xi32>,
            tpu.vector_store %arg10[%swap3A_354, %swap3A_355], %get3A_352 {strides = array<i32>} : memref<2x128xi32, #tpu.memory_space<vmem>>, vector<16xi32>,
            %mul3A_357 = arith.constant 128 : i32
            %mul3A_358 = arith.muli %add3A_285, %mul3A_357 : i32
            %add3A_359 = arith.constant 32 : i32
            %add3A_360 = arith.addi %mul3A_358, %add3A_359 : i32
            %get3A_361 = arith.index_cast %add3A_360 : i32 to index
            %get3A_362 = tpu.vector_load %arg9[%get3A_361] {strides = array<i32>} : memref<2816xi32, #tpu.memory_space<vmem>>, vector<16xi32>,
            %swap3A_363 = arith.constant 0 : i32
            %swap3A_364 = arith.index_cast %swap3A_363 : i32 to index
            %swap3A_365 = arith.constant 32 : index
            %swap3A_366 = tpu.vector_load %arg10[%swap3A_364, %swap3A_365] {strides = array<i32>} : memref<2x128xi32, #tpu.memory_space<vmem>>, vector<16xi32>,
            tpu.vector_store %arg10[%swap3A_364, %swap3A_365], %get3A_362 {strides = array<i32>} : memref<2x128xi32, #tpu.memory_space<vmem>>, vector<16xi32>,
            %mul3A_367 = arith.constant 128 : i32
            %mul3A_368 = arith.muli %add3A_285, %mul3A_367 : i32
            %add3A_369 = arith.constant 48 : i32
            %add3A_370 = arith.addi %mul3A_368, %add3A_369 : i32
            %get3A_371 = arith.index_cast %add3A_370 : i32 to index
            %get3A_372 = tpu.vector_load %arg9[%get3A_371] {strides = array<i32>} : memref<2816xi32, #tpu.memory_space<vmem>>, vector<16xi32>,
            %swap3A_373 = arith.constant 0 : i32
            %swap3A_374 = arith.index_cast %swap3A_373 : i32 to index
            %swap3A_375 = arith.constant 48 : index
            %swap3A_376 = tpu.vector_load %arg10[%swap3A_374, %swap3A_375] {strides = array<i32>} : memref<2x128xi32, #tpu.memory_space<vmem>>, vector<16xi32>,
            tpu.vector_store %arg10[%swap3A_374, %swap3A_375], %get3A_372 {strides = array<i32>} : memref<2x128xi32, #tpu.memory_space<vmem>>, vector<16xi32>,
            %mul3A_377 = arith.constant 128 : i32
            %mul3A_378 = arith.muli %add3A_285, %mul3A_377 : i32
            %add3A_379 = arith.constant 64 : i32
            %add3A_380 = arith.addi %mul3A_378, %add3A_379 : i32
            %get3A_381 = arith.index_cast %add3A_380 : i32 to index
            %get3A_382 = tpu.vector_load %arg9[%get3A_381] {strides = array<i32>} : memref<2816xi32, #tpu.memory_space<vmem>>, vector<16xi32>,
            %swap3A_383 = arith.constant 0 : i32
            %swap3A_384 = arith.index_cast %swap3A_383 : i32 to index
            %swap3A_385 = arith.constant 64 : index
            %swap3A_386 = tpu.vector_load %arg10[%swap3A_384, %swap3A_385] {strides = array<i32>} : memref<2x128xi32, #tpu.memory_space<vmem>>, vector<16xi32>,
            tpu.vector_store %arg10[%swap3A_384, %swap3A_385], %get3A_382 {strides = array<i32>} : memref<2x128xi32, #tpu.memory_space<vmem>>, vector<16xi32>,
            %mul3A_387 = arith.constant 128 : i32
            %mul3A_388 = arith.muli %add3A_285, %mul3A_387 : i32
            %add3A_389 = arith.constant 80 : i32
            %add3A_390 = arith.addi %mul3A_388, %add3A_389 : i32
            %get3A_391 = arith.index_cast %add3A_390 : i32 to index
            %get3A_392 = tpu.vector_load %arg9[%get3A_391] {strides = array<i32>} : memref<2816xi32, #tpu.memory_space<vmem>>, vector<16xi32>,
            %swap3A_393 = arith.constant 0 : i32
            %swap3A_394 = arith.index_cast %swap3A_393 : i32 to index
            %swap3A_395 = arith.constant 80 : index
            %swap3A_396 = tpu.vector_load %arg10[%swap3A_394, %swap3A_395] {strides = array<i32>} : memref<2x128xi32, #tpu.memory_space<vmem>>, vector<16xi32>,
            tpu.vector_store %arg10[%swap3A_394, %swap3A_395], %get3A_392 {strides = array<i32>} : memref<2x128xi32, #tpu.memory_space<vmem>>, vector<16xi32>,
            %mul3A_397 = arith.constant 128 : i32
            %mul3A_398 = arith.muli %add3A_285, %mul3A_397 : i32
            %add3A_399 = arith.constant 96 : i32
            %add3A_400 = arith.addi %mul3A_398, %add3A_399 : i32
            %get3A_401 = arith.index_cast %add3A_400 : i32 to index
            %get3A_402 = tpu.vector_load %arg9[%get3A_401] {strides = array<i32>} : memref<2816xi32, #tpu.memory_space<vmem>>, vector<16xi32>,
            %swap3A_403 = arith.constant 0 : i32
            %swap3A_404 = arith.index_cast %swap3A_403 : i32 to index
            %swap3A_405 = arith.constant 96 : index
            %swap3A_406 = tpu.vector_load %arg10[%swap3A_404, %swap3A_405] {strides = array<i32>} : memref<2x128xi32, #tpu.memory_space<vmem>>, vector<16xi32>,
            tpu.vector_store %arg10[%swap3A_404, %swap3A_405], %get3A_402 {strides = array<i32>} : memref<2x128xi32, #tpu.memory_space<vmem>>, vector<16xi32>,
            %mul3A_407 = arith.constant 128 : i32
            %mul3A_408 = arith.muli %add3A_285, %mul3A_407 : i32
            %add3A_409 = arith.constant 112 : i32
            %add3A_410 = arith.addi %mul3A_408, %add3A_409 : i32
            %get3A_411 = arith.index_cast %add3A_410 : i32 to index
            %get3A_412 = tpu.vector_load %arg9[%get3A_411] {strides = array<i32>} : memref<2816xi32, #tpu.memory_space<vmem>>, vector<16xi32>,
            %swap3A_413 = arith.constant 0 : i32
            %swap3A_414 = arith.index_cast %swap3A_413 : i32 to index
            %swap3A_415 = arith.constant 112 : index
            %swap3A_416 = tpu.vector_load %arg10[%swap3A_414, %swap3A_415] {strides = array<i32>} : memref<2x128xi32, #tpu.memory_space<vmem>>, vector<16xi32>,
            tpu.vector_store %arg10[%swap3A_414, %swap3A_415], %get3A_412 {strides = array<i32>} : memref<2x128xi32, #tpu.memory_space<vmem>>, vector<16xi32>,
            %dma_start3A_417 = arith.constant 0 : i32
            %dma_start3A_418 = arith.constant 0 : i32
            %dma_start3A_419 = arith.constant 0 : i32
            %dma_start3A_420 = arith.constant 0 : i32
            %dma_start3A_421 = tpu.memref_slice %arg11[%dma_start3A_417, %dma_start3A_419, %dma_start3A_420] : memref<2x128x128xf32, #tpu.memory_space<vmem>> -> memref<1x128x128xf32, #tpu.memory_space<vmem>>
            %dma_start3A_422 = tpu.memref_squeeze %dma_start3A_421 : memref<1x128x128xf32, #tpu.memory_space<vmem>> -> memref<128x128xf32, #tpu.memory_space<vmem>>
            %dma_start3A_423 = arith.constant 0 : i32
            %dma_start3A_424 = tpu.memref_slice %arg10[%dma_start3A_418, %dma_start3A_423] : memref<2x128xi32, #tpu.memory_space<vmem>> -> memref<1x128xi32, #tpu.memory_space<vmem>>
            %dma_start3A_425 = tpu.memref_squeeze %dma_start3A_424 : memref<1x128xi32, #tpu.memory_space<vmem>> -> memref<128xi32, #tpu.memory_space<vmem>>
            %dma_start3A_426 = arith.constant 0 : i32
            %dma_start3A_427 = arith.constant 0 : i32
            %dma_start3A_428 = tpu.memref_slice %arg12[%dma_start3A_426, %dma_start3A_427] : memref<10848x128xf32, #tpu.memory_space<vmem_shared>> -> memref<10848x128xf32, #tpu.memory_space<vmem_shared>>
            tpu.enqueue_indirect_dma source(%dma_start3A_422 : memref<128x128xf32, #tpu.memory_space<vmem>>) target(%dma_start3A_428 : memref<10848x128xf32, #tpu.memory_space<vmem_shared>>) offsets(%dma_start3A_425 : memref<128xi32, #tpu.memory_space<vmem>>) semaphore(%arg15 : memref<!tpu.dma_semaphore, #tpu.memory_space<semaphore_mem>>) {add = true}
          } else {
          }
          %eq3A_334 = arith.constant 1 : i32
          %eq3A_335 = arith.cmpi eq, %rem3A_293, %eq3A_334 : i32
          %convert_element_type3A_336 = arith.extui %eq3A_335 : i1 to i32
          %cond3A_337 = arith.constant 0 : i32
          %cond3A_338 = arith.cmpi ne, %convert_element_type3A_336, %cond3A_337 : i32
          scf.if %cond3A_338 {
            %mul3A_339 = arith.constant 128 : i32
            %mul3A_340 = arith.muli %add3A_285, %mul3A_339 : i32
            %add3A_341 = arith.constant 0 : i32
            %add3A_342 = arith.addi %mul3A_340, %add3A_341 : i32
            %get3A = arith.index_cast %add3A_342 : i32 to index
            %get3A_343 = tpu.vector_load %arg9[%get3A] {strides = array<i32>} : memref<2816xi32, #tpu.memory_space<vmem>>, vector<16xi32>,
            %swap3A = arith.constant 1 : i32
            %swap3A_344 = arith.index_cast %swap3A : i32 to index
            %swap3A_345 = arith.constant 0 : index
            %swap3A_346 = tpu.vector_load %arg10[%swap3A_344, %swap3A_345] {strides = array<i32>} : memref<2x128xi32, #tpu.memory_space<vmem>>, vector<16xi32>,
            tpu.vector_store %arg10[%swap3A_344, %swap3A_345], %get3A_343 {strides = array<i32>} : memref<2x128xi32, #tpu.memory_space<vmem>>, vector<16xi32>,
            %mul3A_347 = arith.constant 128 : i32
            %mul3A_348 = arith.muli %add3A_285, %mul3A_347 : i32
            %add3A_349 = arith.constant 16 : i32
            %add3A_350 = arith.addi %mul3A_348, %add3A_349 : i32
            %get3A_351 = arith.index_cast %add3A_350 : i32 to index
            %get3A_352 = tpu.vector_load %arg9[%get3A_351] {strides = array<i32>} : memref<2816xi32, #tpu.memory_space<vmem>>, vector<16xi32>,
            %swap3A_353 = arith.constant 1 : i32
            %swap3A_354 = arith.index_cast %swap3A_353 : i32 to index
            %swap3A_355 = arith.constant 16 : index
            %swap3A_356 = tpu.vector_load %arg10[%swap3A_354, %swap3A_355] {strides = array<i32>} : memref<2x128xi32, #tpu.memory_space<vmem>>, vector<16xi32>,
            tpu.vector_store %arg10[%swap3A_354, %swap3A_355], %get3A_352 {strides = array<i32>} : memref<2x128xi32, #tpu.memory_space<vmem>>, vector<16xi32>,
            %mul3A_357 = arith.constant 128 : i32
            %mul3A_358 = arith.muli %add3A_285, %mul3A_357 : i32
            %add3A_359 = arith.constant 32 : i32
            %add3A_360 = arith.addi %mul3A_358, %add3A_359 : i32
            %get3A_361 = arith.index_cast %add3A_360 : i32 to index
            %get3A_362 = tpu.vector_load %arg9[%get3A_361] {strides = array<i32>} : memref<2816xi32, #tpu.memory_space<vmem>>, vector<16xi32>,
            %swap3A_363 = arith.constant 1 : i32
            %swap3A_364 = arith.index_cast %swap3A_363 : i32 to index
            %swap3A_365 = arith.constant 32 : index
            %swap3A_366 = tpu.vector_load %arg10[%swap3A_364, %swap3A_365] {strides = array<i32>} : memref<2x128xi32, #tpu.memory_space<vmem>>, vector<16xi32>,
            tpu.vector_store %arg10[%swap3A_364, %swap3A_365], %get3A_362 {strides = array<i32>} : memref<2x128xi32, #tpu.memory_space<vmem>>, vector<16xi32>,
            %mul3A_367 = arith.constant 128 : i32
            %mul3A_368 = arith.muli %add3A_285, %mul3A_367 : i32
            %add3A_369 = arith.constant 48 : i32
            %add3A_370 = arith.addi %mul3A_368, %add3A_369 : i32
            %get3A_371 = arith.index_cast %add3A_370 : i32 to index
            %get3A_372 = tpu.vector_load %arg9[%get3A_371] {strides = array<i32>} : memref<2816xi32, #tpu.memory_space<vmem>>, vector<16xi32>,
            %swap3A_373 = arith.constant 1 : i32
            %swap3A_374 = arith.index_cast %swap3A_373 : i32 to index
            %swap3A_375 = arith.constant 48 : index
            %swap3A_376 = tpu.vector_load %arg10[%swap3A_374, %swap3A_375] {strides = array<i32>} : memref<2x128xi32, #tpu.memory_space<vmem>>, vector<16xi32>,
            tpu.vector_store %arg10[%swap3A_374, %swap3A_375], %get3A_372 {strides = array<i32>} : memref<2x128xi32, #tpu.memory_space<vmem>>, vector<16xi32>,
            %mul3A_377 = arith.constant 128 : i32
            %mul3A_378 = arith.muli %add3A_285, %mul3A_377 : i32
            %add3A_379 = arith.constant 64 : i32
            %add3A_380 = arith.addi %mul3A_378, %add3A_379 : i32
            %get3A_381 = arith.index_cast %add3A_380 : i32 to index
            %get3A_382 = tpu.vector_load %arg9[%get3A_381] {strides = array<i32>} : memref<2816xi32, #tpu.memory_space<vmem>>, vector<16xi32>,
            %swap3A_383 = arith.constant 1 : i32
            %swap3A_384 = arith.index_cast %swap3A_383 : i32 to index
            %swap3A_385 = arith.constant 64 : index
            %swap3A_386 = tpu.vector_load %arg10[%swap3A_384, %swap3A_385] {strides = array<i32>} : memref<2x128xi32, #tpu.memory_space<vmem>>, vector<16xi32>,
            tpu.vector_store %arg10[%swap3A_384, %swap3A_385], %get3A_382 {strides = array<i32>} : memref<2x128xi32, #tpu.memory_space<vmem>>, vector<16xi32>,
            %mul3A_387 = arith.constant 128 : i32
            %mul3A_388 = arith.muli %add3A_285, %mul3A_387 : i32
            %add3A_389 = arith.constant 80 : i32
            %add3A_390 = arith.addi %mul3A_388, %add3A_389 : i32
            %get3A_391 = arith.index_cast %add3A_390 : i32 to index
            %get3A_392 = tpu.vector_load %arg9[%get3A_391] {strides = array<i32>} : memref<2816xi32, #tpu.memory_space<vmem>>, vector<16xi32>,
            %swap3A_393 = arith.constant 1 : i32
            %swap3A_394 = arith.index_cast %swap3A_393 : i32 to index
            %swap3A_395 = arith.constant 80 : index
            %swap3A_396 = tpu.vector_load %arg10[%swap3A_394, %swap3A_395] {strides = array<i32>} : memref<2x128xi32, #tpu.memory_space<vmem>>, vector<16xi32>,
            tpu.vector_store %arg10[%swap3A_394, %swap3A_395], %get3A_392 {strides = array<i32>} : memref<2x128xi32, #tpu.memory_space<vmem>>, vector<16xi32>,
            %mul3A_397 = arith.constant 128 : i32
            %mul3A_398 = arith.muli %add3A_285, %mul3A_397 : i32
            %add3A_399 = arith.constant 96 : i32
            %add3A_400 = arith.addi %mul3A_398, %add3A_399 : i32
            %get3A_401 = arith.index_cast %add3A_400 : i32 to index
            %get3A_402 = tpu.vector_load %arg9[%get3A_401] {strides = array<i32>} : memref<2816xi32, #tpu.memory_space<vmem>>, vector<16xi32>,
            %swap3A_403 = arith.constant 1 : i32
            %swap3A_404 = arith.index_cast %swap3A_403 : i32 to index
            %swap3A_405 = arith.constant 96 : index
            %swap3A_406 = tpu.vector_load %arg10[%swap3A_404, %swap3A_405] {strides = array<i32>} : memref<2x128xi32, #tpu.memory_space<vmem>>, vector<16xi32>,
            tpu.vector_store %arg10[%swap3A_404, %swap3A_405], %get3A_402 {strides = array<i32>} : memref<2x128xi32, #tpu.memory_space<vmem>>, vector<16xi32>,
            %mul3A_407 = arith.constant 128 : i32
            %mul3A_408 = arith.muli %add3A_285, %mul3A_407 : i32
            %add3A_409 = arith.constant 112 : i32
            %add3A_410 = arith.addi %mul3A_408, %add3A_409 : i32
            %get3A_411 = arith.index_cast %add3A_410 : i32 to index
            %get3A_412 = tpu.vector_load %arg9[%get3A_411] {strides = array<i32>} : memref<2816xi32, #tpu.memory_space<vmem>>, vector<16xi32>,
            %swap3A_413 = arith.constant 1 : i32
            %swap3A_414 = arith.index_cast %swap3A_413 : i32 to index
            %swap3A_415 = arith.constant 112 : index
            %swap3A_416 = tpu.vector_load %arg10[%swap3A_414, %swap3A_415] {strides = array<i32>} : memref<2x128xi32, #tpu.memory_space<vmem>>, vector<16xi32>,
            tpu.vector_store %arg10[%swap3A_414, %swap3A_415], %get3A_412 {strides = array<i32>} : memref<2x128xi32, #tpu.memory_space<vmem>>, vector<16xi32>,
            %dma_start3A_417 = arith.constant 1 : i32
            %dma_start3A_418 = arith.constant 1 : i32
            %dma_start3A_419 = arith.constant 0 : i32
            %dma_start3A_420 = arith.constant 0 : i32
            %dma_start3A_421 = tpu.memref_slice %arg11[%dma_start3A_417, %dma_start3A_419, %dma_start3A_420] : memref<2x128x128xf32, #tpu.memory_space<vmem>> -> memref<1x128x128xf32, #tpu.memory_space<vmem>>
            %dma_start3A_422 = tpu.memref_squeeze %dma_start3A_421 : memref<1x128x128xf32, #tpu.memory_space<vmem>> -> memref<128x128xf32, #tpu.memory_space<vmem>>
            %dma_start3A_423 = arith.constant 0 : i32
            %dma_start3A_424 = tpu.memref_slice %arg10[%dma_start3A_418, %dma_start3A_423] : memref<2x128xi32, #tpu.memory_space<vmem>> -> memref<1x128xi32, #tpu.memory_space<vmem>>
            %dma_start3A_425 = tpu.memref_squeeze %dma_start3A_424 : memref<1x128xi32, #tpu.memory_space<vmem>> -> memref<128xi32, #tpu.memory_space<vmem>>
            %dma_start3A_426 = arith.constant 0 : i32
            %dma_start3A_427 = arith.constant 0 : i32
            %dma_start3A_428 = tpu.memref_slice %arg12[%dma_start3A_426, %dma_start3A_427] : memref<10848x128xf32, #tpu.memory_space<vmem_shared>> -> memref<10848x128xf32, #tpu.memory_space<vmem_shared>>
            tpu.enqueue_indirect_dma source(%dma_start3A_422 : memref<128x128xf32, #tpu.memory_space<vmem>>) target(%dma_start3A_428 : memref<10848x128xf32, #tpu.memory_space<vmem_shared>>) offsets(%dma_start3A_425 : memref<128xi32, #tpu.memory_space<vmem>>) semaphore(%arg16 : memref<!tpu.dma_semaphore, #tpu.memory_space<semaphore_mem>>) {add = true}
          } else {
          }
        } else {
        }
      }
      %scan3A_264 = arith.constant 22 : i32
      %rem3A_265 = arith.constant 2 : i32
      %rem3A_266 = arith.remsi %select_n3A, %rem3A_265 : i32
      %eq3A = arith.constant 1 : i32
      %eq3A_267 = arith.cmpi eq, %rem3A_266, %eq3A : i32
      %convert_element_type3A_268 = arith.extui %eq3A_267 : i1 to i32
      %cond3A_269 = arith.constant 0 : i32
      %cond3A_270 = arith.cmpi ne, %convert_element_type3A_268, %cond3A_269 : i32
      scf.if %cond3A_270 {
        %dma_wait3A_281 = arith.constant 0 : i32
        %dma_wait3A_282 = arith.constant 0 : i32
        %dma_wait3A_283 = arith.constant 0 : i32
        %dma_wait3A_284 = arith.constant 0 : i32
        %dma_wait3A_285 = tpu.memref_slice %arg11[%dma_wait3A_281, %dma_wait3A_283, %dma_wait3A_284] : memref<2x128x128xf32, #tpu.memory_space<vmem>> -> memref<1x128x128xf32, #tpu.memory_space<vmem>>
        %dma_wait3A_286 = tpu.memref_squeeze %dma_wait3A_285 : memref<1x128x128xf32, #tpu.memory_space<vmem>> -> memref<128x128xf32, #tpu.memory_space<vmem>>
        %dma_wait3A_287 = arith.constant 0 : i32
        %dma_wait3A_288 = tpu.memref_slice %arg10[%dma_wait3A_282, %dma_wait3A_287] : memref<2x128xi32, #tpu.memory_space<vmem>> -> memref<1x128xi32, #tpu.memory_space<vmem>>
        %dma_wait3A_289 = tpu.memref_squeeze %dma_wait3A_288 : memref<1x128xi32, #tpu.memory_space<vmem>> -> memref<128xi32, #tpu.memory_space<vmem>>
        %dma_wait3A_290 = arith.constant 0 : i32
        %dma_wait3A_291 = arith.constant 0 : i32
        %dma_wait3A_292 = tpu.memref_slice %arg12[%dma_wait3A_290, %dma_wait3A_291] : memref<10848x128xf32, #tpu.memory_space<vmem_shared>> -> memref<10848x128xf32, #tpu.memory_space<vmem_shared>>
        tpu.wait_indirect_dma semaphore(%arg15 : memref<!tpu.dma_semaphore, #tpu.memory_space<semaphore_mem>>) src(%dma_wait3A_286 : memref<128x128xf32, #tpu.memory_space<vmem>>) dst(%dma_wait3A_292 : memref<10848x128xf32, #tpu.memory_space<vmem_shared>>)
      } else {
      }
      %gt3A_271 = arith.constant 0 : i32
      %gt3A_272 = arith.cmpi sgt, %select_n3A, %gt3A_271 : i32
      %rem3A_273 = arith.constant 2 : i32
      %rem3A_274 = arith.remsi %select_n3A, %rem3A_273 : i32
      %eq3A_275 = arith.constant 0 : i32
      %eq3A_276 = arith.cmpi eq, %rem3A_274, %eq3A_275 : i32
      %and3A_277 = arith.andi %gt3A_272, %eq3A_276 : i1
      %convert_element_type3A_278 = arith.extui %and3A_277 : i1 to i32
      %cond3A_279 = arith.constant 0 : i32
      %cond3A_280 = arith.cmpi ne, %convert_element_type3A_278, %cond3A_279 : i32
      scf.if %cond3A_280 {
        %dma_wait3A_281 = arith.constant 1 : i32
        %dma_wait3A_282 = arith.constant 1 : i32
        %dma_wait3A_283 = arith.constant 0 : i32
        %dma_wait3A_284 = arith.constant 0 : i32
        %dma_wait3A_285 = tpu.memref_slice %arg11[%dma_wait3A_281, %dma_wait3A_283, %dma_wait3A_284] : memref<2x128x128xf32, #tpu.memory_space<vmem>> -> memref<1x128x128xf32, #tpu.memory_space<vmem>>
        %dma_wait3A_286 = tpu.memref_squeeze %dma_wait3A_285 : memref<1x128x128xf32, #tpu.memory_space<vmem>> -> memref<128x128xf32, #tpu.memory_space<vmem>>
        %dma_wait3A_287 = arith.constant 0 : i32
        %dma_wait3A_288 = tpu.memref_slice %arg10[%dma_wait3A_282, %dma_wait3A_287] : memref<2x128xi32, #tpu.memory_space<vmem>> -> memref<1x128xi32, #tpu.memory_space<vmem>>
        %dma_wait3A_289 = tpu.memref_squeeze %dma_wait3A_288 : memref<1x128xi32, #tpu.memory_space<vmem>> -> memref<128xi32, #tpu.memory_space<vmem>>
        %dma_wait3A_290 = arith.constant 0 : i32
        %dma_wait3A_291 = arith.constant 0 : i32
        %dma_wait3A_292 = tpu.memref_slice %arg12[%dma_wait3A_290, %dma_wait3A_291] : memref<10848x128xf32, #tpu.memory_space<vmem_shared>> -> memref<10848x128xf32, #tpu.memory_space<vmem_shared>>
        tpu.wait_indirect_dma semaphore(%arg16 : memref<!tpu.dma_semaphore, #tpu.memory_space<semaphore_mem>>) src(%dma_wait3A_286 : memref<128x128xf32, #tpu.memory_space<vmem>>) dst(%dma_wait3A_292 : memref<10848x128xf32, #tpu.memory_space<vmem_shared>>)
      } else {
      }
    }
    %scan3A_44 = arith.constant 16 : i32
    %barrier3A_45 = arith.constant 0 : index
    tpu.barrier barrier_id(%barrier3A_45)
    %mul3A_46 = arith.constant 672 : i32
    %mul3A_47 = arith.muli %arg1, %mul3A_46 : i32
    %mul3A_48 = arith.constant 672 : i32
    %mul3A_49 = arith.muli %arg1, %mul3A_48 : i32
    %add3A_50 = arith.addi %mul3A_7, %mul3A_49 : i32
    "tpu.region"() ({
      %run_scoped3A = tpu.sem_alloc : memref<!tpu.dma_semaphore, #tpu.memory_space<semaphore_mem>>
      %dma_start3A_105 = arith.constant 0 : i32
      %dma_start3A_106 = tpu.memref_slice %arg5[%add3A_50, %dma_start3A_105] : memref<43008x128xf32, #tpu.memory_space<hbm>> -> memref<672x128xf32, #tpu.memory_space<hbm>>
      %dma_start3A_107 = arith.constant 0 : i32
      %dma_start3A_108 = tpu.memref_slice %arg12[%mul3A_47, %dma_start3A_107] : memref<10848x128xf32, #tpu.memory_space<vmem_shared>> -> memref<672x128xf32, #tpu.memory_space<vmem_shared>>
      tpu.enqueue_dma source(%dma_start3A_108 : memref<672x128xf32, #tpu.memory_space<vmem_shared>>) target(%dma_start3A_106 : memref<672x128xf32, #tpu.memory_space<hbm>>) target_semaphore(%run_scoped3A : memref<!tpu.dma_semaphore, #tpu.memory_space<semaphore_mem>>)
      %dma_wait3A = arith.constant 0 : i32
      %dma_wait3A_109 = tpu.memref_slice %arg5[%add3A_50, %dma_wait3A] : memref<43008x128xf32, #tpu.memory_space<hbm>> -> memref<672x128xf32, #tpu.memory_space<hbm>>
      %dma_wait3A_110 = arith.constant 0 : i32
      %dma_wait3A_111 = tpu.memref_slice %arg12[%mul3A_47, %dma_wait3A_110] : memref<10848x128xf32, #tpu.memory_space<vmem_shared>> -> memref<672x128xf32, #tpu.memory_space<vmem_shared>>
      tpu.wait_dma2 semaphore(%run_scoped3A : memref<!tpu.dma_semaphore, #tpu.memory_space<semaphore_mem>>) src(%dma_wait3A_111 : memref<672x128xf32, #tpu.memory_space<vmem_shared>>) dst(%dma_wait3A_109 : memref<672x128xf32, #tpu.memory_space<hbm>>)
      tpu.yield
    }) : () -> ()
    %barrier3A_51 = arith.constant 0 : index
    tpu.barrier barrier_id(%barrier3A_51)
    %mul3A_52 = arith.constant 2 : i32
    %mul3A_53 = arith.muli %arg0, %mul3A_52 : i32
    %add3A_54 = arith.constant 1 : i32
    %add3A_55 = arith.addi %mul3A_53, %add3A_54 : i32
    %mul3A_56 = arith.constant 10752 : i32
    %mul3A_57 = arith.muli %add3A_55, %mul3A_56 : i32
    %mul3A_58 = arith.constant 678 : i32
    %mul3A_59 = arith.muli %arg1, %mul3A_58 : i32
    %add3A_60 = arith.constant 0 : i32
    %add3A_61 = arith.addi %mul3A_59, %add3A_60 : i32
    "tpu.region"() ({
      %run_scoped3A = tpu.sem_alloc : memref<!tpu.dma_semaphore, #tpu.memory_space<semaphore_mem>>
      %dma_start3A_105 = arith.constant 0 : i32
      %dma_start3A_106 = tpu.memref_slice %arg12[%add3A_61, %dma_start3A_105] : memref<10848x128xf32, #tpu.memory_space<vmem_shared>> -> memref<113x128xf32, #tpu.memory_space<vmem_shared>>
      tpu.enqueue_dma source(%arg4 : memref<113x128xf32, #tpu.memory_space<hbm>>) target(%dma_start3A_106 : memref<113x128xf32, #tpu.memory_space<vmem_shared>>) target_semaphore(%run_scoped3A : memref<!tpu.dma_semaphore, #tpu.memory_space<semaphore_mem>>)
      %dma_wait3A = arith.constant 0 : i32
      %dma_wait3A_107 = tpu.memref_slice %arg12[%add3A_61, %dma_wait3A] : memref<10848x128xf32, #tpu.memory_space<vmem_shared>> -> memref<113x128xf32, #tpu.memory_space<vmem_shared>>
      tpu.wait_dma2 semaphore(%run_scoped3A : memref<!tpu.dma_semaphore, #tpu.memory_space<semaphore_mem>>) src(%arg4 : memref<113x128xf32, #tpu.memory_space<hbm>>) dst(%dma_wait3A_107 : memref<113x128xf32, #tpu.memory_space<vmem_shared>>)
      tpu.yield
    }) : () -> ()
    %mul3A_62 = arith.constant 678 : i32
    %mul3A_63 = arith.muli %arg1, %mul3A_62 : i32
    %add3A_64 = arith.constant 113 : i32
    %add3A_65 = arith.addi %mul3A_63, %add3A_64 : i32
    "tpu.region"() ({
      %run_scoped3A = tpu.sem_alloc : memref<!tpu.dma_semaphore, #tpu.memory_space<semaphore_mem>>
      %dma_start3A_105 = arith.constant 0 : i32
      %dma_start3A_106 = tpu.memref_slice %arg12[%add3A_65, %dma_start3A_105] : memref<10848x128xf32, #tpu.memory_space<vmem_shared>> -> memref<113x128xf32, #tpu.memory_space<vmem_shared>>
      tpu.enqueue_dma source(%arg4 : memref<113x128xf32, #tpu.memory_space<hbm>>) target(%dma_start3A_106 : memref<113x128xf32, #tpu.memory_space<vmem_shared>>) target_semaphore(%run_scoped3A : memref<!tpu.dma_semaphore, #tpu.memory_space<semaphore_mem>>)
      %dma_wait3A = arith.constant 0 : i32
      %dma_wait3A_107 = tpu.memref_slice %arg12[%add3A_65, %dma_wait3A] : memref<10848x128xf32, #tpu.memory_space<vmem_shared>> -> memref<113x128xf32, #tpu.memory_space<vmem_shared>>
      tpu.wait_dma2 semaphore(%run_scoped3A : memref<!tpu.dma_semaphore, #tpu.memory_space<semaphore_mem>>) src(%arg4 : memref<113x128xf32, #tpu.memory_space<hbm>>) dst(%dma_wait3A_107 : memref<113x128xf32, #tpu.memory_space<vmem_shared>>)
      tpu.yield
    }) : () -> ()
    %mul3A_66 = arith.constant 678 : i32
    %mul3A_67 = arith.muli %arg1, %mul3A_66 : i32
    %add3A_68 = arith.constant 226 : i32
    %add3A_69 = arith.addi %mul3A_67, %add3A_68 : i32
    "tpu.region"() ({
      %run_scoped3A = tpu.sem_alloc : memref<!tpu.dma_semaphore, #tpu.memory_space<semaphore_mem>>
      %dma_start3A_105 = arith.constant 0 : i32
      %dma_start3A_106 = tpu.memref_slice %arg12[%add3A_69, %dma_start3A_105] : memref<10848x128xf32, #tpu.memory_space<vmem_shared>> -> memref<113x128xf32, #tpu.memory_space<vmem_shared>>
      tpu.enqueue_dma source(%arg4 : memref<113x128xf32, #tpu.memory_space<hbm>>) target(%dma_start3A_106 : memref<113x128xf32, #tpu.memory_space<vmem_shared>>) target_semaphore(%run_scoped3A : memref<!tpu.dma_semaphore, #tpu.memory_space<semaphore_mem>>)
      %dma_wait3A = arith.constant 0 : i32
      %dma_wait3A_107 = tpu.memref_slice %arg12[%add3A_69, %dma_wait3A] : memref<10848x128xf32, #tpu.memory_space<vmem_shared>> -> memref<113x128xf32, #tpu.memory_space<vmem_shared>>
      tpu.wait_dma2 semaphore(%run_scoped3A : memref<!tpu.dma_semaphore, #tpu.memory_space<semaphore_mem>>) src(%arg4 : memref<113x128xf32, #tpu.memory_space<hbm>>) dst(%dma_wait3A_107 : memref<113x128xf32, #tpu.memory_space<vmem_shared>>)
      tpu.yield
    }) : () -> ()
    %mul3A_70 = arith.constant 678 : i32
    %mul3A_71 = arith.muli %arg1, %mul3A_70 : i32
    %add3A_72 = arith.constant 339 : i32
    %add3A_73 = arith.addi %mul3A_71, %add3A_72 : i32
    "tpu.region"() ({
      %run_scoped3A = tpu.sem_alloc : memref<!tpu.dma_semaphore, #tpu.memory_space<semaphore_mem>>
      %dma_start3A_105 = arith.constant 0 : i32
      %dma_start3A_106 = tpu.memref_slice %arg12[%add3A_73, %dma_start3A_105] : memref<10848x128xf32, #tpu.memory_space<vmem_shared>> -> memref<113x128xf32, #tpu.memory_space<vmem_shared>>
      tpu.enqueue_dma source(%arg4 : memref<113x128xf32, #tpu.memory_space<hbm>>) target(%dma_start3A_106 : memref<113x128xf32, #tpu.memory_space<vmem_shared>>) target_semaphore(%run_scoped3A : memref<!tpu.dma_semaphore, #tpu.memory_space<semaphore_mem>>)
      %dma_wait3A = arith.constant 0 : i32
      %dma_wait3A_107 = tpu.memref_slice %arg12[%add3A_73, %dma_wait3A] : memref<10848x128xf32, #tpu.memory_space<vmem_shared>> -> memref<113x128xf32, #tpu.memory_space<vmem_shared>>
      tpu.wait_dma2 semaphore(%run_scoped3A : memref<!tpu.dma_semaphore, #tpu.memory_space<semaphore_mem>>) src(%arg4 : memref<113x128xf32, #tpu.memory_space<hbm>>) dst(%dma_wait3A_107 : memref<113x128xf32, #tpu.memory_space<vmem_shared>>)
      tpu.yield
    }) : () -> ()
    %mul3A_74 = arith.constant 678 : i32
    %mul3A_75 = arith.muli %arg1, %mul3A_74 : i32
    %add3A_76 = arith.constant 452 : i32
    %add3A_77 = arith.addi %mul3A_75, %add3A_76 : i32
    "tpu.region"() ({
      %run_scoped3A = tpu.sem_alloc : memref<!tpu.dma_semaphore, #tpu.memory_space<semaphore_mem>>
      %dma_start3A_105 = arith.constant 0 : i32
      %dma_start3A_106 = tpu.memref_slice %arg12[%add3A_77, %dma_start3A_105] : memref<10848x128xf32, #tpu.memory_space<vmem_shared>> -> memref<113x128xf32, #tpu.memory_space<vmem_shared>>
      tpu.enqueue_dma source(%arg4 : memref<113x128xf32, #tpu.memory_space<hbm>>) target(%dma_start3A_106 : memref<113x128xf32, #tpu.memory_space<vmem_shared>>) target_semaphore(%run_scoped3A : memref<!tpu.dma_semaphore, #tpu.memory_space<semaphore_mem>>)
      %dma_wait3A = arith.constant 0 : i32
      %dma_wait3A_107 = tpu.memref_slice %arg12[%add3A_77, %dma_wait3A] : memref<10848x128xf32, #tpu.memory_space<vmem_shared>> -> memref<113x128xf32, #tpu.memory_space<vmem_shared>>
      tpu.wait_dma2 semaphore(%run_scoped3A : memref<!tpu.dma_semaphore, #tpu.memory_space<semaphore_mem>>) src(%arg4 : memref<113x128xf32, #tpu.memory_space<hbm>>) dst(%dma_wait3A_107 : memref<113x128xf32, #tpu.memory_space<vmem_shared>>)
      tpu.yield
    }) : () -> ()
    %mul3A_78 = arith.constant 678 : i32
    %mul3A_79 = arith.muli %arg1, %mul3A_78 : i32
    %add3A_80 = arith.constant 565 : i32
    %add3A_81 = arith.addi %mul3A_79, %add3A_80 : i32
    "tpu.region"() ({
      %run_scoped3A = tpu.sem_alloc : memref<!tpu.dma_semaphore, #tpu.memory_space<semaphore_mem>>
      %dma_start3A_105 = arith.constant 0 : i32
      %dma_start3A_106 = tpu.memref_slice %arg12[%add3A_81, %dma_start3A_105] : memref<10848x128xf32, #tpu.memory_space<vmem_shared>> -> memref<113x128xf32, #tpu.memory_space<vmem_shared>>
      tpu.enqueue_dma source(%arg4 : memref<113x128xf32, #tpu.memory_space<hbm>>) target(%dma_start3A_106 : memref<113x128xf32, #tpu.memory_space<vmem_shared>>) target_semaphore(%run_scoped3A : memref<!tpu.dma_semaphore, #tpu.memory_space<semaphore_mem>>)
      %dma_wait3A = arith.constant 0 : i32
      %dma_wait3A_107 = tpu.memref_slice %arg12[%add3A_81, %dma_wait3A] : memref<10848x128xf32, #tpu.memory_space<vmem_shared>> -> memref<113x128xf32, #tpu.memory_space<vmem_shared>>
      tpu.wait_dma2 semaphore(%run_scoped3A : memref<!tpu.dma_semaphore, #tpu.memory_space<semaphore_mem>>) src(%arg4 : memref<113x128xf32, #tpu.memory_space<hbm>>) dst(%dma_wait3A_107 : memref<113x128xf32, #tpu.memory_space<vmem_shared>>)
      tpu.yield
    }) : () -> ()
    %dma_start3A_82 = arith.constant 0 : i32
    %dma_start3A_83 = tpu.memref_slice %arg2[%dma_start3A_82, %mul3A_2] : memref<2x688128xi32, #tpu.memory_space<hbm>> -> memref<1x2688xi32, #tpu.memory_space<hbm>>
    %dma_start3A_84 = tpu.memref_squeeze %dma_start3A_83 : memref<1x2688xi32, #tpu.memory_space<hbm>> -> memref<2688xi32, #tpu.memory_space<hbm>>
    %dma_start3A_85 = tpu.memref_slice %arg2[%dma_start3A_82, %mul3A_2] : memref<2x688128xi32, #tpu.memory_space<hbm>> -> memref<1x2688xi32, #tpu.memory_space<hbm>>
    %dma_start3A_86 = tpu.memref_squeeze %dma_start3A_85 : memref<1x2688xi32, #tpu.memory_space<hbm>> -> memref<2688xi32, #tpu.memory_space<hbm>>
    tpu.enqueue_dma source(%dma_start3A_86 : memref<2688xi32, #tpu.memory_space<hbm>>) target(%arg6 : memref<2688xi32, #tpu.memory_space<vmem>>) target_semaphore(%arg14 : memref<!tpu.dma_semaphore, #tpu.memory_space<semaphore_mem>>)
    %dma_start3A_87 = arith.constant 1 : i32
    %dma_start3A_88 = tpu.memref_slice %arg2[%dma_start3A_87, %mul3A_2] : memref<2x688128xi32, #tpu.memory_space<hbm>> -> memref<1x2688xi32, #tpu.memory_space<hbm>>
    %dma_start3A_89 = tpu.memref_squeeze %dma_start3A_88 : memref<1x2688xi32, #tpu.memory_space<hbm>> -> memref<2688xi32, #tpu.memory_space<hbm>>
    %dma_start3A_90 = tpu.memref_slice %arg2[%dma_start3A_87, %mul3A_2] : memref<2x688128xi32, #tpu.memory_space<hbm>> -> memref<1x2688xi32, #tpu.memory_space<hbm>>
    %dma_start3A_91 = tpu.memref_squeeze %dma_start3A_90 : memref<1x2688xi32, #tpu.memory_space<hbm>> -> memref<2688xi32, #tpu.memory_space<hbm>>
    tpu.enqueue_dma source(%dma_start3A_91 : memref<2688xi32, #tpu.memory_space<hbm>>) target(%arg7 : memref<2688xi32, #tpu.memory_space<vmem>>) target_semaphore(%arg14 : memref<!tpu.dma_semaphore, #tpu.memory_space<semaphore_mem>>)
    %barrier3A_92 = arith.constant 0 : index
    tpu.barrier barrier_id(%barrier3A_92)
    %scan3A_93 = arith.constant 0 : i32
    %scan3A_94 = arith.constant 16 : i32
    %scan3A_95 = arith.addi %scan3A_93, %scan3A_94 : i32
    %scan3A_96 = arith.constant 1 : i32
    scf.for %scan3A_105 = %scan3A_93 to %scan3A_95 step %scan3A_96  : i32 {
      %mul3A_106 = arith.constant 1 : i32
      %mul3A_107 = arith.muli %scan3A_105, %mul3A_106 : i32
      %add3A_108 = arith.constant 0 : i32
      %add3A_109 = arith.addi %add3A_108, %mul3A_107 : i32
      %dma_wait3A = arith.constant 0 : i32
      %dma_wait3A_110 = arith.constant 0 : i32
      %dma_wait3A_111 = tpu.memref_slice %arg2[%dma_wait3A, %dma_wait3A_110] : memref<2x688128xi32, #tpu.memory_space<hbm>> -> memref<1x2688xi32, #tpu.memory_space<hbm>>
      %dma_wait3A_112 = tpu.memref_squeeze %dma_wait3A_111 : memref<1x2688xi32, #tpu.memory_space<hbm>> -> memref<2688xi32, #tpu.memory_space<hbm>>
      %dma_wait3A_113 = arith.constant 0 : i32
      %dma_wait3A_114 = tpu.memref_slice %arg2[%dma_wait3A, %dma_wait3A_113] : memref<2x688128xi32, #tpu.memory_space<hbm>> -> memref<1x2688xi32, #tpu.memory_space<hbm>>
      %dma_wait3A_115 = tpu.memref_squeeze %dma_wait3A_114 : memref<1x2688xi32, #tpu.memory_space<hbm>> -> memref<2688xi32, #tpu.memory_space<hbm>>
      tpu.wait_dma2 semaphore(%arg14 : memref<!tpu.dma_semaphore, #tpu.memory_space<semaphore_mem>>) src(%dma_wait3A_115 : memref<2688xi32, #tpu.memory_space<hbm>>) dst(%arg6 : memref<2688xi32, #tpu.memory_space<vmem>>)
      %dma_wait3A_116 = arith.constant 1 : i32
      %dma_wait3A_117 = arith.constant 0 : i32
      %dma_wait3A_118 = tpu.memref_slice %arg2[%dma_wait3A_116, %dma_wait3A_117] : memref<2x688128xi32, #tpu.memory_space<hbm>> -> memref<1x2688xi32, #tpu.memory_space<hbm>>
      %dma_wait3A_119 = tpu.memref_squeeze %dma_wait3A_118 : memref<1x2688xi32, #tpu.memory_space<hbm>> -> memref<2688xi32, #tpu.memory_space<hbm>>
      %dma_wait3A_120 = arith.constant 0 : i32
      %dma_wait3A_121 = tpu.memref_slice %arg2[%dma_wait3A_116, %dma_wait3A_120] : memref<2x688128xi32, #tpu.memory_space<hbm>> -> memref<1x2688xi32, #tpu.memory_space<hbm>>
      %dma_wait3A_122 = tpu.memref_squeeze %dma_wait3A_121 : memref<1x2688xi32, #tpu.memory_space<hbm>> -> memref<2688xi32, #tpu.memory_space<hbm>>
      tpu.wait_dma2 semaphore(%arg14 : memref<!tpu.dma_semaphore, #tpu.memory_space<semaphore_mem>>) src(%dma_wait3A_122 : memref<2688xi32, #tpu.memory_space<hbm>>) dst(%arg7 : memref<2688xi32, #tpu.memory_space<vmem>>)
      %scan3A_123 = arith.constant 0 : i32
      %scan3A_124 = arith.constant 0 : i32
      %scan3A_125 = arith.constant 21 : i32
      %scan3A_126 = arith.addi %scan3A_124, %scan3A_125 : i32
      %scan3A_127 = arith.constant 1 : i32
      %scan3A_128 = scf.for %scan3A_281 = %scan3A_124 to %scan3A_126 step %scan3A_127 iter_args(%scan3A_282 = %scan3A_123) -> (i32)  : i32 {
        %mul3A_283 = arith.constant 1 : i32
        %mul3A_284 = arith.muli %scan3A_281, %mul3A_283 : i32
        %add3A_285 = arith.constant 0 : i32
        %add3A_286 = arith.addi %add3A_285, %mul3A_284 : i32
        %mul3A_287 = arith.constant 128 : i32
        %mul3A_288 = arith.muli %add3A_286, %mul3A_287 : i32
        %add3A_289 = arith.constant 0 : i32
        %add3A_290 = arith.addi %mul3A_288, %add3A_289 : i32
        %get3A = arith.index_cast %add3A_290 : i32 to index
        %get3A_291 = tpu.vector_load %arg7[%get3A] {strides = array<i32>} : memref<2688xi32, #tpu.memory_space<vmem>>, vector<16xi32>,
        %mul3A_292 = arith.constant 128 : i32
        %mul3A_293 = arith.muli %add3A_286, %mul3A_292 : i32
        %add3A_294 = arith.constant 0 : i32
        %add3A_295 = arith.addi %mul3A_293, %add3A_294 : i32
        %get3A_296 = arith.index_cast %add3A_295 : i32 to index
        %get3A_297 = tpu.vector_load %arg6[%get3A_296] {strides = array<i32>} : memref<2688xi32, #tpu.memory_space<vmem>>, vector<16xi32>,
        %ge3A = vector.broadcast %mul3A_57 : i32 to vector<16xi32>
        %ge3A_298 = arith.cmpi sge, %get3A_291, %ge3A : vector<16xi32>
        %add3A_299 = arith.constant 10752 : i32
        %add3A_300 = arith.addi %mul3A_57, %add3A_299 : i32
        %lt3A_301 = vector.broadcast %add3A_300 : i32 to vector<16xi32>
        %lt3A_302 = arith.cmpi slt, %get3A_291, %lt3A_301 : vector<16xi32>
        %and3A_303 = arith.andi %ge3A_298, %lt3A_302 : vector<16xi1>
        %convert_element_type3A_304 = arith.extui %and3A_303 : vector<16xi1> to vector<16xi32>
        %broadcast_in_dim3A = arith.constant true
        %broadcast_in_dim3A_305 = vector.broadcast %broadcast_in_dim3A : i1 to vector<16xi1>
        %masked_cumsum3A = tpu.scan <sum>, %convert_element_type3A_304 masked %broadcast_in_dim3A_305 : vector<16xi32>, vector<16xi1> -> vector<16xi32>
        %mul3A_306 = arith.constant 128 : i32
        %mul3A_307 = arith.muli %add3A_286, %mul3A_306 : i32
        %add3A_308 = arith.constant 16 : i32
        %add3A_309 = arith.addi %mul3A_307, %add3A_308 : i32
        %get3A_310 = arith.index_cast %add3A_309 : i32 to index
        %get3A_311 = tpu.vector_load %arg7[%get3A_310] {strides = array<i32>} : memref<2688xi32, #tpu.memory_space<vmem>>, vector<16xi32>,
        %mul3A_312 = arith.constant 128 : i32
        %mul3A_313 = arith.muli %add3A_286, %mul3A_312 : i32
        %add3A_314 = arith.constant 16 : i32
        %add3A_315 = arith.addi %mul3A_313, %add3A_314 : i32
        %get3A_316 = arith.index_cast %add3A_315 : i32 to index
        %get3A_317 = tpu.vector_load %arg6[%get3A_316] {strides = array<i32>} : memref<2688xi32, #tpu.memory_space<vmem>>, vector<16xi32>,
        %ge3A_318 = vector.broadcast %mul3A_57 : i32 to vector<16xi32>
        %ge3A_319 = arith.cmpi sge, %get3A_311, %ge3A_318 : vector<16xi32>
        %add3A_320 = arith.constant 10752 : i32
        %add3A_321 = arith.addi %mul3A_57, %add3A_320 : i32
        %lt3A_322 = vector.broadcast %add3A_321 : i32 to vector<16xi32>
        %lt3A_323 = arith.cmpi slt, %get3A_311, %lt3A_322 : vector<16xi32>
        %and3A_324 = arith.andi %ge3A_319, %lt3A_323 : vector<16xi1>
        %convert_element_type3A_325 = arith.extui %and3A_324 : vector<16xi1> to vector<16xi32>
        %broadcast_in_dim3A_326 = arith.constant true
        %broadcast_in_dim3A_327 = vector.broadcast %broadcast_in_dim3A_326 : i1 to vector<16xi1>
        %masked_cumsum3A_328 = tpu.scan <sum>, %convert_element_type3A_325 masked %broadcast_in_dim3A_327 : vector<16xi32>, vector<16xi1> -> vector<16xi32>
        %mul3A_329 = arith.constant 128 : i32
        %mul3A_330 = arith.muli %add3A_286, %mul3A_329 : i32
        %add3A_331 = arith.constant 32 : i32
        %add3A_332 = arith.addi %mul3A_330, %add3A_331 : i32
        %get3A_333 = arith.index_cast %add3A_332 : i32 to index
        %get3A_334 = tpu.vector_load %arg7[%get3A_333] {strides = array<i32>} : memref<2688xi32, #tpu.memory_space<vmem>>, vector<16xi32>,
        %mul3A_335 = arith.constant 128 : i32
        %mul3A_336 = arith.muli %add3A_286, %mul3A_335 : i32
        %add3A_337 = arith.constant 32 : i32
        %add3A_338 = arith.addi %mul3A_336, %add3A_337 : i32
        %get3A_339 = arith.index_cast %add3A_338 : i32 to index
        %get3A_340 = tpu.vector_load %arg6[%get3A_339] {strides = array<i32>} : memref<2688xi32, #tpu.memory_space<vmem>>, vector<16xi32>,
        %ge3A_341 = vector.broadcast %mul3A_57 : i32 to vector<16xi32>
        %ge3A_342 = arith.cmpi sge, %get3A_334, %ge3A_341 : vector<16xi32>
        %add3A_343 = arith.constant 10752 : i32
        %add3A_344 = arith.addi %mul3A_57, %add3A_343 : i32
        %lt3A_345 = vector.broadcast %add3A_344 : i32 to vector<16xi32>
        %lt3A_346 = arith.cmpi slt, %get3A_334, %lt3A_345 : vector<16xi32>
        %and3A_347 = arith.andi %ge3A_342, %lt3A_346 : vector<16xi1>
        %convert_element_type3A_348 = arith.extui %and3A_347 : vector<16xi1> to vector<16xi32>
        %broadcast_in_dim3A_349 = arith.constant true
        %broadcast_in_dim3A_350 = vector.broadcast %broadcast_in_dim3A_349 : i1 to vector<16xi1>
        %masked_cumsum3A_351 = tpu.scan <sum>, %convert_element_type3A_348 masked %broadcast_in_dim3A_350 : vector<16xi32>, vector<16xi1> -> vector<16xi32>
        %mul3A_352 = arith.constant 128 : i32
        %mul3A_353 = arith.muli %add3A_286, %mul3A_352 : i32
        %add3A_354 = arith.constant 48 : i32
        %add3A_355 = arith.addi %mul3A_353, %add3A_354 : i32
        %get3A_356 = arith.index_cast %add3A_355 : i32 to index
        %get3A_357 = tpu.vector_load %arg7[%get3A_356] {strides = array<i32>} : memref<2688xi32, #tpu.memory_space<vmem>>, vector<16xi32>,
        %mul3A_358 = arith.constant 128 : i32
        %mul3A_359 = arith.muli %add3A_286, %mul3A_358 : i32
        %add3A_360 = arith.constant 48 : i32
        %add3A_361 = arith.addi %mul3A_359, %add3A_360 : i32
        %get3A_362 = arith.index_cast %add3A_361 : i32 to index
        %get3A_363 = tpu.vector_load %arg6[%get3A_362] {strides = array<i32>} : memref<2688xi32, #tpu.memory_space<vmem>>, vector<16xi32>,
        %ge3A_364 = vector.broadcast %mul3A_57 : i32 to vector<16xi32>
        %ge3A_365 = arith.cmpi sge, %get3A_357, %ge3A_364 : vector<16xi32>
        %add3A_366 = arith.constant 10752 : i32
        %add3A_367 = arith.addi %mul3A_57, %add3A_366 : i32
        %lt3A_368 = vector.broadcast %add3A_367 : i32 to vector<16xi32>
        %lt3A_369 = arith.cmpi slt, %get3A_357, %lt3A_368 : vector<16xi32>
        %and3A_370 = arith.andi %ge3A_365, %lt3A_369 : vector<16xi1>
        %convert_element_type3A_371 = arith.extui %and3A_370 : vector<16xi1> to vector<16xi32>
        %broadcast_in_dim3A_372 = arith.constant true
        %broadcast_in_dim3A_373 = vector.broadcast %broadcast_in_dim3A_372 : i1 to vector<16xi1>
        %masked_cumsum3A_374 = tpu.scan <sum>, %convert_element_type3A_371 masked %broadcast_in_dim3A_373 : vector<16xi32>, vector<16xi1> -> vector<16xi32>
        %mul3A_375 = arith.constant 128 : i32
        %mul3A_376 = arith.muli %add3A_286, %mul3A_375 : i32
        %add3A_377 = arith.constant 64 : i32
        %add3A_378 = arith.addi %mul3A_376, %add3A_377 : i32
        %get3A_379 = arith.index_cast %add3A_378 : i32 to index
        %get3A_380 = tpu.vector_load %arg7[%get3A_379] {strides = array<i32>} : memref<2688xi32, #tpu.memory_space<vmem>>, vector<16xi32>,
        %mul3A_381 = arith.constant 128 : i32
        %mul3A_382 = arith.muli %add3A_286, %mul3A_381 : i32
        %add3A_383 = arith.constant 64 : i32
        %add3A_384 = arith.addi %mul3A_382, %add3A_383 : i32
        %get3A_385 = arith.index_cast %add3A_384 : i32 to index
        %get3A_386 = tpu.vector_load %arg6[%get3A_385] {strides = array<i32>} : memref<2688xi32, #tpu.memory_space<vmem>>, vector<16xi32>,
        %ge3A_387 = vector.broadcast %mul3A_57 : i32 to vector<16xi32>
        %ge3A_388 = arith.cmpi sge, %get3A_380, %ge3A_387 : vector<16xi32>
        %add3A_389 = arith.constant 10752 : i32
        %add3A_390 = arith.addi %mul3A_57, %add3A_389 : i32
        %lt3A_391 = vector.broadcast %add3A_390 : i32 to vector<16xi32>
        %lt3A_392 = arith.cmpi slt, %get3A_380, %lt3A_391 : vector<16xi32>
        %and3A_393 = arith.andi %ge3A_388, %lt3A_392 : vector<16xi1>
        %convert_element_type3A_394 = arith.extui %and3A_393 : vector<16xi1> to vector<16xi32>
        %broadcast_in_dim3A_395 = arith.constant true
        %broadcast_in_dim3A_396 = vector.broadcast %broadcast_in_dim3A_395 : i1 to vector<16xi1>
        %masked_cumsum3A_397 = tpu.scan <sum>, %convert_element_type3A_394 masked %broadcast_in_dim3A_396 : vector<16xi32>, vector<16xi1> -> vector<16xi32>
        %mul3A_398 = arith.constant 128 : i32
        %mul3A_399 = arith.muli %add3A_286, %mul3A_398 : i32
        %add3A_400 = arith.constant 80 : i32
        %add3A_401 = arith.addi %mul3A_399, %add3A_400 : i32
        %get3A_402 = arith.index_cast %add3A_401 : i32 to index
        %get3A_403 = tpu.vector_load %arg7[%get3A_402] {strides = array<i32>} : memref<2688xi32, #tpu.memory_space<vmem>>, vector<16xi32>,
        %mul3A_404 = arith.constant 128 : i32
        %mul3A_405 = arith.muli %add3A_286, %mul3A_404 : i32
        %add3A_406 = arith.constant 80 : i32
        %add3A_407 = arith.addi %mul3A_405, %add3A_406 : i32
        %get3A_408 = arith.index_cast %add3A_407 : i32 to index
        %get3A_409 = tpu.vector_load %arg6[%get3A_408] {strides = array<i32>} : memref<2688xi32, #tpu.memory_space<vmem>>, vector<16xi32>,
        %ge3A_410 = vector.broadcast %mul3A_57 : i32 to vector<16xi32>
        %ge3A_411 = arith.cmpi sge, %get3A_403, %ge3A_410 : vector<16xi32>
        %add3A_412 = arith.constant 10752 : i32
        %add3A_413 = arith.addi %mul3A_57, %add3A_412 : i32
        %lt3A_414 = vector.broadcast %add3A_413 : i32 to vector<16xi32>
        %lt3A_415 = arith.cmpi slt, %get3A_403, %lt3A_414 : vector<16xi32>
        %and3A_416 = arith.andi %ge3A_411, %lt3A_415 : vector<16xi1>
        %convert_element_type3A_417 = arith.extui %and3A_416 : vector<16xi1> to vector<16xi32>
        %broadcast_in_dim3A_418 = arith.constant true
        %broadcast_in_dim3A_419 = vector.broadcast %broadcast_in_dim3A_418 : i1 to vector<16xi1>
        %masked_cumsum3A_420 = tpu.scan <sum>, %convert_element_type3A_417 masked %broadcast_in_dim3A_419 : vector<16xi32>, vector<16xi1> -> vector<16xi32>
        %mul3A_421 = arith.constant 128 : i32
        %mul3A_422 = arith.muli %add3A_286, %mul3A_421 : i32
        %add3A_423 = arith.constant 96 : i32
        %add3A_424 = arith.addi %mul3A_422, %add3A_423 : i32
        %get3A_425 = arith.index_cast %add3A_424 : i32 to index
        %get3A_426 = tpu.vector_load %arg7[%get3A_425] {strides = array<i32>} : memref<2688xi32, #tpu.memory_space<vmem>>, vector<16xi32>,
        %mul3A_427 = arith.constant 128 : i32
        %mul3A_428 = arith.muli %add3A_286, %mul3A_427 : i32
        %add3A_429 = arith.constant 96 : i32
        %add3A_430 = arith.addi %mul3A_428, %add3A_429 : i32
        %get3A_431 = arith.index_cast %add3A_430 : i32 to index
        %get3A_432 = tpu.vector_load %arg6[%get3A_431] {strides = array<i32>} : memref<2688xi32, #tpu.memory_space<vmem>>, vector<16xi32>,
        %ge3A_433 = vector.broadcast %mul3A_57 : i32 to vector<16xi32>
        %ge3A_434 = arith.cmpi sge, %get3A_426, %ge3A_433 : vector<16xi32>
        %add3A_435 = arith.constant 10752 : i32
        %add3A_436 = arith.addi %mul3A_57, %add3A_435 : i32
        %lt3A_437 = vector.broadcast %add3A_436 : i32 to vector<16xi32>
        %lt3A_438 = arith.cmpi slt, %get3A_426, %lt3A_437 : vector<16xi32>
        %and3A_439 = arith.andi %ge3A_434, %lt3A_438 : vector<16xi1>
        %convert_element_type3A_440 = arith.extui %and3A_439 : vector<16xi1> to vector<16xi32>
        %broadcast_in_dim3A_441 = arith.constant true
        %broadcast_in_dim3A_442 = vector.broadcast %broadcast_in_dim3A_441 : i1 to vector<16xi1>
        %masked_cumsum3A_443 = tpu.scan <sum>, %convert_element_type3A_440 masked %broadcast_in_dim3A_442 : vector<16xi32>, vector<16xi1> -> vector<16xi32>
        %mul3A_444 = arith.constant 128 : i32
        %mul3A_445 = arith.muli %add3A_286, %mul3A_444 : i32
        %add3A_446 = arith.constant 112 : i32
        %add3A_447 = arith.addi %mul3A_445, %add3A_446 : i32
        %get3A_448 = arith.index_cast %add3A_447 : i32 to index
        %get3A_449 = tpu.vector_load %arg7[%get3A_448] {strides = array<i32>} : memref<2688xi32, #tpu.memory_space<vmem>>, vector<16xi32>,
        %mul3A_450 = arith.constant 128 : i32
        %mul3A_451 = arith.muli %add3A_286, %mul3A_450 : i32
        %add3A_452 = arith.constant 112 : i32
        %add3A_453 = arith.addi %mul3A_451, %add3A_452 : i32
        %get3A_454 = arith.index_cast %add3A_453 : i32 to index
        %get3A_455 = tpu.vector_load %arg6[%get3A_454] {strides = array<i32>} : memref<2688xi32, #tpu.memory_space<vmem>>, vector<16xi32>,
        %ge3A_456 = vector.broadcast %mul3A_57 : i32 to vector<16xi32>
        %ge3A_457 = arith.cmpi sge, %get3A_449, %ge3A_456 : vector<16xi32>
        %add3A_458 = arith.constant 10752 : i32
        %add3A_459 = arith.addi %mul3A_57, %add3A_458 : i32
        %lt3A_460 = vector.broadcast %add3A_459 : i32 to vector<16xi32>
        %lt3A_461 = arith.cmpi slt, %get3A_449, %lt3A_460 : vector<16xi32>
        %and3A_462 = arith.andi %ge3A_457, %lt3A_461 : vector<16xi1>
        %convert_element_type3A_463 = arith.extui %and3A_462 : vector<16xi1> to vector<16xi32>
        %broadcast_in_dim3A_464 = arith.constant true
        %broadcast_in_dim3A_465 = vector.broadcast %broadcast_in_dim3A_464 : i1 to vector<16xi1>
        %masked_cumsum3A_466 = tpu.scan <sum>, %convert_element_type3A_463 masked %broadcast_in_dim3A_465 : vector<16xi32>, vector<16xi1> -> vector<16xi32>
        %add3A_467 = vector.broadcast %scan3A_282 : i32 to vector<16xi32>
        %add3A_468 = arith.addi %add3A_467, %masked_cumsum3A : vector<16xi32>
        %sub3A_469 = arith.constant 1 : i32
        %sub3A_470 = vector.broadcast %sub3A_469 : i32 to vector<16xi32>
        %sub3A_471 = arith.subi %add3A_468, %sub3A_470 : vector<16xi32>
        %sub3A_472 = vector.broadcast %mul3A_57 : i32 to vector<16xi32>
        %sub3A_473 = arith.subi %get3A_291, %sub3A_472 : vector<16xi32>
        tpu.vector_store_idx %arg9[%sub3A_471], %sub3A_473 masked %and3A_303 : memref<2816xi32, #tpu.memory_space<vmem>>[vector<16xi32>], vector<16xi32>, vector<16xi1>
        tpu.vector_store_idx %arg8[%sub3A_471], %get3A_297 masked %and3A_303 : memref<2816xi32, #tpu.memory_space<vmem>>[vector<16xi32>], vector<16xi32>, vector<16xi1>
        %slice3A = vector.extract_strided_slice %masked_cumsum3A {offsets = [15], sizes = [1], strides = [1]} : vector<16xi32> to vector<1xi32>
        %squeeze3A = vector.extract %slice3A[0] : i32 from vector<1xi32>
        %add3A_474 = arith.addi %scan3A_282, %squeeze3A : i32
        %add3A_475 = vector.broadcast %add3A_474 : i32 to vector<16xi32>
        %add3A_476 = arith.addi %add3A_475, %masked_cumsum3A_328 : vector<16xi32>
        %sub3A_477 = arith.constant 1 : i32
        %sub3A_478 = vector.broadcast %sub3A_477 : i32 to vector<16xi32>
        %sub3A_479 = arith.subi %add3A_476, %sub3A_478 : vector<16xi32>
        %sub3A_480 = vector.broadcast %mul3A_57 : i32 to vector<16xi32>
        %sub3A_481 = arith.subi %get3A_311, %sub3A_480 : vector<16xi32>
        tpu.vector_store_idx %arg9[%sub3A_479], %sub3A_481 masked %and3A_324 : memref<2816xi32, #tpu.memory_space<vmem>>[vector<16xi32>], vector<16xi32>, vector<16xi1>
        tpu.vector_store_idx %arg8[%sub3A_479], %get3A_317 masked %and3A_324 : memref<2816xi32, #tpu.memory_space<vmem>>[vector<16xi32>], vector<16xi32>, vector<16xi1>
        %slice3A_482 = vector.extract_strided_slice %masked_cumsum3A_328 {offsets = [15], sizes = [1], strides = [1]} : vector<16xi32> to vector<1xi32>
        %squeeze3A_483 = vector.extract %slice3A_482[0] : i32 from vector<1xi32>
        %add3A_484 = arith.addi %add3A_474, %squeeze3A_483 : i32
        %add3A_485 = vector.broadcast %add3A_484 : i32 to vector<16xi32>
        %add3A_486 = arith.addi %add3A_485, %masked_cumsum3A_351 : vector<16xi32>
        %sub3A_487 = arith.constant 1 : i32
        %sub3A_488 = vector.broadcast %sub3A_487 : i32 to vector<16xi32>
        %sub3A_489 = arith.subi %add3A_486, %sub3A_488 : vector<16xi32>
        %sub3A_490 = vector.broadcast %mul3A_57 : i32 to vector<16xi32>
        %sub3A_491 = arith.subi %get3A_334, %sub3A_490 : vector<16xi32>
        tpu.vector_store_idx %arg9[%sub3A_489], %sub3A_491 masked %and3A_347 : memref<2816xi32, #tpu.memory_space<vmem>>[vector<16xi32>], vector<16xi32>, vector<16xi1>
        tpu.vector_store_idx %arg8[%sub3A_489], %get3A_340 masked %and3A_347 : memref<2816xi32, #tpu.memory_space<vmem>>[vector<16xi32>], vector<16xi32>, vector<16xi1>
        %slice3A_492 = vector.extract_strided_slice %masked_cumsum3A_351 {offsets = [15], sizes = [1], strides = [1]} : vector<16xi32> to vector<1xi32>
        %squeeze3A_493 = vector.extract %slice3A_492[0] : i32 from vector<1xi32>
        %add3A_494 = arith.addi %add3A_484, %squeeze3A_493 : i32
        %add3A_495 = vector.broadcast %add3A_494 : i32 to vector<16xi32>
        %add3A_496 = arith.addi %add3A_495, %masked_cumsum3A_374 : vector<16xi32>
        %sub3A_497 = arith.constant 1 : i32
        %sub3A_498 = vector.broadcast %sub3A_497 : i32 to vector<16xi32>
        %sub3A_499 = arith.subi %add3A_496, %sub3A_498 : vector<16xi32>
        %sub3A_500 = vector.broadcast %mul3A_57 : i32 to vector<16xi32>
        %sub3A_501 = arith.subi %get3A_357, %sub3A_500 : vector<16xi32>
        tpu.vector_store_idx %arg9[%sub3A_499], %sub3A_501 masked %and3A_370 : memref<2816xi32, #tpu.memory_space<vmem>>[vector<16xi32>], vector<16xi32>, vector<16xi1>
        tpu.vector_store_idx %arg8[%sub3A_499], %get3A_363 masked %and3A_370 : memref<2816xi32, #tpu.memory_space<vmem>>[vector<16xi32>], vector<16xi32>, vector<16xi1>
        %slice3A_502 = vector.extract_strided_slice %masked_cumsum3A_374 {offsets = [15], sizes = [1], strides = [1]} : vector<16xi32> to vector<1xi32>
        %squeeze3A_503 = vector.extract %slice3A_502[0] : i32 from vector<1xi32>
        %add3A_504 = arith.addi %add3A_494, %squeeze3A_503 : i32
        %add3A_505 = vector.broadcast %add3A_504 : i32 to vector<16xi32>
        %add3A_506 = arith.addi %add3A_505, %masked_cumsum3A_397 : vector<16xi32>
        %sub3A_507 = arith.constant 1 : i32
        %sub3A_508 = vector.broadcast %sub3A_507 : i32 to vector<16xi32>
        %sub3A_509 = arith.subi %add3A_506, %sub3A_508 : vector<16xi32>
        %sub3A_510 = vector.broadcast %mul3A_57 : i32 to vector<16xi32>
        %sub3A_511 = arith.subi %get3A_380, %sub3A_510 : vector<16xi32>
        tpu.vector_store_idx %arg9[%sub3A_509], %sub3A_511 masked %and3A_393 : memref<2816xi32, #tpu.memory_space<vmem>>[vector<16xi32>], vector<16xi32>, vector<16xi1>
        tpu.vector_store_idx %arg8[%sub3A_509], %get3A_386 masked %and3A_393 : memref<2816xi32, #tpu.memory_space<vmem>>[vector<16xi32>], vector<16xi32>, vector<16xi1>
        %slice3A_512 = vector.extract_strided_slice %masked_cumsum3A_397 {offsets = [15], sizes = [1], strides = [1]} : vector<16xi32> to vector<1xi32>
        %squeeze3A_513 = vector.extract %slice3A_512[0] : i32 from vector<1xi32>
        %add3A_514 = arith.addi %add3A_504, %squeeze3A_513 : i32
        %add3A_515 = vector.broadcast %add3A_514 : i32 to vector<16xi32>
        %add3A_516 = arith.addi %add3A_515, %masked_cumsum3A_420 : vector<16xi32>
        %sub3A_517 = arith.constant 1 : i32
        %sub3A_518 = vector.broadcast %sub3A_517 : i32 to vector<16xi32>
        %sub3A_519 = arith.subi %add3A_516, %sub3A_518 : vector<16xi32>
        %sub3A_520 = vector.broadcast %mul3A_57 : i32 to vector<16xi32>
        %sub3A_521 = arith.subi %get3A_403, %sub3A_520 : vector<16xi32>
        tpu.vector_store_idx %arg9[%sub3A_519], %sub3A_521 masked %and3A_416 : memref<2816xi32, #tpu.memory_space<vmem>>[vector<16xi32>], vector<16xi32>, vector<16xi1>
        tpu.vector_store_idx %arg8[%sub3A_519], %get3A_409 masked %and3A_416 : memref<2816xi32, #tpu.memory_space<vmem>>[vector<16xi32>], vector<16xi32>, vector<16xi1>
        %slice3A_522 = vector.extract_strided_slice %masked_cumsum3A_420 {offsets = [15], sizes = [1], strides = [1]} : vector<16xi32> to vector<1xi32>
        %squeeze3A_523 = vector.extract %slice3A_522[0] : i32 from vector<1xi32>
        %add3A_524 = arith.addi %add3A_514, %squeeze3A_523 : i32
        %add3A_525 = vector.broadcast %add3A_524 : i32 to vector<16xi32>
        %add3A_526 = arith.addi %add3A_525, %masked_cumsum3A_443 : vector<16xi32>
        %sub3A_527 = arith.constant 1 : i32
        %sub3A_528 = vector.broadcast %sub3A_527 : i32 to vector<16xi32>
        %sub3A_529 = arith.subi %add3A_526, %sub3A_528 : vector<16xi32>
        %sub3A_530 = vector.broadcast %mul3A_57 : i32 to vector<16xi32>
        %sub3A_531 = arith.subi %get3A_426, %sub3A_530 : vector<16xi32>
        tpu.vector_store_idx %arg9[%sub3A_529], %sub3A_531 masked %and3A_439 : memref<2816xi32, #tpu.memory_space<vmem>>[vector<16xi32>], vector<16xi32>, vector<16xi1>
        tpu.vector_store_idx %arg8[%sub3A_529], %get3A_432 masked %and3A_439 : memref<2816xi32, #tpu.memory_space<vmem>>[vector<16xi32>], vector<16xi32>, vector<16xi1>
        %slice3A_532 = vector.extract_strided_slice %masked_cumsum3A_443 {offsets = [15], sizes = [1], strides = [1]} : vector<16xi32> to vector<1xi32>
        %squeeze3A_533 = vector.extract %slice3A_532[0] : i32 from vector<1xi32>
        %add3A_534 = arith.addi %add3A_524, %squeeze3A_533 : i32
        %add3A_535 = vector.broadcast %add3A_534 : i32 to vector<16xi32>
        %add3A_536 = arith.addi %add3A_535, %masked_cumsum3A_466 : vector<16xi32>
        %sub3A_537 = arith.constant 1 : i32
        %sub3A_538 = vector.broadcast %sub3A_537 : i32 to vector<16xi32>
        %sub3A_539 = arith.subi %add3A_536, %sub3A_538 : vector<16xi32>
        %sub3A_540 = vector.broadcast %mul3A_57 : i32 to vector<16xi32>
        %sub3A_541 = arith.subi %get3A_449, %sub3A_540 : vector<16xi32>
        tpu.vector_store_idx %arg9[%sub3A_539], %sub3A_541 masked %and3A_462 : memref<2816xi32, #tpu.memory_space<vmem>>[vector<16xi32>], vector<16xi32>, vector<16xi1>
        tpu.vector_store_idx %arg8[%sub3A_539], %get3A_455 masked %and3A_462 : memref<2816xi32, #tpu.memory_space<vmem>>[vector<16xi32>], vector<16xi32>, vector<16xi1>
        %slice3A_542 = vector.extract_strided_slice %masked_cumsum3A_466 {offsets = [15], sizes = [1], strides = [1]} : vector<16xi32> to vector<1xi32>
        %squeeze3A_543 = vector.extract %slice3A_542[0] : i32 from vector<1xi32>
        %add3A_544 = arith.addi %add3A_534, %squeeze3A_543 : i32
        scf.yield %add3A_544 : i32
      }
      %scan3A_129 = arith.constant 21 : i32
      %lt3A = arith.constant 15 : i32
      %lt3A_130 = arith.cmpi slt, %add3A_109, %lt3A : i32
      %convert_element_type3A = arith.extui %lt3A_130 : i1 to i32
      %cond3A = arith.constant 0 : i32
      %cond3A_131 = arith.cmpi ne, %convert_element_type3A, %cond3A : i32
      scf.if %cond3A_131 {
        %add3A_281 = arith.constant 1 : i32
        %add3A_282 = arith.addi %add3A_109, %add3A_281 : i32
        %mul3A_283 = arith.constant 2688 : i32
        %mul3A_284 = arith.muli %add3A_282, %mul3A_283 : i32
        %add3A_285 = arith.addi %mul3A_2, %mul3A_284 : i32
        %dma_start3A_286 = arith.constant 0 : i32
        %dma_start3A_287 = tpu.memref_slice %arg2[%dma_start3A_286, %add3A_285] : memref<2x688128xi32, #tpu.memory_space<hbm>> -> memref<1x2688xi32, #tpu.memory_space<hbm>>
        %dma_start3A_288 = tpu.memref_squeeze %dma_start3A_287 : memref<1x2688xi32, #tpu.memory_space<hbm>> -> memref<2688xi32, #tpu.memory_space<hbm>>
        %dma_start3A_289 = tpu.memref_slice %arg2[%dma_start3A_286, %add3A_285] : memref<2x688128xi32, #tpu.memory_space<hbm>> -> memref<1x2688xi32, #tpu.memory_space<hbm>>
        %dma_start3A_290 = tpu.memref_squeeze %dma_start3A_289 : memref<1x2688xi32, #tpu.memory_space<hbm>> -> memref<2688xi32, #tpu.memory_space<hbm>>
        tpu.enqueue_dma source(%dma_start3A_290 : memref<2688xi32, #tpu.memory_space<hbm>>) target(%arg6 : memref<2688xi32, #tpu.memory_space<vmem>>) target_semaphore(%arg14 : memref<!tpu.dma_semaphore, #tpu.memory_space<semaphore_mem>>)
        %add3A_291 = arith.constant 1 : i32
        %add3A_292 = arith.addi %add3A_109, %add3A_291 : i32
        %mul3A_293 = arith.constant 2688 : i32
        %mul3A_294 = arith.muli %add3A_292, %mul3A_293 : i32
        %add3A_295 = arith.addi %mul3A_2, %mul3A_294 : i32
        %dma_start3A_296 = arith.constant 1 : i32
        %dma_start3A_297 = tpu.memref_slice %arg2[%dma_start3A_296, %add3A_295] : memref<2x688128xi32, #tpu.memory_space<hbm>> -> memref<1x2688xi32, #tpu.memory_space<hbm>>
        %dma_start3A_298 = tpu.memref_squeeze %dma_start3A_297 : memref<1x2688xi32, #tpu.memory_space<hbm>> -> memref<2688xi32, #tpu.memory_space<hbm>>
        %dma_start3A_299 = tpu.memref_slice %arg2[%dma_start3A_296, %add3A_295] : memref<2x688128xi32, #tpu.memory_space<hbm>> -> memref<1x2688xi32, #tpu.memory_space<hbm>>
        %dma_start3A_300 = tpu.memref_squeeze %dma_start3A_299 : memref<1x2688xi32, #tpu.memory_space<hbm>> -> memref<2688xi32, #tpu.memory_space<hbm>>
        tpu.enqueue_dma source(%dma_start3A_300 : memref<2688xi32, #tpu.memory_space<hbm>>) target(%arg7 : memref<2688xi32, #tpu.memory_space<vmem>>) target_semaphore(%arg14 : memref<!tpu.dma_semaphore, #tpu.memory_space<semaphore_mem>>)
      } else {
      }
      %add3A_132 = arith.constant 0 : i32
      %add3A_133 = vector.broadcast %add3A_132 : i32 to vector<16xi32>
      %add3A_134 = arith.addi %add3A_133, %iota3A : vector<16xi32>
      %add3A_135 = vector.broadcast %scan3A_128 : i32 to vector<16xi32>
      %add3A_136 = arith.addi %add3A_135, %add3A_134 : vector<16xi32>
      tpu.vector_store_idx %arg8[%add3A_136], %add3A_134 : memref<2816xi32, #tpu.memory_space<vmem>>[vector<16xi32>], vector<16xi32>,
      %add3A_137 = vector.broadcast %scan3A_128 : i32 to vector<16xi32>
      %add3A_138 = arith.addi %add3A_137, %add3A_134 : vector<16xi32>
      %rem3A = arith.constant 96 : i32
      %rem3A_139 = vector.broadcast %rem3A : i32 to vector<16xi32>
      %rem3A_140 = arith.remsi %add3A_134, %rem3A_139 : vector<16xi32>
      %add3A_141 = arith.constant 10752 : i32
      %add3A_142 = vector.broadcast %add3A_141 : i32 to vector<16xi32>
      %add3A_143 = arith.addi %add3A_142, %rem3A_140 : vector<16xi32>
      tpu.vector_store_idx %arg9[%add3A_138], %add3A_143 : memref<2816xi32, #tpu.memory_space<vmem>>[vector<16xi32>], vector<16xi32>,
      %add3A_144 = arith.constant 16 : i32
      %add3A_145 = vector.broadcast %add3A_144 : i32 to vector<16xi32>
      %add3A_146 = arith.addi %add3A_145, %iota3A : vector<16xi32>
      %add3A_147 = vector.broadcast %scan3A_128 : i32 to vector<16xi32>
      %add3A_148 = arith.addi %add3A_147, %add3A_146 : vector<16xi32>
      tpu.vector_store_idx %arg8[%add3A_148], %add3A_146 : memref<2816xi32, #tpu.memory_space<vmem>>[vector<16xi32>], vector<16xi32>,
      %add3A_149 = vector.broadcast %scan3A_128 : i32 to vector<16xi32>
      %add3A_150 = arith.addi %add3A_149, %add3A_146 : vector<16xi32>
      %rem3A_151 = arith.constant 96 : i32
      %rem3A_152 = vector.broadcast %rem3A_151 : i32 to vector<16xi32>
      %rem3A_153 = arith.remsi %add3A_146, %rem3A_152 : vector<16xi32>
      %add3A_154 = arith.constant 10752 : i32
      %add3A_155 = vector.broadcast %add3A_154 : i32 to vector<16xi32>
      %add3A_156 = arith.addi %add3A_155, %rem3A_153 : vector<16xi32>
      tpu.vector_store_idx %arg9[%add3A_150], %add3A_156 : memref<2816xi32, #tpu.memory_space<vmem>>[vector<16xi32>], vector<16xi32>,
      %add3A_157 = arith.constant 32 : i32
      %add3A_158 = vector.broadcast %add3A_157 : i32 to vector<16xi32>
      %add3A_159 = arith.addi %add3A_158, %iota3A : vector<16xi32>
      %add3A_160 = vector.broadcast %scan3A_128 : i32 to vector<16xi32>
      %add3A_161 = arith.addi %add3A_160, %add3A_159 : vector<16xi32>
      tpu.vector_store_idx %arg8[%add3A_161], %add3A_159 : memref<2816xi32, #tpu.memory_space<vmem>>[vector<16xi32>], vector<16xi32>,
      %add3A_162 = vector.broadcast %scan3A_128 : i32 to vector<16xi32>
      %add3A_163 = arith.addi %add3A_162, %add3A_159 : vector<16xi32>
      %rem3A_164 = arith.constant 96 : i32
      %rem3A_165 = vector.broadcast %rem3A_164 : i32 to vector<16xi32>
      %rem3A_166 = arith.remsi %add3A_159, %rem3A_165 : vector<16xi32>
      %add3A_167 = arith.constant 10752 : i32
      %add3A_168 = vector.broadcast %add3A_167 : i32 to vector<16xi32>
      %add3A_169 = arith.addi %add3A_168, %rem3A_166 : vector<16xi32>
      tpu.vector_store_idx %arg9[%add3A_163], %add3A_169 : memref<2816xi32, #tpu.memory_space<vmem>>[vector<16xi32>], vector<16xi32>,
      %add3A_170 = arith.constant 48 : i32
      %add3A_171 = vector.broadcast %add3A_170 : i32 to vector<16xi32>
      %add3A_172 = arith.addi %add3A_171, %iota3A : vector<16xi32>
      %add3A_173 = vector.broadcast %scan3A_128 : i32 to vector<16xi32>
      %add3A_174 = arith.addi %add3A_173, %add3A_172 : vector<16xi32>
      tpu.vector_store_idx %arg8[%add3A_174], %add3A_172 : memref<2816xi32, #tpu.memory_space<vmem>>[vector<16xi32>], vector<16xi32>,
      %add3A_175 = vector.broadcast %scan3A_128 : i32 to vector<16xi32>
      %add3A_176 = arith.addi %add3A_175, %add3A_172 : vector<16xi32>
      %rem3A_177 = arith.constant 96 : i32
      %rem3A_178 = vector.broadcast %rem3A_177 : i32 to vector<16xi32>
      %rem3A_179 = arith.remsi %add3A_172, %rem3A_178 : vector<16xi32>
      %add3A_180 = arith.constant 10752 : i32
      %add3A_181 = vector.broadcast %add3A_180 : i32 to vector<16xi32>
      %add3A_182 = arith.addi %add3A_181, %rem3A_179 : vector<16xi32>
      tpu.vector_store_idx %arg9[%add3A_176], %add3A_182 : memref<2816xi32, #tpu.memory_space<vmem>>[vector<16xi32>], vector<16xi32>,
      %add3A_183 = arith.constant 64 : i32
      %add3A_184 = vector.broadcast %add3A_183 : i32 to vector<16xi32>
      %add3A_185 = arith.addi %add3A_184, %iota3A : vector<16xi32>
      %add3A_186 = vector.broadcast %scan3A_128 : i32 to vector<16xi32>
      %add3A_187 = arith.addi %add3A_186, %add3A_185 : vector<16xi32>
      tpu.vector_store_idx %arg8[%add3A_187], %add3A_185 : memref<2816xi32, #tpu.memory_space<vmem>>[vector<16xi32>], vector<16xi32>,
      %add3A_188 = vector.broadcast %scan3A_128 : i32 to vector<16xi32>
      %add3A_189 = arith.addi %add3A_188, %add3A_185 : vector<16xi32>
      %rem3A_190 = arith.constant 96 : i32
      %rem3A_191 = vector.broadcast %rem3A_190 : i32 to vector<16xi32>
      %rem3A_192 = arith.remsi %add3A_185, %rem3A_191 : vector<16xi32>
      %add3A_193 = arith.constant 10752 : i32
      %add3A_194 = vector.broadcast %add3A_193 : i32 to vector<16xi32>
      %add3A_195 = arith.addi %add3A_194, %rem3A_192 : vector<16xi32>
      tpu.vector_store_idx %arg9[%add3A_189], %add3A_195 : memref<2816xi32, #tpu.memory_space<vmem>>[vector<16xi32>], vector<16xi32>,
      %add3A_196 = arith.constant 80 : i32
      %add3A_197 = vector.broadcast %add3A_196 : i32 to vector<16xi32>
      %add3A_198 = arith.addi %add3A_197, %iota3A : vector<16xi32>
      %add3A_199 = vector.broadcast %scan3A_128 : i32 to vector<16xi32>
      %add3A_200 = arith.addi %add3A_199, %add3A_198 : vector<16xi32>
      tpu.vector_store_idx %arg8[%add3A_200], %add3A_198 : memref<2816xi32, #tpu.memory_space<vmem>>[vector<16xi32>], vector<16xi32>,
      %add3A_201 = vector.broadcast %scan3A_128 : i32 to vector<16xi32>
      %add3A_202 = arith.addi %add3A_201, %add3A_198 : vector<16xi32>
      %rem3A_203 = arith.constant 96 : i32
      %rem3A_204 = vector.broadcast %rem3A_203 : i32 to vector<16xi32>
      %rem3A_205 = arith.remsi %add3A_198, %rem3A_204 : vector<16xi32>
      %add3A_206 = arith.constant 10752 : i32
      %add3A_207 = vector.broadcast %add3A_206 : i32 to vector<16xi32>
      %add3A_208 = arith.addi %add3A_207, %rem3A_205 : vector<16xi32>
      tpu.vector_store_idx %arg9[%add3A_202], %add3A_208 : memref<2816xi32, #tpu.memory_space<vmem>>[vector<16xi32>], vector<16xi32>,
      %add3A_209 = arith.constant 96 : i32
      %add3A_210 = vector.broadcast %add3A_209 : i32 to vector<16xi32>
      %add3A_211 = arith.addi %add3A_210, %iota3A : vector<16xi32>
      %add3A_212 = vector.broadcast %scan3A_128 : i32 to vector<16xi32>
      %add3A_213 = arith.addi %add3A_212, %add3A_211 : vector<16xi32>
      tpu.vector_store_idx %arg8[%add3A_213], %add3A_211 : memref<2816xi32, #tpu.memory_space<vmem>>[vector<16xi32>], vector<16xi32>,
      %add3A_214 = vector.broadcast %scan3A_128 : i32 to vector<16xi32>
      %add3A_215 = arith.addi %add3A_214, %add3A_211 : vector<16xi32>
      %rem3A_216 = arith.constant 96 : i32
      %rem3A_217 = vector.broadcast %rem3A_216 : i32 to vector<16xi32>
      %rem3A_218 = arith.remsi %add3A_211, %rem3A_217 : vector<16xi32>
      %add3A_219 = arith.constant 10752 : i32
      %add3A_220 = vector.broadcast %add3A_219 : i32 to vector<16xi32>
      %add3A_221 = arith.addi %add3A_220, %rem3A_218 : vector<16xi32>
      tpu.vector_store_idx %arg9[%add3A_215], %add3A_221 : memref<2816xi32, #tpu.memory_space<vmem>>[vector<16xi32>], vector<16xi32>,
      %add3A_222 = arith.constant 112 : i32
      %add3A_223 = vector.broadcast %add3A_222 : i32 to vector<16xi32>
      %add3A_224 = arith.addi %add3A_223, %iota3A : vector<16xi32>
      %add3A_225 = vector.broadcast %scan3A_128 : i32 to vector<16xi32>
      %add3A_226 = arith.addi %add3A_225, %add3A_224 : vector<16xi32>
      tpu.vector_store_idx %arg8[%add3A_226], %add3A_224 : memref<2816xi32, #tpu.memory_space<vmem>>[vector<16xi32>], vector<16xi32>,
      %add3A_227 = vector.broadcast %scan3A_128 : i32 to vector<16xi32>
      %add3A_228 = arith.addi %add3A_227, %add3A_224 : vector<16xi32>
      %rem3A_229 = arith.constant 96 : i32
      %rem3A_230 = vector.broadcast %rem3A_229 : i32 to vector<16xi32>
      %rem3A_231 = arith.remsi %add3A_224, %rem3A_230 : vector<16xi32>
      %add3A_232 = arith.constant 10752 : i32
      %add3A_233 = vector.broadcast %add3A_232 : i32 to vector<16xi32>
      %add3A_234 = arith.addi %add3A_233, %rem3A_231 : vector<16xi32>
      tpu.vector_store_idx %arg9[%add3A_228], %add3A_234 : memref<2816xi32, #tpu.memory_space<vmem>>[vector<16xi32>], vector<16xi32>,
      %gt3A = arith.constant 0 : i32
      %gt3A_235 = arith.cmpi sgt, %scan3A_128, %gt3A : i32
      %convert_element_type3A_236 = arith.extui %gt3A_235 : i1 to i32
      %cond3A_237 = arith.constant 0 : i32
      %cond3A_238 = arith.cmpi ne, %convert_element_type3A_236, %cond3A_237 : i32
      scf.if %cond3A_238 {
        %dma_start3A_281 = arith.constant 0 : i32
        %dma_start3A_282 = arith.constant 0 : i32
        %dma_start3A_283 = arith.constant 0 : i32
        %dma_start3A_284 = tpu.memref_slice %arg11[%dma_start3A_281, %dma_start3A_282, %dma_start3A_283] : memref<2x128x128xf32, #tpu.memory_space<vmem>> -> memref<1x128x128xf32, #tpu.memory_space<vmem>>
        %dma_start3A_285 = tpu.memref_squeeze %dma_start3A_284 : memref<1x128x128xf32, #tpu.memory_space<vmem>> -> memref<128x128xf32, #tpu.memory_space<vmem>>
        %dma_start3A_286 = arith.constant 0 : i32
        %dma_start3A_287 = tpu.memref_slice %arg8[%dma_start3A_286] : memref<2816xi32, #tpu.memory_space<vmem>> -> memref<128xi32, #tpu.memory_space<vmem>>
        %dma_start3A_288 = arith.constant 0 : i32
        %dma_start3A_289 = arith.constant 0 : i32
        %dma_start3A_290 = tpu.memref_slice %arg3[%dma_start3A_288, %dma_start3A_289] : memref<43008x128xf32, #tpu.memory_space<hbm>> -> memref<43008x128xf32, #tpu.memory_space<hbm>>
        tpu.enqueue_indirect_dma source(%dma_start3A_290 : memref<43008x128xf32, #tpu.memory_space<hbm>>) target(%dma_start3A_285 : memref<128x128xf32, #tpu.memory_space<vmem>>) offsets(%dma_start3A_287 : memref<128xi32, #tpu.memory_space<vmem>>) semaphore(%arg13 : memref<!tpu.dma_semaphore, #tpu.memory_space<semaphore_mem>>)
      } else {
      }
      %add3A_239 = arith.constant 128 : i32
      %add3A_240 = arith.addi %scan3A_128, %add3A_239 : i32
      %sub3A = arith.constant 1 : i32
      %sub3A_241 = arith.subi %add3A_240, %sub3A : i32
      %jit3A = arith.constant 128 : i32
      %div3A = arith.divsi %sub3A_241, %jit3A : i32
      %sign3A = arith.constant 0 : i32
      %sign3A_242 = arith.cmpi sgt, %sub3A_241, %sign3A : i32
      %sign3A_243 = arith.extui %sign3A_242 : i1 to i32
      %sign3A_244 = arith.constant 0 : i32
      %sign3A_245 = arith.cmpi slt, %sub3A_241, %sign3A_244 : i32
      %sign3A_246 = arith.extui %sign3A_245 : i1 to i32
      %sign3A_247 = arith.subi %sign3A_243, %sign3A_246 : i32
      %sign3A_248 = arith.constant 0 : i32
      %sign3A_249 = arith.cmpi sgt, %jit3A, %sign3A_248 : i32
      %sign3A_250 = arith.extui %sign3A_249 : i1 to i32
      %sign3A_251 = arith.constant 0 : i32
      %sign3A_252 = arith.cmpi slt, %jit3A, %sign3A_251 : i32
      %sign3A_253 = arith.extui %sign3A_252 : i1 to i32
      %sign3A_254 = arith.subi %sign3A_250, %sign3A_253 : i32
      %ne3A = arith.cmpi ne, %sign3A_247, %sign3A_254 : i32
      %rem3A_255 = arith.remsi %sub3A_241, %jit3A : i32
      %ne3A_256 = arith.constant 0 : i32
      %ne3A_257 = arith.cmpi ne, %rem3A_255, %ne3A_256 : i32
      %and3A = arith.andi %ne3A, %ne3A_257 : i1
      %sub3A_258 = arith.constant 1 : i32
      %sub3A_259 = arith.subi %div3A, %sub3A_258 : i32
      %select_n3A = arith.select %and3A, %sub3A_259, %div3A : i32
      %scan3A_260 = arith.constant 0 : i32
      %scan3A_261 = arith.constant 22 : i32
      %scan3A_262 = arith.addi %scan3A_260, %scan3A_261 : i32
      %scan3A_263 = arith.constant 1 : i32
      scf.for %scan3A_281 = %scan3A_260 to %scan3A_262 step %scan3A_263  : i32 {
        %mul3A_282 = arith.constant 1 : i32
        %mul3A_283 = arith.muli %scan3A_281, %mul3A_282 : i32
        %add3A_284 = arith.constant 0 : i32
        %add3A_285 = arith.addi %add3A_284, %mul3A_283 : i32
        %mul3A_286 = arith.constant 128 : i32
        %mul3A_287 = arith.muli %add3A_285, %mul3A_286 : i32
        %lt3A_288 = arith.cmpi slt, %mul3A_287, %scan3A_128 : i32
        %convert_element_type3A_289 = arith.extui %lt3A_288 : i1 to i32
        %cond3A_290 = arith.constant 0 : i32
        %cond3A_291 = arith.cmpi ne, %convert_element_type3A_289, %cond3A_290 : i32
        scf.if %cond3A_291 {
          %rem3A_292 = arith.constant 2 : i32
          %rem3A_293 = arith.remsi %add3A_285, %rem3A_292 : i32
          %ge3A = arith.constant 2 : i32
          %ge3A_294 = arith.cmpi sge, %add3A_285, %ge3A : i32
          %eq3A_295 = arith.constant 0 : i32
          %eq3A_296 = arith.cmpi eq, %rem3A_293, %eq3A_295 : i32
          %and3A_297 = arith.andi %ge3A_294, %eq3A_296 : i1
          %convert_element_type3A_298 = arith.extui %and3A_297 : i1 to i32
          %cond3A_299 = arith.constant 0 : i32
          %cond3A_300 = arith.cmpi ne, %convert_element_type3A_298, %cond3A_299 : i32
          scf.if %cond3A_300 {
            %dma_wait3A_339 = arith.constant 1 : i32
            %dma_wait3A_340 = arith.constant 1 : i32
            %dma_wait3A_341 = arith.constant 0 : i32
            %dma_wait3A_342 = arith.constant 0 : i32
            %dma_wait3A_343 = tpu.memref_slice %arg11[%dma_wait3A_339, %dma_wait3A_341, %dma_wait3A_342] : memref<2x128x128xf32, #tpu.memory_space<vmem>> -> memref<1x128x128xf32, #tpu.memory_space<vmem>>
            %dma_wait3A_344 = tpu.memref_squeeze %dma_wait3A_343 : memref<1x128x128xf32, #tpu.memory_space<vmem>> -> memref<128x128xf32, #tpu.memory_space<vmem>>
            %dma_wait3A_345 = arith.constant 0 : i32
            %dma_wait3A_346 = tpu.memref_slice %arg10[%dma_wait3A_340, %dma_wait3A_345] : memref<2x128xi32, #tpu.memory_space<vmem>> -> memref<1x128xi32, #tpu.memory_space<vmem>>
            %dma_wait3A_347 = tpu.memref_squeeze %dma_wait3A_346 : memref<1x128xi32, #tpu.memory_space<vmem>> -> memref<128xi32, #tpu.memory_space<vmem>>
            %dma_wait3A_348 = arith.constant 0 : i32
            %dma_wait3A_349 = arith.constant 0 : i32
            %dma_wait3A_350 = tpu.memref_slice %arg12[%dma_wait3A_348, %dma_wait3A_349] : memref<10848x128xf32, #tpu.memory_space<vmem_shared>> -> memref<10848x128xf32, #tpu.memory_space<vmem_shared>>
            tpu.wait_indirect_dma semaphore(%arg16 : memref<!tpu.dma_semaphore, #tpu.memory_space<semaphore_mem>>) src(%dma_wait3A_344 : memref<128x128xf32, #tpu.memory_space<vmem>>) dst(%dma_wait3A_350 : memref<10848x128xf32, #tpu.memory_space<vmem_shared>>)
          } else {
          }
          %eq3A_301 = arith.constant 1 : i32
          %eq3A_302 = arith.cmpi eq, %rem3A_293, %eq3A_301 : i32
          %convert_element_type3A_303 = arith.extui %eq3A_302 : i1 to i32
          %cond3A_304 = arith.constant 0 : i32
          %cond3A_305 = arith.cmpi ne, %convert_element_type3A_303, %cond3A_304 : i32
          scf.if %cond3A_305 {
            %dma_wait3A_339 = arith.constant 0 : i32
            %dma_wait3A_340 = arith.constant 0 : i32
            %dma_wait3A_341 = arith.constant 0 : i32
            %dma_wait3A_342 = arith.constant 0 : i32
            %dma_wait3A_343 = tpu.memref_slice %arg11[%dma_wait3A_339, %dma_wait3A_341, %dma_wait3A_342] : memref<2x128x128xf32, #tpu.memory_space<vmem>> -> memref<1x128x128xf32, #tpu.memory_space<vmem>>
            %dma_wait3A_344 = tpu.memref_squeeze %dma_wait3A_343 : memref<1x128x128xf32, #tpu.memory_space<vmem>> -> memref<128x128xf32, #tpu.memory_space<vmem>>
            %dma_wait3A_345 = arith.constant 0 : i32
            %dma_wait3A_346 = tpu.memref_slice %arg10[%dma_wait3A_340, %dma_wait3A_345] : memref<2x128xi32, #tpu.memory_space<vmem>> -> memref<1x128xi32, #tpu.memory_space<vmem>>
            %dma_wait3A_347 = tpu.memref_squeeze %dma_wait3A_346 : memref<1x128xi32, #tpu.memory_space<vmem>> -> memref<128xi32, #tpu.memory_space<vmem>>
            %dma_wait3A_348 = arith.constant 0 : i32
            %dma_wait3A_349 = arith.constant 0 : i32
            %dma_wait3A_350 = tpu.memref_slice %arg12[%dma_wait3A_348, %dma_wait3A_349] : memref<10848x128xf32, #tpu.memory_space<vmem_shared>> -> memref<10848x128xf32, #tpu.memory_space<vmem_shared>>
            tpu.wait_indirect_dma semaphore(%arg15 : memref<!tpu.dma_semaphore, #tpu.memory_space<semaphore_mem>>) src(%dma_wait3A_344 : memref<128x128xf32, #tpu.memory_space<vmem>>) dst(%dma_wait3A_350 : memref<10848x128xf32, #tpu.memory_space<vmem_shared>>)
          } else {
          }
          %dma_wait3A_306 = arith.constant 0 : i32
          %dma_wait3A_307 = arith.constant 0 : i32
          %dma_wait3A_308 = arith.constant 0 : i32
          %dma_wait3A_309 = tpu.memref_slice %arg11[%dma_wait3A_306, %dma_wait3A_307, %dma_wait3A_308] : memref<2x128x128xf32, #tpu.memory_space<vmem>> -> memref<1x128x128xf32, #tpu.memory_space<vmem>>
          %dma_wait3A_310 = tpu.memref_squeeze %dma_wait3A_309 : memref<1x128x128xf32, #tpu.memory_space<vmem>> -> memref<128x128xf32, #tpu.memory_space<vmem>>
          %dma_wait3A_311 = arith.constant 0 : i32
          %dma_wait3A_312 = arith.constant 0 : i32
          %dma_wait3A_313 = tpu.memref_slice %arg3[%dma_wait3A_311, %dma_wait3A_312] : memref<43008x128xf32, #tpu.memory_space<hbm>> -> memref<128x128xf32, #tpu.memory_space<hbm>>
          %dma_wait3A_314 = arith.constant 0 : i32
          %dma_wait3A_315 = arith.constant 0 : i32
          %dma_wait3A_316 = tpu.memref_slice %arg11[%dma_wait3A_306, %dma_wait3A_314, %dma_wait3A_315] : memref<2x128x128xf32, #tpu.memory_space<vmem>> -> memref<1x128x128xf32, #tpu.memory_space<vmem>>
          %dma_wait3A_317 = tpu.memref_squeeze %dma_wait3A_316 : memref<1x128x128xf32, #tpu.memory_space<vmem>> -> memref<128x128xf32, #tpu.memory_space<vmem>>
          %dma_wait3A_318 = arith.constant 0 : i32
          %dma_wait3A_319 = arith.constant 0 : i32
          %dma_wait3A_320 = tpu.memref_slice %arg3[%dma_wait3A_318, %dma_wait3A_319] : memref<43008x128xf32, #tpu.memory_space<hbm>> -> memref<128x128xf32, #tpu.memory_space<hbm>>
          tpu.wait_dma2 semaphore(%arg13 : memref<!tpu.dma_semaphore, #tpu.memory_space<semaphore_mem>>) src(%dma_wait3A_320 : memref<128x128xf32, #tpu.memory_space<hbm>>) dst(%dma_wait3A_317 : memref<128x128xf32, #tpu.memory_space<vmem>>)
          %add3A_321 = arith.constant 1 : i32
          %add3A_322 = arith.addi %add3A_285, %add3A_321 : i32
          %mul3A_323 = arith.constant 128 : i32
          %mul3A_324 = arith.muli %add3A_322, %mul3A_323 : i32
          %lt3A_325 = arith.cmpi slt, %mul3A_324, %scan3A_128 : i32
          %convert_element_type3A_326 = arith.extui %lt3A_325 : i1 to i32
          %cond3A_327 = arith.constant 0 : i32
          %cond3A_328 = arith.cmpi ne, %convert_element_type3A_326, %cond3A_327 : i32
          scf.if %cond3A_328 {
            %add3A_339 = arith.constant 1 : i32
            %add3A_340 = arith.addi %add3A_285, %add3A_339 : i32
            %mul3A_341 = arith.constant 128 : i32
            %mul3A_342 = arith.muli %add3A_340, %mul3A_341 : i32
            %sub3A_343 = arith.constant 1 : i32
            %sub3A_344 = arith.subi %sub3A_343, %rem3A_293 : i32
            %dma_start3A_345 = arith.constant 0 : i32
            %dma_start3A_346 = arith.constant 0 : i32
            %dma_start3A_347 = tpu.memref_slice %arg11[%sub3A_344, %dma_start3A_345, %dma_start3A_346] : memref<2x128x128xf32, #tpu.memory_space<vmem>> -> memref<1x128x128xf32, #tpu.memory_space<vmem>>
            %dma_start3A_348 = tpu.memref_squeeze %dma_start3A_347 : memref<1x128x128xf32, #tpu.memory_space<vmem>> -> memref<128x128xf32, #tpu.memory_space<vmem>>
            %dma_start3A_349 = tpu.memref_slice %arg8[%mul3A_342] : memref<2816xi32, #tpu.memory_space<vmem>> -> memref<128xi32, #tpu.memory_space<vmem>>
            %dma_start3A_350 = arith.constant 0 : i32
            %dma_start3A_351 = arith.constant 0 : i32
            %dma_start3A_352 = tpu.memref_slice %arg3[%dma_start3A_350, %dma_start3A_351] : memref<43008x128xf32, #tpu.memory_space<hbm>> -> memref<43008x128xf32, #tpu.memory_space<hbm>>
            tpu.enqueue_indirect_dma source(%dma_start3A_352 : memref<43008x128xf32, #tpu.memory_space<hbm>>) target(%dma_start3A_348 : memref<128x128xf32, #tpu.memory_space<vmem>>) offsets(%dma_start3A_349 : memref<128xi32, #tpu.memory_space<vmem>>) semaphore(%arg13 : memref<!tpu.dma_semaphore, #tpu.memory_space<semaphore_mem>>)
          } else {
          }
          %eq3A_329 = arith.constant 0 : i32
          %eq3A_330 = arith.cmpi eq, %rem3A_293, %eq3A_329 : i32
          %convert_element_type3A_331 = arith.extui %eq3A_330 : i1 to i32
          %cond3A_332 = arith.constant 0 : i32
          %cond3A_333 = arith.cmpi ne, %convert_element_type3A_331, %cond3A_332 : i32
          scf.if %cond3A_333 {
            %mul3A_339 = arith.constant 128 : i32
            %mul3A_340 = arith.muli %add3A_285, %mul3A_339 : i32
            %add3A_341 = arith.constant 0 : i32
            %add3A_342 = arith.addi %mul3A_340, %add3A_341 : i32
            %get3A = arith.index_cast %add3A_342 : i32 to index
            %get3A_343 = tpu.vector_load %arg9[%get3A] {strides = array<i32>} : memref<2816xi32, #tpu.memory_space<vmem>>, vector<16xi32>,
            %swap3A = arith.constant 0 : i32
            %swap3A_344 = arith.index_cast %swap3A : i32 to index
            %swap3A_345 = arith.constant 0 : index
            %swap3A_346 = tpu.vector_load %arg10[%swap3A_344, %swap3A_345] {strides = array<i32>} : memref<2x128xi32, #tpu.memory_space<vmem>>, vector<16xi32>,
            tpu.vector_store %arg10[%swap3A_344, %swap3A_345], %get3A_343 {strides = array<i32>} : memref<2x128xi32, #tpu.memory_space<vmem>>, vector<16xi32>,
            %mul3A_347 = arith.constant 128 : i32
            %mul3A_348 = arith.muli %add3A_285, %mul3A_347 : i32
            %add3A_349 = arith.constant 16 : i32
            %add3A_350 = arith.addi %mul3A_348, %add3A_349 : i32
            %get3A_351 = arith.index_cast %add3A_350 : i32 to index
            %get3A_352 = tpu.vector_load %arg9[%get3A_351] {strides = array<i32>} : memref<2816xi32, #tpu.memory_space<vmem>>, vector<16xi32>,
            %swap3A_353 = arith.constant 0 : i32
            %swap3A_354 = arith.index_cast %swap3A_353 : i32 to index
            %swap3A_355 = arith.constant 16 : index
            %swap3A_356 = tpu.vector_load %arg10[%swap3A_354, %swap3A_355] {strides = array<i32>} : memref<2x128xi32, #tpu.memory_space<vmem>>, vector<16xi32>,
            tpu.vector_store %arg10[%swap3A_354, %swap3A_355], %get3A_352 {strides = array<i32>} : memref<2x128xi32, #tpu.memory_space<vmem>>, vector<16xi32>,
            %mul3A_357 = arith.constant 128 : i32
            %mul3A_358 = arith.muli %add3A_285, %mul3A_357 : i32
            %add3A_359 = arith.constant 32 : i32
            %add3A_360 = arith.addi %mul3A_358, %add3A_359 : i32
            %get3A_361 = arith.index_cast %add3A_360 : i32 to index
            %get3A_362 = tpu.vector_load %arg9[%get3A_361] {strides = array<i32>} : memref<2816xi32, #tpu.memory_space<vmem>>, vector<16xi32>,
            %swap3A_363 = arith.constant 0 : i32
            %swap3A_364 = arith.index_cast %swap3A_363 : i32 to index
            %swap3A_365 = arith.constant 32 : index
            %swap3A_366 = tpu.vector_load %arg10[%swap3A_364, %swap3A_365] {strides = array<i32>} : memref<2x128xi32, #tpu.memory_space<vmem>>, vector<16xi32>,
            tpu.vector_store %arg10[%swap3A_364, %swap3A_365], %get3A_362 {strides = array<i32>} : memref<2x128xi32, #tpu.memory_space<vmem>>, vector<16xi32>,
            %mul3A_367 = arith.constant 128 : i32
            %mul3A_368 = arith.muli %add3A_285, %mul3A_367 : i32
            %add3A_369 = arith.constant 48 : i32
            %add3A_370 = arith.addi %mul3A_368, %add3A_369 : i32
            %get3A_371 = arith.index_cast %add3A_370 : i32 to index
            %get3A_372 = tpu.vector_load %arg9[%get3A_371] {strides = array<i32>} : memref<2816xi32, #tpu.memory_space<vmem>>, vector<16xi32>,
            %swap3A_373 = arith.constant 0 : i32
            %swap3A_374 = arith.index_cast %swap3A_373 : i32 to index
            %swap3A_375 = arith.constant 48 : index
            %swap3A_376 = tpu.vector_load %arg10[%swap3A_374, %swap3A_375] {strides = array<i32>} : memref<2x128xi32, #tpu.memory_space<vmem>>, vector<16xi32>,
            tpu.vector_store %arg10[%swap3A_374, %swap3A_375], %get3A_372 {strides = array<i32>} : memref<2x128xi32, #tpu.memory_space<vmem>>, vector<16xi32>,
            %mul3A_377 = arith.constant 128 : i32
            %mul3A_378 = arith.muli %add3A_285, %mul3A_377 : i32
            %add3A_379 = arith.constant 64 : i32
            %add3A_380 = arith.addi %mul3A_378, %add3A_379 : i32
            %get3A_381 = arith.index_cast %add3A_380 : i32 to index
            %get3A_382 = tpu.vector_load %arg9[%get3A_381] {strides = array<i32>} : memref<2816xi32, #tpu.memory_space<vmem>>, vector<16xi32>,
            %swap3A_383 = arith.constant 0 : i32
            %swap3A_384 = arith.index_cast %swap3A_383 : i32 to index
            %swap3A_385 = arith.constant 64 : index
            %swap3A_386 = tpu.vector_load %arg10[%swap3A_384, %swap3A_385] {strides = array<i32>} : memref<2x128xi32, #tpu.memory_space<vmem>>, vector<16xi32>,
            tpu.vector_store %arg10[%swap3A_384, %swap3A_385], %get3A_382 {strides = array<i32>} : memref<2x128xi32, #tpu.memory_space<vmem>>, vector<16xi32>,
            %mul3A_387 = arith.constant 128 : i32
            %mul3A_388 = arith.muli %add3A_285, %mul3A_387 : i32
            %add3A_389 = arith.constant 80 : i32
            %add3A_390 = arith.addi %mul3A_388, %add3A_389 : i32
            %get3A_391 = arith.index_cast %add3A_390 : i32 to index
            %get3A_392 = tpu.vector_load %arg9[%get3A_391] {strides = array<i32>} : memref<2816xi32, #tpu.memory_space<vmem>>, vector<16xi32>,
            %swap3A_393 = arith.constant 0 : i32
            %swap3A_394 = arith.index_cast %swap3A_393 : i32 to index
            %swap3A_395 = arith.constant 80 : index
            %swap3A_396 = tpu.vector_load %arg10[%swap3A_394, %swap3A_395] {strides = array<i32>} : memref<2x128xi32, #tpu.memory_space<vmem>>, vector<16xi32>,
            tpu.vector_store %arg10[%swap3A_394, %swap3A_395], %get3A_392 {strides = array<i32>} : memref<2x128xi32, #tpu.memory_space<vmem>>, vector<16xi32>,
            %mul3A_397 = arith.constant 128 : i32
            %mul3A_398 = arith.muli %add3A_285, %mul3A_397 : i32
            %add3A_399 = arith.constant 96 : i32
            %add3A_400 = arith.addi %mul3A_398, %add3A_399 : i32
            %get3A_401 = arith.index_cast %add3A_400 : i32 to index
            %get3A_402 = tpu.vector_load %arg9[%get3A_401] {strides = array<i32>} : memref<2816xi32, #tpu.memory_space<vmem>>, vector<16xi32>,
            %swap3A_403 = arith.constant 0 : i32
            %swap3A_404 = arith.index_cast %swap3A_403 : i32 to index
            %swap3A_405 = arith.constant 96 : index
            %swap3A_406 = tpu.vector_load %arg10[%swap3A_404, %swap3A_405] {strides = array<i32>} : memref<2x128xi32, #tpu.memory_space<vmem>>, vector<16xi32>,
            tpu.vector_store %arg10[%swap3A_404, %swap3A_405], %get3A_402 {strides = array<i32>} : memref<2x128xi32, #tpu.memory_space<vmem>>, vector<16xi32>,
            %mul3A_407 = arith.constant 128 : i32
            %mul3A_408 = arith.muli %add3A_285, %mul3A_407 : i32
            %add3A_409 = arith.constant 112 : i32
            %add3A_410 = arith.addi %mul3A_408, %add3A_409 : i32
            %get3A_411 = arith.index_cast %add3A_410 : i32 to index
            %get3A_412 = tpu.vector_load %arg9[%get3A_411] {strides = array<i32>} : memref<2816xi32, #tpu.memory_space<vmem>>, vector<16xi32>,
            %swap3A_413 = arith.constant 0 : i32
            %swap3A_414 = arith.index_cast %swap3A_413 : i32 to index
            %swap3A_415 = arith.constant 112 : index
            %swap3A_416 = tpu.vector_load %arg10[%swap3A_414, %swap3A_415] {strides = array<i32>} : memref<2x128xi32, #tpu.memory_space<vmem>>, vector<16xi32>,
            tpu.vector_store %arg10[%swap3A_414, %swap3A_415], %get3A_412 {strides = array<i32>} : memref<2x128xi32, #tpu.memory_space<vmem>>, vector<16xi32>,
            %dma_start3A_417 = arith.constant 0 : i32
            %dma_start3A_418 = arith.constant 0 : i32
            %dma_start3A_419 = arith.constant 0 : i32
            %dma_start3A_420 = arith.constant 0 : i32
            %dma_start3A_421 = tpu.memref_slice %arg11[%dma_start3A_417, %dma_start3A_419, %dma_start3A_420] : memref<2x128x128xf32, #tpu.memory_space<vmem>> -> memref<1x128x128xf32, #tpu.memory_space<vmem>>
            %dma_start3A_422 = tpu.memref_squeeze %dma_start3A_421 : memref<1x128x128xf32, #tpu.memory_space<vmem>> -> memref<128x128xf32, #tpu.memory_space<vmem>>
            %dma_start3A_423 = arith.constant 0 : i32
            %dma_start3A_424 = tpu.memref_slice %arg10[%dma_start3A_418, %dma_start3A_423] : memref<2x128xi32, #tpu.memory_space<vmem>> -> memref<1x128xi32, #tpu.memory_space<vmem>>
            %dma_start3A_425 = tpu.memref_squeeze %dma_start3A_424 : memref<1x128xi32, #tpu.memory_space<vmem>> -> memref<128xi32, #tpu.memory_space<vmem>>
            %dma_start3A_426 = arith.constant 0 : i32
            %dma_start3A_427 = arith.constant 0 : i32
            %dma_start3A_428 = tpu.memref_slice %arg12[%dma_start3A_426, %dma_start3A_427] : memref<10848x128xf32, #tpu.memory_space<vmem_shared>> -> memref<10848x128xf32, #tpu.memory_space<vmem_shared>>
            tpu.enqueue_indirect_dma source(%dma_start3A_422 : memref<128x128xf32, #tpu.memory_space<vmem>>) target(%dma_start3A_428 : memref<10848x128xf32, #tpu.memory_space<vmem_shared>>) offsets(%dma_start3A_425 : memref<128xi32, #tpu.memory_space<vmem>>) semaphore(%arg15 : memref<!tpu.dma_semaphore, #tpu.memory_space<semaphore_mem>>) {add = true}
          } else {
          }
          %eq3A_334 = arith.constant 1 : i32
          %eq3A_335 = arith.cmpi eq, %rem3A_293, %eq3A_334 : i32
          %convert_element_type3A_336 = arith.extui %eq3A_335 : i1 to i32
          %cond3A_337 = arith.constant 0 : i32
          %cond3A_338 = arith.cmpi ne, %convert_element_type3A_336, %cond3A_337 : i32
          scf.if %cond3A_338 {
            %mul3A_339 = arith.constant 128 : i32
            %mul3A_340 = arith.muli %add3A_285, %mul3A_339 : i32
            %add3A_341 = arith.constant 0 : i32
            %add3A_342 = arith.addi %mul3A_340, %add3A_341 : i32
            %get3A = arith.index_cast %add3A_342 : i32 to index
            %get3A_343 = tpu.vector_load %arg9[%get3A] {strides = array<i32>} : memref<2816xi32, #tpu.memory_space<vmem>>, vector<16xi32>,
            %swap3A = arith.constant 1 : i32
            %swap3A_344 = arith.index_cast %swap3A : i32 to index
            %swap3A_345 = arith.constant 0 : index
            %swap3A_346 = tpu.vector_load %arg10[%swap3A_344, %swap3A_345] {strides = array<i32>} : memref<2x128xi32, #tpu.memory_space<vmem>>, vector<16xi32>,
            tpu.vector_store %arg10[%swap3A_344, %swap3A_345], %get3A_343 {strides = array<i32>} : memref<2x128xi32, #tpu.memory_space<vmem>>, vector<16xi32>,
            %mul3A_347 = arith.constant 128 : i32
            %mul3A_348 = arith.muli %add3A_285, %mul3A_347 : i32
            %add3A_349 = arith.constant 16 : i32
            %add3A_350 = arith.addi %mul3A_348, %add3A_349 : i32
            %get3A_351 = arith.index_cast %add3A_350 : i32 to index
            %get3A_352 = tpu.vector_load %arg9[%get3A_351] {strides = array<i32>} : memref<2816xi32, #tpu.memory_space<vmem>>, vector<16xi32>,
            %swap3A_353 = arith.constant 1 : i32
            %swap3A_354 = arith.index_cast %swap3A_353 : i32 to index
            %swap3A_355 = arith.constant 16 : index
            %swap3A_356 = tpu.vector_load %arg10[%swap3A_354, %swap3A_355] {strides = array<i32>} : memref<2x128xi32, #tpu.memory_space<vmem>>, vector<16xi32>,
            tpu.vector_store %arg10[%swap3A_354, %swap3A_355], %get3A_352 {strides = array<i32>} : memref<2x128xi32, #tpu.memory_space<vmem>>, vector<16xi32>,
            %mul3A_357 = arith.constant 128 : i32
            %mul3A_358 = arith.muli %add3A_285, %mul3A_357 : i32
            %add3A_359 = arith.constant 32 : i32
            %add3A_360 = arith.addi %mul3A_358, %add3A_359 : i32
            %get3A_361 = arith.index_cast %add3A_360 : i32 to index
            %get3A_362 = tpu.vector_load %arg9[%get3A_361] {strides = array<i32>} : memref<2816xi32, #tpu.memory_space<vmem>>, vector<16xi32>,
            %swap3A_363 = arith.constant 1 : i32
            %swap3A_364 = arith.index_cast %swap3A_363 : i32 to index
            %swap3A_365 = arith.constant 32 : index
            %swap3A_366 = tpu.vector_load %arg10[%swap3A_364, %swap3A_365] {strides = array<i32>} : memref<2x128xi32, #tpu.memory_space<vmem>>, vector<16xi32>,
            tpu.vector_store %arg10[%swap3A_364, %swap3A_365], %get3A_362 {strides = array<i32>} : memref<2x128xi32, #tpu.memory_space<vmem>>, vector<16xi32>,
            %mul3A_367 = arith.constant 128 : i32
            %mul3A_368 = arith.muli %add3A_285, %mul3A_367 : i32
            %add3A_369 = arith.constant 48 : i32
            %add3A_370 = arith.addi %mul3A_368, %add3A_369 : i32
            %get3A_371 = arith.index_cast %add3A_370 : i32 to index
            %get3A_372 = tpu.vector_load %arg9[%get3A_371] {strides = array<i32>} : memref<2816xi32, #tpu.memory_space<vmem>>, vector<16xi32>,
            %swap3A_373 = arith.constant 1 : i32
            %swap3A_374 = arith.index_cast %swap3A_373 : i32 to index
            %swap3A_375 = arith.constant 48 : index
            %swap3A_376 = tpu.vector_load %arg10[%swap3A_374, %swap3A_375] {strides = array<i32>} : memref<2x128xi32, #tpu.memory_space<vmem>>, vector<16xi32>,
            tpu.vector_store %arg10[%swap3A_374, %swap3A_375], %get3A_372 {strides = array<i32>} : memref<2x128xi32, #tpu.memory_space<vmem>>, vector<16xi32>,
            %mul3A_377 = arith.constant 128 : i32
            %mul3A_378 = arith.muli %add3A_285, %mul3A_377 : i32
            %add3A_379 = arith.constant 64 : i32
            %add3A_380 = arith.addi %mul3A_378, %add3A_379 : i32
            %get3A_381 = arith.index_cast %add3A_380 : i32 to index
            %get3A_382 = tpu.vector_load %arg9[%get3A_381] {strides = array<i32>} : memref<2816xi32, #tpu.memory_space<vmem>>, vector<16xi32>,
            %swap3A_383 = arith.constant 1 : i32
            %swap3A_384 = arith.index_cast %swap3A_383 : i32 to index
            %swap3A_385 = arith.constant 64 : index
            %swap3A_386 = tpu.vector_load %arg10[%swap3A_384, %swap3A_385] {strides = array<i32>} : memref<2x128xi32, #tpu.memory_space<vmem>>, vector<16xi32>,
            tpu.vector_store %arg10[%swap3A_384, %swap3A_385], %get3A_382 {strides = array<i32>} : memref<2x128xi32, #tpu.memory_space<vmem>>, vector<16xi32>,
            %mul3A_387 = arith.constant 128 : i32
            %mul3A_388 = arith.muli %add3A_285, %mul3A_387 : i32
            %add3A_389 = arith.constant 80 : i32
            %add3A_390 = arith.addi %mul3A_388, %add3A_389 : i32
            %get3A_391 = arith.index_cast %add3A_390 : i32 to index
            %get3A_392 = tpu.vector_load %arg9[%get3A_391] {strides = array<i32>} : memref<2816xi32, #tpu.memory_space<vmem>>, vector<16xi32>,
            %swap3A_393 = arith.constant 1 : i32
            %swap3A_394 = arith.index_cast %swap3A_393 : i32 to index
            %swap3A_395 = arith.constant 80 : index
            %swap3A_396 = tpu.vector_load %arg10[%swap3A_394, %swap3A_395] {strides = array<i32>} : memref<2x128xi32, #tpu.memory_space<vmem>>, vector<16xi32>,
            tpu.vector_store %arg10[%swap3A_394, %swap3A_395], %get3A_392 {strides = array<i32>} : memref<2x128xi32, #tpu.memory_space<vmem>>, vector<16xi32>,
            %mul3A_397 = arith.constant 128 : i32
            %mul3A_398 = arith.muli %add3A_285, %mul3A_397 : i32
            %add3A_399 = arith.constant 96 : i32
            %add3A_400 = arith.addi %mul3A_398, %add3A_399 : i32
            %get3A_401 = arith.index_cast %add3A_400 : i32 to index
            %get3A_402 = tpu.vector_load %arg9[%get3A_401] {strides = array<i32>} : memref<2816xi32, #tpu.memory_space<vmem>>, vector<16xi32>,
            %swap3A_403 = arith.constant 1 : i32
            %swap3A_404 = arith.index_cast %swap3A_403 : i32 to index
            %swap3A_405 = arith.constant 96 : index
            %swap3A_406 = tpu.vector_load %arg10[%swap3A_404, %swap3A_405] {strides = array<i32>} : memref<2x128xi32, #tpu.memory_space<vmem>>, vector<16xi32>,
            tpu.vector_store %arg10[%swap3A_404, %swap3A_405], %get3A_402 {strides = array<i32>} : memref<2x128xi32, #tpu.memory_space<vmem>>, vector<16xi32>,
            %mul3A_407 = arith.constant 128 : i32
            %mul3A_408 = arith.muli %add3A_285, %mul3A_407 : i32
            %add3A_409 = arith.constant 112 : i32
            %add3A_410 = arith.addi %mul3A_408, %add3A_409 : i32
            %get3A_411 = arith.index_cast %add3A_410 : i32 to index
            %get3A_412 = tpu.vector_load %arg9[%get3A_411] {strides = array<i32>} : memref<2816xi32, #tpu.memory_space<vmem>>, vector<16xi32>,
            %swap3A_413 = arith.constant 1 : i32
            %swap3A_414 = arith.index_cast %swap3A_413 : i32 to index
            %swap3A_415 = arith.constant 112 : index
            %swap3A_416 = tpu.vector_load %arg10[%swap3A_414, %swap3A_415] {strides = array<i32>} : memref<2x128xi32, #tpu.memory_space<vmem>>, vector<16xi32>,
            tpu.vector_store %arg10[%swap3A_414, %swap3A_415], %get3A_412 {strides = array<i32>} : memref<2x128xi32, #tpu.memory_space<vmem>>, vector<16xi32>,
            %dma_start3A_417 = arith.constant 1 : i32
            %dma_start3A_418 = arith.constant 1 : i32
            %dma_start3A_419 = arith.constant 0 : i32
            %dma_start3A_420 = arith.constant 0 : i32
            %dma_start3A_421 = tpu.memref_slice %arg11[%dma_start3A_417, %dma_start3A_419, %dma_start3A_420] : memref<2x128x128xf32, #tpu.memory_space<vmem>> -> memref<1x128x128xf32, #tpu.memory_space<vmem>>
            %dma_start3A_422 = tpu.memref_squeeze %dma_start3A_421 : memref<1x128x128xf32, #tpu.memory_space<vmem>> -> memref<128x128xf32, #tpu.memory_space<vmem>>
            %dma_start3A_423 = arith.constant 0 : i32
            %dma_start3A_424 = tpu.memref_slice %arg10[%dma_start3A_418, %dma_start3A_423] : memref<2x128xi32, #tpu.memory_space<vmem>> -> memref<1x128xi32, #tpu.memory_space<vmem>>
            %dma_start3A_425 = tpu.memref_squeeze %dma_start3A_424 : memref<1x128xi32, #tpu.memory_space<vmem>> -> memref<128xi32, #tpu.memory_space<vmem>>
            %dma_start3A_426 = arith.constant 0 : i32
            %dma_start3A_427 = arith.constant 0 : i32
            %dma_start3A_428 = tpu.memref_slice %arg12[%dma_start3A_426, %dma_start3A_427] : memref<10848x128xf32, #tpu.memory_space<vmem_shared>> -> memref<10848x128xf32, #tpu.memory_space<vmem_shared>>
            tpu.enqueue_indirect_dma source(%dma_start3A_422 : memref<128x128xf32, #tpu.memory_space<vmem>>) target(%dma_start3A_428 : memref<10848x128xf32, #tpu.memory_space<vmem_shared>>) offsets(%dma_start3A_425 : memref<128xi32, #tpu.memory_space<vmem>>) semaphore(%arg16 : memref<!tpu.dma_semaphore, #tpu.memory_space<semaphore_mem>>) {add = true}
          } else {
          }
        } else {
        }
      }
      %scan3A_264 = arith.constant 22 : i32
      %rem3A_265 = arith.constant 2 : i32
      %rem3A_266 = arith.remsi %select_n3A, %rem3A_265 : i32
      %eq3A = arith.constant 1 : i32
      %eq3A_267 = arith.cmpi eq, %rem3A_266, %eq3A : i32
      %convert_element_type3A_268 = arith.extui %eq3A_267 : i1 to i32
      %cond3A_269 = arith.constant 0 : i32
      %cond3A_270 = arith.cmpi ne, %convert_element_type3A_268, %cond3A_269 : i32
      scf.if %cond3A_270 {
        %dma_wait3A_281 = arith.constant 0 : i32
        %dma_wait3A_282 = arith.constant 0 : i32
        %dma_wait3A_283 = arith.constant 0 : i32
        %dma_wait3A_284 = arith.constant 0 : i32
        %dma_wait3A_285 = tpu.memref_slice %arg11[%dma_wait3A_281, %dma_wait3A_283, %dma_wait3A_284] : memref<2x128x128xf32, #tpu.memory_space<vmem>> -> memref<1x128x128xf32, #tpu.memory_space<vmem>>
        %dma_wait3A_286 = tpu.memref_squeeze %dma_wait3A_285 : memref<1x128x128xf32, #tpu.memory_space<vmem>> -> memref<128x128xf32, #tpu.memory_space<vmem>>
        %dma_wait3A_287 = arith.constant 0 : i32
        %dma_wait3A_288 = tpu.memref_slice %arg10[%dma_wait3A_282, %dma_wait3A_287] : memref<2x128xi32, #tpu.memory_space<vmem>> -> memref<1x128xi32, #tpu.memory_space<vmem>>
        %dma_wait3A_289 = tpu.memref_squeeze %dma_wait3A_288 : memref<1x128xi32, #tpu.memory_space<vmem>> -> memref<128xi32, #tpu.memory_space<vmem>>
        %dma_wait3A_290 = arith.constant 0 : i32
        %dma_wait3A_291 = arith.constant 0 : i32
        %dma_wait3A_292 = tpu.memref_slice %arg12[%dma_wait3A_290, %dma_wait3A_291] : memref<10848x128xf32, #tpu.memory_space<vmem_shared>> -> memref<10848x128xf32, #tpu.memory_space<vmem_shared>>
        tpu.wait_indirect_dma semaphore(%arg15 : memref<!tpu.dma_semaphore, #tpu.memory_space<semaphore_mem>>) src(%dma_wait3A_286 : memref<128x128xf32, #tpu.memory_space<vmem>>) dst(%dma_wait3A_292 : memref<10848x128xf32, #tpu.memory_space<vmem_shared>>)
      } else {
      }
      %gt3A_271 = arith.constant 0 : i32
      %gt3A_272 = arith.cmpi sgt, %select_n3A, %gt3A_271 : i32
      %rem3A_273 = arith.constant 2 : i32
      %rem3A_274 = arith.remsi %select_n3A, %rem3A_273 : i32
      %eq3A_275 = arith.constant 0 : i32
      %eq3A_276 = arith.cmpi eq, %rem3A_274, %eq3A_275 : i32
      %and3A_277 = arith.andi %gt3A_272, %eq3A_276 : i1
      %convert_element_type3A_278 = arith.extui %and3A_277 : i1 to i32
      %cond3A_279 = arith.constant 0 : i32
      %cond3A_280 = arith.cmpi ne, %convert_element_type3A_278, %cond3A_279 : i32
      scf.if %cond3A_280 {
        %dma_wait3A_281 = arith.constant 1 : i32
        %dma_wait3A_282 = arith.constant 1 : i32
        %dma_wait3A_283 = arith.constant 0 : i32
        %dma_wait3A_284 = arith.constant 0 : i32
        %dma_wait3A_285 = tpu.memref_slice %arg11[%dma_wait3A_281, %dma_wait3A_283, %dma_wait3A_284] : memref<2x128x128xf32, #tpu.memory_space<vmem>> -> memref<1x128x128xf32, #tpu.memory_space<vmem>>
        %dma_wait3A_286 = tpu.memref_squeeze %dma_wait3A_285 : memref<1x128x128xf32, #tpu.memory_space<vmem>> -> memref<128x128xf32, #tpu.memory_space<vmem>>
        %dma_wait3A_287 = arith.constant 0 : i32
        %dma_wait3A_288 = tpu.memref_slice %arg10[%dma_wait3A_282, %dma_wait3A_287] : memref<2x128xi32, #tpu.memory_space<vmem>> -> memref<1x128xi32, #tpu.memory_space<vmem>>
        %dma_wait3A_289 = tpu.memref_squeeze %dma_wait3A_288 : memref<1x128xi32, #tpu.memory_space<vmem>> -> memref<128xi32, #tpu.memory_space<vmem>>
        %dma_wait3A_290 = arith.constant 0 : i32
        %dma_wait3A_291 = arith.constant 0 : i32
        %dma_wait3A_292 = tpu.memref_slice %arg12[%dma_wait3A_290, %dma_wait3A_291] : memref<10848x128xf32, #tpu.memory_space<vmem_shared>> -> memref<10848x128xf32, #tpu.memory_space<vmem_shared>>
        tpu.wait_indirect_dma semaphore(%arg16 : memref<!tpu.dma_semaphore, #tpu.memory_space<semaphore_mem>>) src(%dma_wait3A_286 : memref<128x128xf32, #tpu.memory_space<vmem>>) dst(%dma_wait3A_292 : memref<10848x128xf32, #tpu.memory_space<vmem_shared>>)
      } else {
      }
    }
    %scan3A_97 = arith.constant 16 : i32
    %barrier3A_98 = arith.constant 0 : index
    tpu.barrier barrier_id(%barrier3A_98)
    %mul3A_99 = arith.constant 672 : i32
    %mul3A_100 = arith.muli %arg1, %mul3A_99 : i32
    %mul3A_101 = arith.constant 672 : i32
    %mul3A_102 = arith.muli %arg1, %mul3A_101 : i32
    %add3A_103 = arith.addi %mul3A_57, %mul3A_102 : i32
    "tpu.region"() ({
      %run_scoped3A = tpu.sem_alloc : memref<!tpu.dma_semaphore, #tpu.memory_space<semaphore_mem>>
      %dma_start3A_105 = arith.constant 0 : i32
      %dma_start3A_106 = tpu.memref_slice %arg5[%add3A_103, %dma_start3A_105] : memref<43008x128xf32, #tpu.memory_space<hbm>> -> memref<672x128xf32, #tpu.memory_space<hbm>>
      %dma_start3A_107 = arith.constant 0 : i32
      %dma_start3A_108 = tpu.memref_slice %arg12[%mul3A_100, %dma_start3A_107] : memref<10848x128xf32, #tpu.memory_space<vmem_shared>> -> memref<672x128xf32, #tpu.memory_space<vmem_shared>>
      tpu.enqueue_dma source(%dma_start3A_108 : memref<672x128xf32, #tpu.memory_space<vmem_shared>>) target(%dma_start3A_106 : memref<672x128xf32, #tpu.memory_space<hbm>>) target_semaphore(%run_scoped3A : memref<!tpu.dma_semaphore, #tpu.memory_space<semaphore_mem>>)
      %dma_wait3A = arith.constant 0 : i32
      %dma_wait3A_109 = tpu.memref_slice %arg5[%add3A_103, %dma_wait3A] : memref<43008x128xf32, #tpu.memory_space<hbm>> -> memref<672x128xf32, #tpu.memory_space<hbm>>
      %dma_wait3A_110 = arith.constant 0 : i32
      %dma_wait3A_111 = tpu.memref_slice %arg12[%mul3A_100, %dma_wait3A_110] : memref<10848x128xf32, #tpu.memory_space<vmem_shared>> -> memref<672x128xf32, #tpu.memory_space<vmem_shared>>
      tpu.wait_dma2 semaphore(%run_scoped3A : memref<!tpu.dma_semaphore, #tpu.memory_space<semaphore_mem>>) src(%dma_wait3A_111 : memref<672x128xf32, #tpu.memory_space<vmem_shared>>) dst(%dma_wait3A_109 : memref<672x128xf32, #tpu.memory_space<hbm>>)
      tpu.yield
    }) : () -> ()
    %barrier3A_104 = arith.constant 0 : index
    tpu.barrier barrier_id(%barrier3A_104)
    return
  }
}

#map = affine_map<(d0, d1) -> (0, 0)>
module attributes {stable_mosaic.version = 14 : i64} {
  func.func @_deg_body(%arg0: i32, %arg1: i32, %arg2: memref<2x688128xi32, #tpu.memory_space<hbm>>, %arg3: memref<32x43008xf32, #tpu.memory_space<hbm>>, %arg4: memref<21504xi32, #tpu.memory_space<vmem>>, %arg5: memref<43008xf32, #tpu.memory_space<vmem>>) attributes {dimension_semantics = [#tpu.dimension_semantics<core_parallel>, #tpu.dimension_semantics<subcore_parallel>], iteration_bounds = array<i64: 2, 16>, scalar_prefetch = 0 : i64, scratch_operands = 2 : i64, tpu.core_type = #tpu.core_type<sc_vector_subcore>, window_params = [{transform_indices = #map}, {transform_indices = #map}]} {
    %mul3A = arith.constant 2 : i32
    %mul3A_0 = arith.muli %arg1, %mul3A : i32
    %add3A = arith.addi %mul3A_0, %arg0 : i32
    %mul3A_1 = arith.constant 168 : i32
    %mul3A_2 = arith.muli %add3A, %mul3A_1 : i32
    %mul3A_3 = arith.constant 128 : i32
    %mul3A_4 = arith.muli %mul3A_2, %mul3A_3 : i32
    %run_scoped3A = arith.constant 1 : i32
    "tpu.region"() ({
      %run_scoped3A_15 = tpu.sem_alloc : memref<!tpu.dma_semaphore, #tpu.memory_space<semaphore_mem>>
      %dma_start3A = tpu.memref_slice %arg2[%run_scoped3A, %mul3A_4] : memref<2x688128xi32, #tpu.memory_space<hbm>> -> memref<1x21504xi32, #tpu.memory_space<hbm>>
      %dma_start3A_16 = tpu.memref_squeeze %dma_start3A : memref<1x21504xi32, #tpu.memory_space<hbm>> -> memref<21504xi32, #tpu.memory_space<hbm>>
      %dma_start3A_17 = tpu.memref_slice %arg2[%run_scoped3A, %mul3A_4] : memref<2x688128xi32, #tpu.memory_space<hbm>> -> memref<1x21504xi32, #tpu.memory_space<hbm>>
      %dma_start3A_18 = tpu.memref_squeeze %dma_start3A_17 : memref<1x21504xi32, #tpu.memory_space<hbm>> -> memref<21504xi32, #tpu.memory_space<hbm>>
      tpu.enqueue_dma source(%dma_start3A_18 : memref<21504xi32, #tpu.memory_space<hbm>>) target(%arg4 : memref<21504xi32, #tpu.memory_space<vmem>>) target_semaphore(%run_scoped3A_15 : memref<!tpu.dma_semaphore, #tpu.memory_space<semaphore_mem>>)
      %dma_wait3A = tpu.memref_slice %arg2[%run_scoped3A, %mul3A_4] : memref<2x688128xi32, #tpu.memory_space<hbm>> -> memref<1x21504xi32, #tpu.memory_space<hbm>>
      %dma_wait3A_19 = tpu.memref_squeeze %dma_wait3A : memref<1x21504xi32, #tpu.memory_space<hbm>> -> memref<21504xi32, #tpu.memory_space<hbm>>
      %dma_wait3A_20 = tpu.memref_slice %arg2[%run_scoped3A, %mul3A_4] : memref<2x688128xi32, #tpu.memory_space<hbm>> -> memref<1x21504xi32, #tpu.memory_space<hbm>>
      %dma_wait3A_21 = tpu.memref_squeeze %dma_wait3A_20 : memref<1x21504xi32, #tpu.memory_space<hbm>> -> memref<21504xi32, #tpu.memory_space<hbm>>
      tpu.wait_dma2 semaphore(%run_scoped3A_15 : memref<!tpu.dma_semaphore, #tpu.memory_space<semaphore_mem>>) src(%dma_wait3A_21 : memref<21504xi32, #tpu.memory_space<hbm>>) dst(%arg4 : memref<21504xi32, #tpu.memory_space<vmem>>)
      tpu.yield
    }) : () -> ()
    %broadcast_in_dim3A = arith.constant 0.000000e+00 : f32
    %broadcast_in_dim3A_5 = vector.broadcast %broadcast_in_dim3A : f32 to vector<16xf32>
    %scan3A = arith.constant 0 : i32
    %scan3A_6 = arith.constant 2688 : i32
    %scan3A_7 = arith.addi %scan3A, %scan3A_6 : i32
    %scan3A_8 = arith.constant 1 : i32
    scf.for %scan3A_15 = %scan3A to %scan3A_7 step %scan3A_8  : i32 {
      %mul3A_16 = arith.constant 1 : i32
      %mul3A_17 = arith.muli %scan3A_15, %mul3A_16 : i32
      %add3A_18 = arith.constant 0 : i32
      %add3A_19 = arith.addi %add3A_18, %mul3A_17 : i32
      %mul3A_20 = arith.constant 16 : i32
      %mul3A_21 = arith.muli %add3A_19, %mul3A_20 : i32
      %swap3A = arith.index_cast %mul3A_21 : i32 to index
      %swap3A_22 = tpu.vector_load %arg5[%swap3A] {strides = array<i32>} : memref<43008xf32, #tpu.memory_space<vmem>>, vector<16xf32>,
      tpu.vector_store %arg5[%swap3A], %broadcast_in_dim3A_5 {strides = array<i32>} : memref<43008xf32, #tpu.memory_space<vmem>>, vector<16xf32>,
    }
    %scan3A_9 = arith.constant 2688 : i32
    %scan3A_10 = arith.constant 0 : i32
    %scan3A_11 = arith.constant 168 : i32
    %scan3A_12 = arith.addi %scan3A_10, %scan3A_11 : i32
    %scan3A_13 = arith.constant 1 : i32
    scf.for %scan3A_15 = %scan3A_10 to %scan3A_12 step %scan3A_13  : i32 {
      %mul3A_16 = arith.constant 1 : i32
      %mul3A_17 = arith.muli %scan3A_15, %mul3A_16 : i32
      %add3A_18 = arith.constant 0 : i32
      %add3A_19 = arith.addi %add3A_18, %mul3A_17 : i32
      %mul3A_20 = arith.constant 128 : i32
      %mul3A_21 = arith.muli %add3A_19, %mul3A_20 : i32
      %add3A_22 = arith.constant 0 : i32
      %add3A_23 = arith.addi %mul3A_21, %add3A_22 : i32
      %get3A = arith.index_cast %add3A_23 : i32 to index
      %get3A_24 = tpu.vector_load %arg4[%get3A] {strides = array<i32>} : memref<21504xi32, #tpu.memory_space<vmem>>, vector<16xi32>,
      %broadcast_in_dim3A_25 = arith.constant true
      %broadcast_in_dim3A_26 = vector.broadcast %broadcast_in_dim3A_25 : i1 to vector<16xi1>
      %unique3A, %unique3A_27 = tpu.scan_count mask(%broadcast_in_dim3A_26 : vector<16xi1>) value(%get3A_24 : vector<16xi32>) : vector<16xi1>, vector<16xi32>
      %convert_element_type3A = arith.sitofp %unique3A_27 : vector<16xi32> to vector<16xf32>
      tpu.vector_store_idx %arg5[%get3A_24], %convert_element_type3A masked %unique3A {add = true} : memref<43008xf32, #tpu.memory_space<vmem>>[vector<16xi32>], vector<16xf32>, vector<16xi1>
      %mul3A_28 = arith.constant 128 : i32
      %mul3A_29 = arith.muli %add3A_19, %mul3A_28 : i32
      %add3A_30 = arith.constant 16 : i32
      %add3A_31 = arith.addi %mul3A_29, %add3A_30 : i32
      %get3A_32 = arith.index_cast %add3A_31 : i32 to index
      %get3A_33 = tpu.vector_load %arg4[%get3A_32] {strides = array<i32>} : memref<21504xi32, #tpu.memory_space<vmem>>, vector<16xi32>,
      %broadcast_in_dim3A_34 = arith.constant true
      %broadcast_in_dim3A_35 = vector.broadcast %broadcast_in_dim3A_34 : i1 to vector<16xi1>
      %unique3A_36, %unique3A_37 = tpu.scan_count mask(%broadcast_in_dim3A_35 : vector<16xi1>) value(%get3A_33 : vector<16xi32>) : vector<16xi1>, vector<16xi32>
      %convert_element_type3A_38 = arith.sitofp %unique3A_37 : vector<16xi32> to vector<16xf32>
      tpu.vector_store_idx %arg5[%get3A_33], %convert_element_type3A_38 masked %unique3A_36 {add = true} : memref<43008xf32, #tpu.memory_space<vmem>>[vector<16xi32>], vector<16xf32>, vector<16xi1>
      %mul3A_39 = arith.constant 128 : i32
      %mul3A_40 = arith.muli %add3A_19, %mul3A_39 : i32
      %add3A_41 = arith.constant 32 : i32
      %add3A_42 = arith.addi %mul3A_40, %add3A_41 : i32
      %get3A_43 = arith.index_cast %add3A_42 : i32 to index
      %get3A_44 = tpu.vector_load %arg4[%get3A_43] {strides = array<i32>} : memref<21504xi32, #tpu.memory_space<vmem>>, vector<16xi32>,
      %broadcast_in_dim3A_45 = arith.constant true
      %broadcast_in_dim3A_46 = vector.broadcast %broadcast_in_dim3A_45 : i1 to vector<16xi1>
      %unique3A_47, %unique3A_48 = tpu.scan_count mask(%broadcast_in_dim3A_46 : vector<16xi1>) value(%get3A_44 : vector<16xi32>) : vector<16xi1>, vector<16xi32>
      %convert_element_type3A_49 = arith.sitofp %unique3A_48 : vector<16xi32> to vector<16xf32>
      tpu.vector_store_idx %arg5[%get3A_44], %convert_element_type3A_49 masked %unique3A_47 {add = true} : memref<43008xf32, #tpu.memory_space<vmem>>[vector<16xi32>], vector<16xf32>, vector<16xi1>
      %mul3A_50 = arith.constant 128 : i32
      %mul3A_51 = arith.muli %add3A_19, %mul3A_50 : i32
      %add3A_52 = arith.constant 48 : i32
      %add3A_53 = arith.addi %mul3A_51, %add3A_52 : i32
      %get3A_54 = arith.index_cast %add3A_53 : i32 to index
      %get3A_55 = tpu.vector_load %arg4[%get3A_54] {strides = array<i32>} : memref<21504xi32, #tpu.memory_space<vmem>>, vector<16xi32>,
      %broadcast_in_dim3A_56 = arith.constant true
      %broadcast_in_dim3A_57 = vector.broadcast %broadcast_in_dim3A_56 : i1 to vector<16xi1>
      %unique3A_58, %unique3A_59 = tpu.scan_count mask(%broadcast_in_dim3A_57 : vector<16xi1>) value(%get3A_55 : vector<16xi32>) : vector<16xi1>, vector<16xi32>
      %convert_element_type3A_60 = arith.sitofp %unique3A_59 : vector<16xi32> to vector<16xf32>
      tpu.vector_store_idx %arg5[%get3A_55], %convert_element_type3A_60 masked %unique3A_58 {add = true} : memref<43008xf32, #tpu.memory_space<vmem>>[vector<16xi32>], vector<16xf32>, vector<16xi1>
      %mul3A_61 = arith.constant 128 : i32
      %mul3A_62 = arith.muli %add3A_19, %mul3A_61 : i32
      %add3A_63 = arith.constant 64 : i32
      %add3A_64 = arith.addi %mul3A_62, %add3A_63 : i32
      %get3A_65 = arith.index_cast %add3A_64 : i32 to index
      %get3A_66 = tpu.vector_load %arg4[%get3A_65] {strides = array<i32>} : memref<21504xi32, #tpu.memory_space<vmem>>, vector<16xi32>,
      %broadcast_in_dim3A_67 = arith.constant true
      %broadcast_in_dim3A_68 = vector.broadcast %broadcast_in_dim3A_67 : i1 to vector<16xi1>
      %unique3A_69, %unique3A_70 = tpu.scan_count mask(%broadcast_in_dim3A_68 : vector<16xi1>) value(%get3A_66 : vector<16xi32>) : vector<16xi1>, vector<16xi32>
      %convert_element_type3A_71 = arith.sitofp %unique3A_70 : vector<16xi32> to vector<16xf32>
      tpu.vector_store_idx %arg5[%get3A_66], %convert_element_type3A_71 masked %unique3A_69 {add = true} : memref<43008xf32, #tpu.memory_space<vmem>>[vector<16xi32>], vector<16xf32>, vector<16xi1>
      %mul3A_72 = arith.constant 128 : i32
      %mul3A_73 = arith.muli %add3A_19, %mul3A_72 : i32
      %add3A_74 = arith.constant 80 : i32
      %add3A_75 = arith.addi %mul3A_73, %add3A_74 : i32
      %get3A_76 = arith.index_cast %add3A_75 : i32 to index
      %get3A_77 = tpu.vector_load %arg4[%get3A_76] {strides = array<i32>} : memref<21504xi32, #tpu.memory_space<vmem>>, vector<16xi32>,
      %broadcast_in_dim3A_78 = arith.constant true
      %broadcast_in_dim3A_79 = vector.broadcast %broadcast_in_dim3A_78 : i1 to vector<16xi1>
      %unique3A_80, %unique3A_81 = tpu.scan_count mask(%broadcast_in_dim3A_79 : vector<16xi1>) value(%get3A_77 : vector<16xi32>) : vector<16xi1>, vector<16xi32>
      %convert_element_type3A_82 = arith.sitofp %unique3A_81 : vector<16xi32> to vector<16xf32>
      tpu.vector_store_idx %arg5[%get3A_77], %convert_element_type3A_82 masked %unique3A_80 {add = true} : memref<43008xf32, #tpu.memory_space<vmem>>[vector<16xi32>], vector<16xf32>, vector<16xi1>
      %mul3A_83 = arith.constant 128 : i32
      %mul3A_84 = arith.muli %add3A_19, %mul3A_83 : i32
      %add3A_85 = arith.constant 96 : i32
      %add3A_86 = arith.addi %mul3A_84, %add3A_85 : i32
      %get3A_87 = arith.index_cast %add3A_86 : i32 to index
      %get3A_88 = tpu.vector_load %arg4[%get3A_87] {strides = array<i32>} : memref<21504xi32, #tpu.memory_space<vmem>>, vector<16xi32>,
      %broadcast_in_dim3A_89 = arith.constant true
      %broadcast_in_dim3A_90 = vector.broadcast %broadcast_in_dim3A_89 : i1 to vector<16xi1>
      %unique3A_91, %unique3A_92 = tpu.scan_count mask(%broadcast_in_dim3A_90 : vector<16xi1>) value(%get3A_88 : vector<16xi32>) : vector<16xi1>, vector<16xi32>
      %convert_element_type3A_93 = arith.sitofp %unique3A_92 : vector<16xi32> to vector<16xf32>
      tpu.vector_store_idx %arg5[%get3A_88], %convert_element_type3A_93 masked %unique3A_91 {add = true} : memref<43008xf32, #tpu.memory_space<vmem>>[vector<16xi32>], vector<16xf32>, vector<16xi1>
      %mul3A_94 = arith.constant 128 : i32
      %mul3A_95 = arith.muli %add3A_19, %mul3A_94 : i32
      %add3A_96 = arith.constant 112 : i32
      %add3A_97 = arith.addi %mul3A_95, %add3A_96 : i32
      %get3A_98 = arith.index_cast %add3A_97 : i32 to index
      %get3A_99 = tpu.vector_load %arg4[%get3A_98] {strides = array<i32>} : memref<21504xi32, #tpu.memory_space<vmem>>, vector<16xi32>,
      %broadcast_in_dim3A_100 = arith.constant true
      %broadcast_in_dim3A_101 = vector.broadcast %broadcast_in_dim3A_100 : i1 to vector<16xi1>
      %unique3A_102, %unique3A_103 = tpu.scan_count mask(%broadcast_in_dim3A_101 : vector<16xi1>) value(%get3A_99 : vector<16xi32>) : vector<16xi1>, vector<16xi32>
      %convert_element_type3A_104 = arith.sitofp %unique3A_103 : vector<16xi32> to vector<16xf32>
      tpu.vector_store_idx %arg5[%get3A_99], %convert_element_type3A_104 masked %unique3A_102 {add = true} : memref<43008xf32, #tpu.memory_space<vmem>>[vector<16xi32>], vector<16xf32>, vector<16xi1>
    }
    %scan3A_14 = arith.constant 168 : i32
    "tpu.region"() ({
      %run_scoped3A_15 = tpu.sem_alloc : memref<!tpu.dma_semaphore, #tpu.memory_space<semaphore_mem>>
      %dma_start3A = arith.constant 0 : i32
      %dma_start3A_16 = tpu.memref_slice %arg3[%add3A, %dma_start3A] : memref<32x43008xf32, #tpu.memory_space<hbm>> -> memref<1x43008xf32, #tpu.memory_space<hbm>>
      %dma_start3A_17 = tpu.memref_squeeze %dma_start3A_16 : memref<1x43008xf32, #tpu.memory_space<hbm>> -> memref<43008xf32, #tpu.memory_space<hbm>>
      %dma_start3A_18 = arith.constant 0 : i32
      %dma_start3A_19 = tpu.memref_slice %arg3[%add3A, %dma_start3A_18] : memref<32x43008xf32, #tpu.memory_space<hbm>> -> memref<1x43008xf32, #tpu.memory_space<hbm>>
      %dma_start3A_20 = tpu.memref_squeeze %dma_start3A_19 : memref<1x43008xf32, #tpu.memory_space<hbm>> -> memref<43008xf32, #tpu.memory_space<hbm>>
      tpu.enqueue_dma source(%arg5 : memref<43008xf32, #tpu.memory_space<vmem>>) target(%dma_start3A_20 : memref<43008xf32, #tpu.memory_space<hbm>>) target_semaphore(%run_scoped3A_15 : memref<!tpu.dma_semaphore, #tpu.memory_space<semaphore_mem>>)
      %dma_wait3A = arith.constant 0 : i32
      %dma_wait3A_21 = tpu.memref_slice %arg3[%add3A, %dma_wait3A] : memref<32x43008xf32, #tpu.memory_space<hbm>> -> memref<1x43008xf32, #tpu.memory_space<hbm>>
      %dma_wait3A_22 = tpu.memref_squeeze %dma_wait3A_21 : memref<1x43008xf32, #tpu.memory_space<hbm>> -> memref<43008xf32, #tpu.memory_space<hbm>>
      %dma_wait3A_23 = arith.constant 0 : i32
      %dma_wait3A_24 = tpu.memref_slice %arg3[%add3A, %dma_wait3A_23] : memref<32x43008xf32, #tpu.memory_space<hbm>> -> memref<1x43008xf32, #tpu.memory_space<hbm>>
      %dma_wait3A_25 = tpu.memref_squeeze %dma_wait3A_24 : memref<1x43008xf32, #tpu.memory_space<hbm>> -> memref<43008xf32, #tpu.memory_space<hbm>>
      tpu.wait_dma2 semaphore(%run_scoped3A_15 : memref<!tpu.dma_semaphore, #tpu.memory_space<semaphore_mem>>) src(%arg5 : memref<43008xf32, #tpu.memory_space<vmem>>) dst(%dma_wait3A_25 : memref<43008xf32, #tpu.memory_space<hbm>>)
      tpu.yield
    }) : () -> ()
    return
  }
}

module attributes {stable_mosaic.version = 14 : i64} {
  func.func @_pre_body(%arg0: i32, %arg1: memref<1024x64xf32, #tpu.memory_space<vmem>>, %arg2: memref<1024x64xf32, #tpu.memory_space<vmem>>, %arg3: memref<1024x64xf32, #tpu.memory_space<vmem>>, %arg4: memref<32x1024xf32, #tpu.memory_space<vmem>>, %arg5: memref<64x64xf32, #tpu.memory_space<vmem>>, %arg6: memref<64x64xf32, #tpu.memory_space<vmem>>, %arg7: memref<1024x128xf32, #tpu.memory_space<vmem>>) attributes {dimension_semantics = [#tpu.dimension_semantics<arbitrary>], iteration_bounds = array<i64: 42>, scalar_prefetch = 0 : i64, scratch_operands = 0 : i64, tpu.core_type = #tpu.core_type<tc>, window_params = [{transform_indices = @transform_0, window_bounds = array<i64: 1024, 64>}, {transform_indices = @transform_1, window_bounds = array<i64: 1024, 64>}, {transform_indices = @transform_2, window_bounds = array<i64: 1024, 64>}, {transform_indices = @transform_3, window_bounds = array<i64: 32, 1024>}, {pipeline_mode = #tpu.pipeline_mode<synchronous>, transform_indices = @transform_4, window_bounds = array<i64: 64, 64>}, {pipeline_mode = #tpu.pipeline_mode<synchronous>, transform_indices = @transform_5, window_bounds = array<i64: 64, 64>}, {transform_indices = @transform_6, window_bounds = array<i64: 1024, 128>}]} {
    %get3A = arith.constant 0 : index
    %get3A_0 = arith.constant 0 : index
    %get3A_1 = vector.load %arg1[%get3A, %get3A_0] : memref<1024x64xf32, #tpu.memory_space<vmem>>, vector<1024x64xf32>
    %get3A_2 = arith.constant 0 : index
    %get3A_3 = arith.constant 0 : index
    %get3A_4 = vector.load %arg3[%get3A_2, %get3A_3] : memref<1024x64xf32, #tpu.memory_space<vmem>>, vector<1024x64xf32>
    %add3A = arith.addf %get3A_1, %get3A_4 : vector<1024x64xf32>
    %get3A_5 = arith.constant 0 : index
    %get3A_6 = arith.constant 0 : index
    %get3A_7 = vector.load %arg2[%get3A_5, %get3A_6] : memref<1024x64xf32, #tpu.memory_space<vmem>>, vector<1024x64xf32>
    %get3A_8 = arith.constant 0 : index
    %get3A_9 = arith.constant 0 : index
    %get3A_10 = vector.load %arg3[%get3A_8, %get3A_9] : memref<1024x64xf32, #tpu.memory_space<vmem>>, vector<1024x64xf32>
    %add3A_11 = arith.addf %get3A_7, %get3A_10 : vector<1024x64xf32>
    %get3A_12 = arith.constant 0 : index
    %get3A_13 = arith.constant 0 : index
    %get3A_14 = vector.load %arg4[%get3A_12, %get3A_13] : memref<32x1024xf32, #tpu.memory_space<vmem>>, vector<32x1024xf32>
    %broadcast_in_dim3A = arith.constant 1.000000e+00 : f32
    %broadcast_in_dim3A_15 = vector.broadcast %broadcast_in_dim3A : f32 to vector<32x1xf32>
    %dot_general3A = arith.constant dense<0.000000e+00> : vector<1024x1xf32>
    %dot_general3A_16 = tpu.matmul %get3A_14, %broadcast_in_dim3A_15, %dot_general3A {dimension_numbers = #tpu.dot_dimension_numbers<[0], [0], [1], [1], [0, 1, 1, 1], [], []>, transpose_lhs_hint = false} : vector<32x1024xf32>, vector<32x1xf32>, vector<1024x1xf32> -> vector<1024x1xf32>
    %add3A_17 = arith.constant 1.000000e+00 : f32
    %add3A_18 = vector.broadcast %add3A_17 : f32 to vector<1024x1xf32>
    %add3A_19 = arith.addf %dot_general3A_16, %add3A_18 : vector<1024x1xf32>
    %rsqrt3A = math.rsqrt %add3A_19 : vector<1024x1xf32>
    %get3A_20 = arith.constant 0 : index
    %get3A_21 = arith.constant 0 : index
    %get3A_22 = vector.load %arg5[%get3A_20, %get3A_21] : memref<64x64xf32, #tpu.memory_space<vmem>>, vector<64x64xf32>
    %dot_general3A_23 = arith.constant dense<0.000000e+00> : vector<1024x64xf32>
    %dot_general3A_24 = tpu.matmul %add3A, %get3A_22, %dot_general3A_23 {dimension_numbers = #tpu.dot_dimension_numbers<[1], [0], [0], [1], [0, 0, 1, 1], [], []>, transpose_lhs_hint = false} : vector<1024x64xf32>, vector<64x64xf32>, vector<1024x64xf32> -> vector<1024x64xf32>
    %mul3A = vector.broadcast %rsqrt3A : vector<1024x1xf32> to vector<1024x64xf32>
    %mul3A_25 = arith.mulf %mul3A, %dot_general3A_24 : vector<1024x64xf32>
    %swap3A = arith.constant 0 : index
    %swap3A_26 = arith.constant 0 : index
    %swap3A_27 = vector.load %arg7[%swap3A, %swap3A_26] : memref<1024x128xf32, #tpu.memory_space<vmem>>, vector<1024x64xf32>
    tpu.vector_store %arg7[%swap3A, %swap3A_26], %mul3A_25 {strides = array<i32>} : memref<1024x128xf32, #tpu.memory_space<vmem>>, vector<1024x64xf32>,
    %get3A_28 = arith.constant 0 : index
    %get3A_29 = arith.constant 0 : index
    %get3A_30 = vector.load %arg6[%get3A_28, %get3A_29] : memref<64x64xf32, #tpu.memory_space<vmem>>, vector<64x64xf32>
    %dot_general3A_31 = arith.constant dense<0.000000e+00> : vector<1024x64xf32>
    %dot_general3A_32 = tpu.matmul %add3A_11, %get3A_30, %dot_general3A_31 {dimension_numbers = #tpu.dot_dimension_numbers<[1], [0], [0], [1], [0, 0, 1, 1], [], []>, transpose_lhs_hint = false} : vector<1024x64xf32>, vector<64x64xf32>, vector<1024x64xf32> -> vector<1024x64xf32>
    %mul3A_33 = vector.broadcast %rsqrt3A : vector<1024x1xf32> to vector<1024x64xf32>
    %mul3A_34 = arith.mulf %mul3A_33, %dot_general3A_32 : vector<1024x64xf32>
    %swap3A_35 = arith.constant 0 : index
    %swap3A_36 = arith.constant 64 : index
    %swap3A_37 = vector.load %arg7[%swap3A_35, %swap3A_36] : memref<1024x128xf32, #tpu.memory_space<vmem>>, vector<1024x64xf32>
    tpu.vector_store %arg7[%swap3A_35, %swap3A_36], %mul3A_34 {strides = array<i32>} : memref<1024x128xf32, #tpu.memory_space<vmem>>, vector<1024x64xf32>,
    return
  }
  func.func @transform_0(%arg0: i32) -> (i32, i32) {
    %c0_i32 = arith.constant 0 : i32
    %c0_i32_0 = arith.constant 0 : i32
    return %arg0, %c0_i32 : i32, i32
  }
  func.func @transform_1(%arg0: i32) -> (i32, i32) {
    %c0_i32 = arith.constant 0 : i32
    %c0_i32_0 = arith.constant 0 : i32
    return %arg0, %c0_i32 : i32, i32
  }
  func.func @transform_2(%arg0: i32) -> (i32, i32) {
    %c0_i32 = arith.constant 0 : i32
    %c0_i32_0 = arith.constant 0 : i32
    return %arg0, %c0_i32 : i32, i32
  }
  func.func @transform_3(%arg0: i32) -> (i32, i32) {
    %c0_i32 = arith.constant 0 : i32
    %c0_i32_0 = arith.constant 0 : i32
    return %c0_i32, %arg0 : i32, i32
  }
  func.func @transform_4(%arg0: i32) -> (i32, i32) {
    %c0_i32 = arith.constant 0 : i32
    %c0_i32_0 = arith.constant 0 : i32
    %c0_i32_1 = arith.constant 0 : i32
    return %c0_i32, %c0_i32_0 : i32, i32
  }
  func.func @transform_5(%arg0: i32) -> (i32, i32) {
    %c0_i32 = arith.constant 0 : i32
    %c0_i32_0 = arith.constant 0 : i32
    %c0_i32_1 = arith.constant 0 : i32
    return %c0_i32, %c0_i32_0 : i32, i32
  }
  func.func @transform_6(%arg0: i32) -> (i32, i32) {
    %c0_i32 = arith.constant 0 : i32
    %c0_i32_0 = arith.constant 0 : i32
    return %arg0, %c0_i32 : i32, i32
  }
}

module attributes {stable_mosaic.version = 14 : i64} {
  func.func @_post_body(%arg0: i32, %arg1: memref<1024x128xf32, #tpu.memory_space<vmem>>, %arg2: memref<1024x128xf32, #tpu.memory_space<vmem>>, %arg3: memref<32x1024xf32, #tpu.memory_space<vmem>>, %arg4: memref<1x1024x1xi32, #tpu.memory_space<vmem>>, %arg5: memref<1x64xf32, #tpu.memory_space<vmem>>, %arg6: memref<1x64xf32, #tpu.memory_space<vmem>>, %arg7: memref<1x2xf32, #tpu.memory_space<vmem>>, %arg8: memref<1x1xf32, #tpu.memory_space<vmem>>, %arg9: memref<64x10xf32, #tpu.memory_space<vmem>>, %arg10: memref<1x10xf32, #tpu.memory_space<vmem>>, %arg11: memref<1x1xf32, #tpu.memory_space<vmem>>, %arg12: memref<128x10xf32, #tpu.memory_space<vmem>>, %arg13: memref<128x64xf32, #tpu.memory_space<vmem>>, %arg14: memref<128x64xf32, #tpu.memory_space<vmem>>, %arg15: memref<128x128xf32, #tpu.memory_space<vmem>>) attributes {dimension_semantics = [#tpu.dimension_semantics<arbitrary>], iteration_bounds = array<i64: 42>, scalar_prefetch = 0 : i64, scratch_operands = 3 : i64, tpu.core_type = #tpu.core_type<tc>, window_params = [{transform_indices = @transform_0, window_bounds = array<i64: 1024, 128>}, {transform_indices = @transform_1, window_bounds = array<i64: 1024, 128>}, {transform_indices = @transform_2, window_bounds = array<i64: 32, 1024>}, {transform_indices = @transform_3, window_bounds = array<i64: 1, 1024, 1>}, {pipeline_mode = #tpu.pipeline_mode<synchronous>, transform_indices = @transform_4, window_bounds = array<i64: 1, 64>}, {pipeline_mode = #tpu.pipeline_mode<synchronous>, transform_indices = @transform_5, window_bounds = array<i64: 1, 64>}, {pipeline_mode = #tpu.pipeline_mode<synchronous>, transform_indices = @transform_6, window_bounds = array<i64: 1, 2>}, {pipeline_mode = #tpu.pipeline_mode<synchronous>, transform_indices = @transform_7, window_bounds = array<i64: 1, 1>}, {pipeline_mode = #tpu.pipeline_mode<synchronous>, transform_indices = @transform_8, window_bounds = array<i64: 64, 10>}, {pipeline_mode = #tpu.pipeline_mode<synchronous>, transform_indices = @transform_9, window_bounds = array<i64: 1, 10>}, {pipeline_mode = #tpu.pipeline_mode<synchronous>, transform_indices = @transform_10, window_bounds = array<i64: 1, 1>}, {pipeline_mode = #tpu.pipeline_mode<synchronous>, transform_indices = @transform_11, window_bounds = array<i64: 128, 10>}]} {
    %get3A = arith.constant 0 : index
    %get3A_0 = arith.constant 0 : index
    %get3A_1 = vector.load %arg3[%get3A, %get3A_0] : memref<32x1024xf32, #tpu.memory_space<vmem>>, vector<32x1024xf32>
    %broadcast_in_dim3A = arith.constant 1.000000e+00 : f32
    %broadcast_in_dim3A_2 = vector.broadcast %broadcast_in_dim3A : f32 to vector<32x1xf32>
    %dot_general3A = arith.constant dense<0.000000e+00> : vector<1024x1xf32>
    %dot_general3A_3 = tpu.matmul %get3A_1, %broadcast_in_dim3A_2, %dot_general3A {dimension_numbers = #tpu.dot_dimension_numbers<[0], [0], [1], [1], [0, 1, 1, 1], [], []>, transpose_lhs_hint = false} : vector<32x1024xf32>, vector<32x1xf32>, vector<1024x1xf32> -> vector<1024x1xf32>
    %add3A = arith.constant 1.000000e+00 : f32
    %add3A_4 = vector.broadcast %add3A : f32 to vector<1024x1xf32>
    %add3A_5 = arith.addf %dot_general3A_3, %add3A_4 : vector<1024x1xf32>
    %rsqrt3A = math.rsqrt %add3A_5 : vector<1024x1xf32>
    %get3A_6 = arith.constant 0 : index
    %get3A_7 = arith.constant 0 : index
    %get3A_8 = vector.load %arg1[%get3A_6, %get3A_7] : memref<1024x128xf32, #tpu.memory_space<vmem>>, vector<1024x128xf32>
    %get3A_9 = arith.constant 0 : index
    %get3A_10 = arith.constant 0 : index
    %get3A_11 = vector.load %arg2[%get3A_9, %get3A_10] : memref<1024x128xf32, #tpu.memory_space<vmem>>, vector<1024x128xf32>
    %add3A_12 = arith.addf %get3A_8, %get3A_11 : vector<1024x128xf32>
    %slice3A = vector.extract_strided_slice %add3A_12 {offsets = [0, 0], sizes = [1024, 64], strides = [1, 1]} : vector<1024x128xf32> to vector<1024x64xf32>
    %mul3A = vector.broadcast %rsqrt3A : vector<1024x1xf32> to vector<1024x64xf32>
    %mul3A_13 = arith.mulf %mul3A, %slice3A : vector<1024x64xf32>
    %get3A_14 = arith.constant 0 : index
    %get3A_15 = arith.constant 0 : index
    %get3A_16 = vector.load %arg5[%get3A_14, %get3A_15] : memref<1x64xf32, #tpu.memory_space<vmem>>, vector<1x64xf32>
    %add3A_17 = vector.broadcast %get3A_16 : vector<1x64xf32> to vector<1024x64xf32>
    %add3A_18 = arith.addf %mul3A_13, %add3A_17 : vector<1024x64xf32>
    %max3A = arith.constant 0.000000e+00 : f32
    %max3A_19 = vector.broadcast %max3A : f32 to vector<1024x64xf32>
    %max3A_20 = arith.maximumf %add3A_18, %max3A_19 : vector<1024x64xf32>
    %slice3A_21 = vector.extract_strided_slice %add3A_12 {offsets = [0, 64], sizes = [1024, 64], strides = [1, 1]} : vector<1024x128xf32> to vector<1024x64xf32>
    %mul3A_22 = vector.broadcast %rsqrt3A : vector<1024x1xf32> to vector<1024x64xf32>
    %mul3A_23 = arith.mulf %mul3A_22, %slice3A_21 : vector<1024x64xf32>
    %get3A_24 = arith.constant 0 : index
    %get3A_25 = arith.constant 0 : index
    %get3A_26 = vector.load %arg6[%get3A_24, %get3A_25] : memref<1x64xf32, #tpu.memory_space<vmem>>, vector<1x64xf32>
    %add3A_27 = vector.broadcast %get3A_26 : vector<1x64xf32> to vector<1024x64xf32>
    %add3A_28 = arith.addf %mul3A_23, %add3A_27 : vector<1024x64xf32>
    %max3A_29 = arith.constant 0.000000e+00 : f32
    %max3A_30 = vector.broadcast %max3A_29 : f32 to vector<1024x64xf32>
    %max3A_31 = arith.maximumf %add3A_28, %max3A_30 : vector<1024x64xf32>
    %get3A_32 = arith.constant 0 : index
    %get3A_33 = arith.constant 0 : index
    %get3A_34 = arith.constant 0 : index
    %get3A_35 = vector.load %arg4[%get3A_32, %get3A_33, %get3A_34] : memref<1x1024x1xi32, #tpu.memory_space<vmem>>, vector<1x1024x1xi32>
    %get3A_36 = vector.shape_cast %get3A_35 : vector<1x1024x1xi32> to vector<1024x1xi32>
    %iota3A = tpu.iota {dimensions = array<i32: 1>} : vector<1024x128xi32>
    %eq3A = vector.broadcast %get3A_36 : vector<1024x1xi32> to vector<1024x128xi32>
    %eq3A_37 = arith.cmpi eq, %eq3A, %iota3A : vector<1024x128xi32>
    %convert_element_type3A = arith.extui %eq3A_37 : vector<1024x128xi1> to vector<1024x128xi32>
    %convert_element_type3A_38 = arith.sitofp %convert_element_type3A : vector<1024x128xi32> to vector<1024x128xf32>
    %dot_general3A_39 = arith.constant dense<0.000000e+00> : vector<128x64xf32>
    %dot_general3A_40 = tpu.matmul %convert_element_type3A_38, %max3A_20, %dot_general3A_39 {dimension_numbers = #tpu.dot_dimension_numbers<[0], [0], [1], [1], [0, 1, 1, 1], [], []>, transpose_lhs_hint = false} : vector<1024x128xf32>, vector<1024x64xf32>, vector<128x64xf32> -> vector<128x64xf32>
    %dot_general3A_41 = arith.constant dense<0.000000e+00> : vector<128x64xf32>
    %dot_general3A_42 = tpu.matmul %convert_element_type3A_38, %max3A_31, %dot_general3A_41 {dimension_numbers = #tpu.dot_dimension_numbers<[0], [0], [1], [1], [0, 1, 1, 1], [], []>, transpose_lhs_hint = false} : vector<1024x128xf32>, vector<1024x64xf32>, vector<128x64xf32> -> vector<128x64xf32>
    %broadcast_in_dim3A_43 = arith.constant 1.000000e+00 : f32
    %broadcast_in_dim3A_44 = vector.broadcast %broadcast_in_dim3A_43 : f32 to vector<1024x128xf32>
    %dot_general3A_45 = arith.constant dense<0.000000e+00> : vector<128x128xf32>
    %dot_general3A_46 = tpu.matmul %convert_element_type3A_38, %broadcast_in_dim3A_44, %dot_general3A_45 {dimension_numbers = #tpu.dot_dimension_numbers<[0], [0], [1], [1], [0, 1, 1, 1], [], []>, transpose_lhs_hint = false} : vector<1024x128xf32>, vector<1024x128xf32>, vector<128x128xf32> -> vector<128x128xf32>
    %eq3A_47 = arith.constant 0 : i32
    %eq3A_48 = arith.cmpi eq, %arg0, %eq3A_47 : i32
    %convert_element_type3A_49 = arith.extui %eq3A_48 : i1 to i32
    %cond3A = arith.constant 0 : i32
    %cond3A_50 = arith.cmpi ne, %convert_element_type3A_49, %cond3A : i32
    scf.if %cond3A_50 {
      %swap3A = arith.constant 0 : index
      %swap3A_60 = arith.constant 0 : index
      %swap3A_61 = vector.load %arg13[%swap3A, %swap3A_60] : memref<128x64xf32, #tpu.memory_space<vmem>>, vector<128x64xf32>
      tpu.vector_store %arg13[%swap3A, %swap3A_60], %dot_general3A_40 {strides = array<i32>} : memref<128x64xf32, #tpu.memory_space<vmem>>, vector<128x64xf32>,
      %swap3A_62 = arith.constant 0 : index
      %swap3A_63 = arith.constant 0 : index
      %swap3A_64 = vector.load %arg14[%swap3A_62, %swap3A_63] : memref<128x64xf32, #tpu.memory_space<vmem>>, vector<128x64xf32>
      tpu.vector_store %arg14[%swap3A_62, %swap3A_63], %dot_general3A_42 {strides = array<i32>} : memref<128x64xf32, #tpu.memory_space<vmem>>, vector<128x64xf32>,
      %swap3A_65 = arith.constant 0 : index
      %swap3A_66 = arith.constant 0 : index
      %swap3A_67 = vector.load %arg15[%swap3A_65, %swap3A_66] : memref<128x128xf32, #tpu.memory_space<vmem>>, vector<128x128xf32>
      tpu.vector_store %arg15[%swap3A_65, %swap3A_66], %dot_general3A_46 {strides = array<i32>} : memref<128x128xf32, #tpu.memory_space<vmem>>, vector<128x128xf32>,
    } else {
    }
    %gt3A = arith.constant 0 : i32
    %gt3A_51 = arith.cmpi sgt, %arg0, %gt3A : i32
    %convert_element_type3A_52 = arith.extui %gt3A_51 : i1 to i32
    %cond3A_53 = arith.constant 0 : i32
    %cond3A_54 = arith.cmpi ne, %convert_element_type3A_52, %cond3A_53 : i32
    scf.if %cond3A_54 {
      %get3A_60 = arith.constant 0 : index
      %get3A_61 = arith.constant 0 : index
      %get3A_62 = vector.load %arg13[%get3A_60, %get3A_61] : memref<128x64xf32, #tpu.memory_space<vmem>>, vector<128x64xf32>
      %add3A_63 = arith.addf %get3A_62, %dot_general3A_40 : vector<128x64xf32>
      %swap3A = arith.constant 0 : index
      %swap3A_64 = arith.constant 0 : index
      %swap3A_65 = vector.load %arg13[%swap3A, %swap3A_64] : memref<128x64xf32, #tpu.memory_space<vmem>>, vector<128x64xf32>
      tpu.vector_store %arg13[%swap3A, %swap3A_64], %add3A_63 {strides = array<i32>} : memref<128x64xf32, #tpu.memory_space<vmem>>, vector<128x64xf32>,
      %get3A_66 = arith.constant 0 : index
      %get3A_67 = arith.constant 0 : index
      %get3A_68 = vector.load %arg14[%get3A_66, %get3A_67] : memref<128x64xf32, #tpu.memory_space<vmem>>, vector<128x64xf32>
      %add3A_69 = arith.addf %get3A_68, %dot_general3A_42 : vector<128x64xf32>
      %swap3A_70 = arith.constant 0 : index
      %swap3A_71 = arith.constant 0 : index
      %swap3A_72 = vector.load %arg14[%swap3A_70, %swap3A_71] : memref<128x64xf32, #tpu.memory_space<vmem>>, vector<128x64xf32>
      tpu.vector_store %arg14[%swap3A_70, %swap3A_71], %add3A_69 {strides = array<i32>} : memref<128x64xf32, #tpu.memory_space<vmem>>, vector<128x64xf32>,
      %get3A_73 = arith.constant 0 : index
      %get3A_74 = arith.constant 0 : index
      %get3A_75 = vector.load %arg15[%get3A_73, %get3A_74] : memref<128x128xf32, #tpu.memory_space<vmem>>, vector<128x128xf32>
      %add3A_76 = arith.addf %get3A_75, %dot_general3A_46 : vector<128x128xf32>
      %swap3A_77 = arith.constant 0 : index
      %swap3A_78 = arith.constant 0 : index
      %swap3A_79 = vector.load %arg15[%swap3A_77, %swap3A_78] : memref<128x128xf32, #tpu.memory_space<vmem>>, vector<128x128xf32>
      tpu.vector_store %arg15[%swap3A_77, %swap3A_78], %add3A_76 {strides = array<i32>} : memref<128x128xf32, #tpu.memory_space<vmem>>, vector<128x128xf32>,
    } else {
    }
    %eq3A_55 = arith.constant 41 : i32
    %eq3A_56 = arith.cmpi eq, %arg0, %eq3A_55 : i32
    %convert_element_type3A_57 = arith.extui %eq3A_56 : i1 to i32
    %cond3A_58 = arith.constant 0 : i32
    %cond3A_59 = arith.cmpi ne, %convert_element_type3A_57, %cond3A_58 : i32
    scf.if %cond3A_59 {
      %get3A_60 = arith.constant 0 : index
      %get3A_61 = arith.constant 0 : index
      %get3A_62 = vector.load %arg15[%get3A_60, %get3A_61] : memref<128x128xf32, #tpu.memory_space<vmem>>, vector<128x128xf32>
      %slice3A_63 = vector.extract_strided_slice %get3A_62 {offsets = [0, 0], sizes = [128, 64], strides = [1, 1]} : vector<128x128xf32> to vector<128x64xf32>
      %max3A_64 = arith.constant 1.000000e+00 : f32
      %max3A_65 = vector.broadcast %max3A_64 : f32 to vector<128x64xf32>
      %max3A_66 = arith.maximumf %slice3A_63, %max3A_65 : vector<128x64xf32>
      %get3A_67 = arith.constant 0 : index
      %get3A_68 = arith.constant 0 : index
      %get3A_69 = vector.load %arg13[%get3A_67, %get3A_68] : memref<128x64xf32, #tpu.memory_space<vmem>>, vector<128x64xf32>
      %div3A = arith.divf %get3A_69, %max3A_66 : vector<128x64xf32>
      %get3A_70 = arith.constant 0 : index
      %get3A_71 = arith.constant 0 : index
      %get3A_72 = vector.load %arg7[%get3A_70, %get3A_71] : memref<1x2xf32, #tpu.memory_space<vmem>>, vector<1x1xf32>
      %mul3A_73 = vector.broadcast %get3A_72 : vector<1x1xf32> to vector<128x64xf32>
      %mul3A_74 = arith.mulf %div3A, %mul3A_73 : vector<128x64xf32>
      %get3A_75 = arith.constant 0 : index
      %get3A_76 = arith.constant 0 : index
      %get3A_77 = vector.load %arg14[%get3A_75, %get3A_76] : memref<128x64xf32, #tpu.memory_space<vmem>>, vector<128x64xf32>
      %div3A_78 = arith.divf %get3A_77, %max3A_66 : vector<128x64xf32>
      %get3A_79 = arith.constant 0 : index
      %get3A_80 = arith.constant 1 : index
      %get3A_81 = vector.load %arg7[%get3A_79, %get3A_80] : memref<1x2xf32, #tpu.memory_space<vmem>>, vector<1x1xf32>
      %mul3A_82 = vector.broadcast %get3A_81 : vector<1x1xf32> to vector<128x64xf32>
      %mul3A_83 = arith.mulf %div3A_78, %mul3A_82 : vector<128x64xf32>
      %add3A_84 = arith.addf %mul3A_74, %mul3A_83 : vector<128x64xf32>
      %get3A_85 = arith.constant 0 : index
      %get3A_86 = arith.constant 0 : index
      %get3A_87 = vector.load %arg8[%get3A_85, %get3A_86] : memref<1x1xf32, #tpu.memory_space<vmem>>, vector<1x1xf32>
      %add3A_88 = vector.broadcast %get3A_87 : vector<1x1xf32> to vector<128x64xf32>
      %add3A_89 = arith.addf %add3A_84, %add3A_88 : vector<128x64xf32>
      %get3A_90 = arith.constant 0 : index
      %get3A_91 = arith.constant 0 : index
      %get3A_92 = vector.load %arg9[%get3A_90, %get3A_91] : memref<64x10xf32, #tpu.memory_space<vmem>>, vector<64x10xf32>
      %dot_general3A_93 = arith.constant dense<0.000000e+00> : vector<128x10xf32>
      %dot_general3A_94 = tpu.matmul %add3A_89, %get3A_92, %dot_general3A_93 {dimension_numbers = #tpu.dot_dimension_numbers<[1], [0], [0], [1], [0, 0, 1, 1], [], []>, transpose_lhs_hint = false} : vector<128x64xf32>, vector<64x10xf32>, vector<128x10xf32> -> vector<128x10xf32>
      %get3A_95 = arith.constant 0 : index
      %get3A_96 = arith.constant 0 : index
      %get3A_97 = vector.load %arg10[%get3A_95, %get3A_96] : memref<1x10xf32, #tpu.memory_space<vmem>>, vector<1x10xf32>
      %add3A_98 = vector.broadcast %get3A_97 : vector<1x10xf32> to vector<128x10xf32>
      %add3A_99 = arith.addf %dot_general3A_94, %add3A_98 : vector<128x10xf32>
      %get3A_100 = arith.constant 0 : index
      %get3A_101 = arith.constant 0 : index
      %get3A_102 = vector.load %arg11[%get3A_100, %get3A_101] : memref<1x1xf32, #tpu.memory_space<vmem>>, vector<1x1xf32>
      %mul3A_103 = vector.broadcast %get3A_102 : vector<1x1xf32> to vector<128x10xf32>
      %mul3A_104 = arith.mulf %add3A_99, %mul3A_103 : vector<128x10xf32>
      %reduce_max3A = arith.constant dense<0xFF800000> : vector<128xf32>
      %reduce_max3A_105 = vector.multi_reduction <maximumf>, %mul3A_104, %reduce_max3A [1] : vector<128x10xf32> to vector<128xf32>
      %broadcast_in_dim3A_106 = vector.shape_cast %reduce_max3A_105 : vector<128xf32> to vector<128x1xf32>
      %sub3A = vector.broadcast %broadcast_in_dim3A_106 : vector<128x1xf32> to vector<128x10xf32>
      %sub3A_107 = arith.subf %mul3A_104, %sub3A : vector<128x10xf32>
      %exp3A = math.exp %sub3A_107 : vector<128x10xf32>
      %reduce_sum3A = arith.constant dense<0.000000e+00> : vector<128xf32>
      %reduce_sum3A_108 = vector.multi_reduction <add>, %exp3A, %reduce_sum3A [1] : vector<128x10xf32> to vector<128xf32>
      %broadcast_in_dim3A_109 = vector.shape_cast %reduce_sum3A_108 : vector<128xf32> to vector<128x1xf32>
      %div3A_110 = vector.broadcast %broadcast_in_dim3A_109 : vector<128x1xf32> to vector<128x10xf32>
      %div3A_111 = arith.divf %exp3A, %div3A_110 : vector<128x10xf32>
      %swap3A = arith.constant 0 : index
      %swap3A_112 = arith.constant 0 : index
      %swap3A_113 = vector.load %arg12[%swap3A, %swap3A_112] : memref<128x10xf32, #tpu.memory_space<vmem>>, vector<128x10xf32>
      tpu.vector_store %arg12[%swap3A, %swap3A_112], %div3A_111 {strides = array<i32>} : memref<128x10xf32, #tpu.memory_space<vmem>>, vector<128x10xf32>,
    } else {
    }
    return
  }
  func.func @transform_0(%arg0: i32) -> (i32, i32) {
    %c0_i32 = arith.constant 0 : i32
    %c0_i32_0 = arith.constant 0 : i32
    return %arg0, %c0_i32 : i32, i32
  }
  func.func @transform_1(%arg0: i32) -> (i32, i32) {
    %c0_i32 = arith.constant 0 : i32
    %c0_i32_0 = arith.constant 0 : i32
    return %arg0, %c0_i32 : i32, i32
  }
  func.func @transform_2(%arg0: i32) -> (i32, i32) {
    %c0_i32 = arith.constant 0 : i32
    %c0_i32_0 = arith.constant 0 : i32
    return %c0_i32, %arg0 : i32, i32
  }
  func.func @transform_3(%arg0: i32) -> (i32, i32, i32) {
    %c0_i32 = arith.constant 0 : i32
    %c0_i32_0 = arith.constant 0 : i32
    %c0_i32_1 = arith.constant 0 : i32
    return %arg0, %c0_i32, %c0_i32_0 : i32, i32, i32
  }
  func.func @transform_4(%arg0: i32) -> (i32, i32) {
    %c0_i32 = arith.constant 0 : i32
    %c0_i32_0 = arith.constant 0 : i32
    %c0_i32_1 = arith.constant 0 : i32
    return %c0_i32, %c0_i32_0 : i32, i32
  }
  func.func @transform_5(%arg0: i32) -> (i32, i32) {
    %c0_i32 = arith.constant 0 : i32
    %c0_i32_0 = arith.constant 0 : i32
    %c0_i32_1 = arith.constant 0 : i32
    return %c0_i32, %c0_i32_0 : i32, i32
  }
  func.func @transform_6(%arg0: i32) -> (i32, i32) {
    %c0_i32 = arith.constant 0 : i32
    %c0_i32_0 = arith.constant 0 : i32
    %c0_i32_1 = arith.constant 0 : i32
    return %c0_i32, %c0_i32_0 : i32, i32
  }
  func.func @transform_7(%arg0: i32) -> (i32, i32) {
    %c0_i32 = arith.constant 0 : i32
    %c0_i32_0 = arith.constant 0 : i32
    %c0_i32_1 = arith.constant 0 : i32
    return %c0_i32, %c0_i32_0 : i32, i32
  }
  func.func @transform_8(%arg0: i32) -> (i32, i32) {
    %c0_i32 = arith.constant 0 : i32
    %c0_i32_0 = arith.constant 0 : i32
    %c0_i32_1 = arith.constant 0 : i32
    return %c0_i32, %c0_i32_0 : i32, i32
  }
  func.func @transform_9(%arg0: i32) -> (i32, i32) {
    %c0_i32 = arith.constant 0 : i32
    %c0_i32_0 = arith.constant 0 : i32
    %c0_i32_1 = arith.constant 0 : i32
    return %c0_i32, %c0_i32_0 : i32, i32
  }
  func.func @transform_10(%arg0: i32) -> (i32, i32) {
    %c0_i32 = arith.constant 0 : i32
    %c0_i32_0 = arith.constant 0 : i32
    %c0_i32_1 = arith.constant 0 : i32
    return %c0_i32, %c0_i32_0 : i32, i32
  }
  func.func @transform_11(%arg0: i32) -> (i32, i32) {
    %c0_i32 = arith.constant 0 : i32
    %c0_i32_0 = arith.constant 0 : i32
    %c0_i32_1 = arith.constant 0 : i32
    return %c0_i32, %c0_i32_0 : i32, i32
  }
}

</mosaic_0001>

<sc_bundles>
// kernel: kernel.6.cloned.1.call-start
scs
__scs_entry_jumppad:
0x0: {  	(pc) =	sbr.rel $0x88, $3  }
0x1: {  	(tag) =	ssettag $0x0;
	lr =	simm.s32 $0x1  }
0x2: {  	[smem:$0x3F93] =	sst lr;
	_ =	strace $0xD0000000  }
0x3: {  	_ = 	snop  }
0x4: {  	_ = 	snop  }
0x5: {  	_ = 	snop  }
0x6: {  	_ = 	snop  }
0x7: {  	_ = 	snop  }
__scs_overlays_trampoline_lowered:
0x8: {  	[smem:$0x3FA2] =	sst s0  }
0x9: {  	[smem:$0x3FA3] =	sst s1  }
0xa: {  	[smem:$0x3FA4] =	sst s2  }
0xb: {  	[smem:$0x3FA5] =	sst s3  }
0xc: {  	[smem:$0x3FA6] =	sst s4  }
0xd: {  	[smem:$0x3FA7] =	sst s5  }
0xe: {  	[smem:$0x3FA8] =	sst s6  }
0xf: {  	[smem:$0x3FA9] =	sst s7  }
0x10: {  	[smem:$0x3FAA] =	sst s8  }
0x11: {  	[smem:$0x3FAB] =	sst s9;
	s0 =	simm.s32 @!p0 $0x0  }
0x12: {  	s1 =	sld [smem:$0x3F91];
	s0 =	simm.s32 @p0 $0x1  }
0x13: {  	[smem:$0x3FAC] =	sst s0;
	s0 =	simm.s32 @!p1 $0x0  }
0x14: {  	s2 =	sld [smem:$0x3F90];
	s0 =	simm.s32 @p1 $0x1  }
0x15: {  	[smem:$0x3FAD] =	sst s0;
	s0 =	simm.s32 @!p2 $0x0  }
0x16: {  	s3 =	sld [smem:$0x3FDB];
	s0 =	simm.s32 @p2 $0x1  }
0x17: {  	s4 =	simm.s32 $0x1BF5;
	[smem:$0x3FAF] =	sst s0  }
0x18: {  	s0 =	sld [smem:$0x3F92];
	_ =	swait.ge [sflag:s4], $0x0  }
0x19: {  	s7 =	sld [smem:$0x3F93]  }
0x1a: {  	s8 =	sadd.s32 $0xFFFFE003, lr  }
0x1b: {  	s9 =	sadd.s32 $0xFFFFFEF7, lr;
	s5 =	simm.s32 $0xFFFFFFFF;
	p2 =	slt.u32 s8, $0xFFFFF086  }
0x1c: {  	p1 =	slt.u32 s9, $0xF7A;
	s5 =	simm.s32 @!p2 $0x0  }
0x1d: {  	s5 =	simm.s32 @p1 $0x1;
	p0 =	seq.s32 s7, s2  }
0x1e: {  	s7 =	smul.u32 @!p0 $0xF7A, s2;
	p2 =	seq.s32 @!p0 s5, $0x0  }
0x1f: {  	s9 =	smul.u32 $0xF7A, s1;
	s8 =	simm.s32 @!p0 $0x1BF5;
	p2 =	por !p2, p0  }
0x20: {  	[sflag:s8] =	ssyncset.s32 @!p0 $0xFFFFF086;
	s6 =	sadd.s32 @!p0 s3, s7;
	s7 =	simm.s32 @!p0 $0x108  }
0x21: {  	s3 =	sadd.s32 s3, s9;
	s6 =	sadd.s32 @!p0 $0x88, s6;
	s7 =	simm.s32 @p2 $0x1082  }
0x22: {  	[simem:s7], [sflag:s8] =	dma.local @!p0 [hbm:s6], $0xF7A  }
0x23: {  	s9 =	sor.u32 $0xD0000000, s2;
	s6 =	simm.s32 $0x108;
	_ =	swait.ge @!p0 [sflag:s8], $0x0  }
0x24: {  	s3 =	sadd.s32 $0x88, s3;
	s6 =	simm.s32 @!p1 $0x1082;
	[sflag:s4] =	ssyncset.s32 $0xFFFFF086  }
0x25: {  	[simem:s6], [sflag:s4] =	dma.local [hbm:s3], $0xF7A  }
0x26: {  	[smem:$0x3F93] =	sst s1;
	(tag) =	ssettag s2;
	_ =	strace s9  }
0x27: {  	s1 =	sld [smem:$0x3FA3]  }
0x28: {  	s2 =	sld [smem:$0x3FA4]  }
0x29: {  	s4 =	sld [smem:$0x3FA6]  }
0x2a: {  	p0 =	seq.s32 s5, $0x0;
	s5 =	sld [smem:$0x3FA7]  }
0x2b: {  	s6 =	sld [smem:$0x3FA8]  }
0x2c: {  	s7 =	sld [smem:$0x3FA9]  }
0x2d: {  	s3 =	simm.s32 $0x108;
	s8 =	sld [smem:$0x3FAA]  }
0x2e: {  	s3 =	simm.s32 @!p0 $0x1082;
	s9 =	sld [smem:$0x3FAB]  }
0x2f: {  	lr =	sadd.s32 s0, s3;
	s0 =	sld [smem:$0x3FA2]  }
0x30: {  	s3 =	sld [smem:$0x3FA5]  }
0x31: {  	[smem:$0x3FAE] =	sst s10  }
0x32: {  	s10 =	sld [smem:$0x3FAC];
	_ =	sdelay $0x3  }
0x33: {  	p0 =	seq.s32 s10, $0x1;
	s10 =	sld [smem:$0x3FAE];
	_ =	sdelay $0x3  }
0x34: {  	[smem:$0x3FAE] =	sst s10  }
0x35: {  	s10 =	sld [smem:$0x3FAD];
	_ =	sdelay $0x3  }
0x36: {  	p1 =	seq.s32 s10, $0x1;
	s10 =	sld [smem:$0x3FAE];
	_ =	sdelay $0x3  }
0x37: {  	[smem:$0x3FAE] =	sst s10  }
0x38: {  	s10 =	sld [smem:$0x3FAF]  }
0x39: {  	_ = 	snop;
	(pc) =	sbr.ind lr, $3  }
0x3a: {  	_ = 	snop  }
0x3b: {  	_ = 	snop  }
0x3c: {  	p2 =	seq.s32 s10, $0x1;
	s10 =	sld [smem:$0x3FAE]  }
0x3d: {  	_ =	shalt  }
0x3e: {  	_ =	shalt  }
0x3f: {  	_ =	shalt  }
0x40: {  	_ =	shalt  }
0x41: {  	_ =	shalt  }
0x42: {  	_ =	shalt  }
0x43: {  	_ =	shalt  }
0x44: {  	_ =	shalt  }
0x45: {  	_ =	shalt  }
0x46: {  	_ =	shalt  }
0x47: {  	_ =	shalt  }
0x48: {  	_ =	shalt  }
0x49: {  	_ =	shalt  }
0x4a: {  	_ =	shalt  }
0x4b: {  	_ =	shalt  }
0x4c: {  	_ =	shalt  }
0x4d: {  	_ =	shalt  }
0x4e: {  	_ =	shalt  }
0x4f: {  	_ =	shalt  }
0x50: {  	_ =	shalt  }
0x51: {  	_ =	shalt  }
0x52: {  	_ =	shalt  }
0x53: {  	_ =	shalt  }
0x54: {  	_ =	shalt  }
0x55: {  	_ =	shalt  }
0x56: {  	_ =	shalt  }
0x57: {  	_ =	shalt  }
0x58: {  	_ =	shalt  }
0x59: {  	_ =	shalt  }
0x5a: {  	_ =	shalt  }
0x5b: {  	_ =	shalt  }
0x5c: {  	_ =	shalt  }
0x5d: {  	_ =	shalt  }
0x5e: {  	_ =	shalt  }
0x5f: {  	_ =	shalt  }
0x60: {  	_ =	shalt  }
0x61: {  	_ =	shalt  }
0x62: {  	_ =	shalt  }
0x63: {  	_ =	shalt  }
0x64: {  	_ =	shalt  }
0x65: {  	_ =	shalt  }
0x66: {  	_ =	shalt  }
0x67: {  	_ =	shalt  }
0x68: {  	_ =	shalt  }
0x69: {  	_ =	shalt  }
0x6a: {  	_ =	shalt  }
0x6b: {  	_ =	shalt  }
0x6c: {  	_ =	shalt  }
0x6d: {  	_ =	shalt  }
0x6e: {  	_ =	shalt  }
0x6f: {  	_ =	shalt  }
0x70: {  	_ =	shalt  }
0x71: {  	_ =	shalt  }
0x72: {  	_ =	shalt  }
0x73: {  	_ =	shalt  }
0x74: {  	_ =	shalt  }
0x75: {  	_ =	shalt  }
0x76: {  	_ =	shalt  }
0x77: {  	_ =	shalt  }
0x78: {  	_ =	shalt  }
0x79: {  	_ =	shalt  }
0x7a: {  	_ =	shalt  }
0x7b: {  	_ =	shalt  }
0x7c: {  	_ =	shalt  }
0x7d: {  	_ =	shalt  }
0x7e: {  	_ =	shalt  }
0x7f: {  	_ =	shalt  }
0x80: {  	_ =	shalt  }
0x81: {  	_ =	shalt  }
0x82: {  	_ =	shalt  }
0x83: {  	_ =	shalt  }
0x84: {  	_ =	shalt  }
0x85: {  	_ =	shalt  }
0x86: {  	_ =	shalt  }
0x87: {  	_ =	shalt  }
.Lfunc_end0:
.L_simem_size_0:
called_computation_lowered:
.L_overlay_start_0:
0x88: {  	s2 =	sld [smem:$0x3FD9]  }
0x89: {  	s3 =	sld [smem:$0x3FFE];
	_ =	sdelay $0x1  }
0x8a: {  	s1 =	srdreg.scid  }
0x8b: {  	s0 =	sand.u32 $0x1, s1  }
0x8c: {  	s17 =	sshll.u32 s0, $0xA;
	s2 =	sadd.s32 s3, s2  }
0x8d: {  	s2 =	sadd.s32 s2, s17  }
0x8e: {  	[smem:$0x3FBA] =	sst s2  }
0x8f: {  	_ = 	snop  }
0x90: {  	s2 =	sld [smem:$0x3FBE];
	(tm) =	ssettm $0x1  }
0x91: {  	s18 =	sld [smem:$0x3FFB];
	_ =	sdelay $0x3  }
0x92: {  	_ =	strace s18  }
0x93: {  	s3 =	sld [smem:$0x3FFC];
	_ =	sdelay $0x3  }
0x94: {  	_ =	strace s3  }
0x95: {  	s3 =	sld [smem:$0x3FFD];
	_ =	sdelay $0x3  }
0x96: {  	_ =	strace s3  }
0x97: {  	_ =	strace $0x8FFFFFFF  }
0x98: {  	s19 =	sld [smem:$0x3FDB];
	_ =	sdelay $0x1  }
0x99: {  	s4 =	simm.s32 $_scs_section_size  }
0x9a: {  	s5 =	simm.s32 $_size__tile_overlayer_lowered;
	s6 =	simm.s32 $_tile_overlayer_lowered  }
0x9b: {  	s22 =	simm.s32 $0x1BFF;
	s21 =	sshll.u32 s6, $0x1;
	s3 =	sadd.s32 s4, s19  }
0x9c: {  	s7 =	simm.s32 $0x0;
	s20 =	sshll.u32 s5, $0x1;
	s5 =	sadd.s32 s21, s3  }
0x9d: {  	[timem:s7], [sflag:s22] =	dma.local [hbm:s5], s20  }
0x9e: {  	_ =	swait.ge [sflag:s22], s20  }
0x9f: {  	s4 =	ssub.s32 $0x0, s20;
	[sflag:s22] =	ssyncset.done $0x0  }
0xa0: {  	[sflag:s22] =	ssyncadd.s32 s4;
	_ =	sdelay $0x1  }
0xa1: {  	s23 =	simm.s32 $0x1B8B  }
0xa2: {  	_ =	swait.ge [sflag:s23], $0x1  }
0xa3: {  	[sflag:s23] =	ssyncset.done $0x0  }
0xa4: {  	s25 =	simm.s32 $0x1B8E;
	s24 =	sld [smem:$0x3FFE];
	[sflag:s23] =	ssyncadd.s32 $0xFFFFFFFF  }
0xa5: {  	s26 =	simm.s32 $execute0_lowered;
	[smem:$0x3FD2] =	sst s25  }
0xa6: {  	s5 =	sshll.u32 s26, $0x1;
	_ =	strace $0x80000046;
	[dreg:$0x1] =	wrdreg $0xFFFFFFFF  }
0xa7: {  	s28 =	simm.s32 $_size_execute0_lowered;
	s3 =	sadd.s32 s3, s5;
	[dreg:$0x0] =	wrdreg $0x0  }
0xa8: {  	s5 =	sshll.u32 s28, $0x1;
	[dreg:$0x2] =	wrdreg s3  }
0xa9: {  	[dreg:$0x3] =	wrdreg s5  }
0xaa: {  	[dreg:$0x4] =	wrdreg $0xC0  }
0xab: {  	_ =	task [dreg:s7], $0x5FFFF  }
0xac: {  	[dreg:$0x1] =	wrdreg $0xFFFFFFFF  }
0xad: {  	[dreg:$0x0] =	wrdreg $0x60  }
0xae: {  	[dreg:$0x2] =	wrdreg s2  }
0xaf: {  	[dreg:$0x3] =	wrdreg s24  }
0xb0: {  	[dreg:$0x4] =	wrdreg $0x9  }
0xb1: {  	_ =	task.clear_ibuf [dreg:s7], $0x5FFFF;
	_ =	strace $0x90000046  }
0xb2: {  	s29 =	simm.s32 $0x9;
	_ =	strace $0x80000048  }
0xb3: {  	_ =	swait.ge [sflag:s29], $0x1  }
0xb4: {  	[sflag:s29] =	ssyncadd.s32 $0xFFFFFFFF  }
0xb5: {  	_ =	strace $0x90000048  }
0xb6: {  	_ =	sfence  }
0xb7: {  	s30 =	sld [smem:$0x0];
	_ =	sdelay $0x2  }
0xb8: {  	s31 =	sshll.u32 s1, $0xD;
	s1 =	sshrl.u32 s1, $0x2  }
0xb9: {  	s3 =	sand.u32 $0x4000, s31;
	s1 =	sadd.s32 s1, s30  }
0xba: {  	s0 =	sor.u32 s3, s0;
	s1 =	sshll.u32 s1, $0x11  }
0xbb: {  	s0 =	sor.u32 s1, s0  }
0xbc: {  	s0 =	sadd.s32 $0x8F2B, s0  }
0xbd: {  	[sflag:s0] =	ssyncadd.remote.s32 $0x1  }
0xbe: {  	_ =	sfence.sel $0xFFFF  }
0xbf: {  	[dreg:$0x0] =	wrdreg $0xFFFFFFFF;
	(pc) =	sbr.abs _section_cstart, $3  }
0xc0: {  	[dreg:$0x1] =	wrdreg $0xFFFFFFFF  }
0xc1: {  	_ =	task.clear_ibuf [dreg:s7], $0x2FFFF;
	_ =	strace $0x9FFFFFFF  }
0xc2: {  	(tm) =	ssettm $0x7FFFFFFF  }
0xc3: {  	_ =	shalt  }
tec
execute0_lowered:
.L_overlay_start_1:
0x0: {  	(tag) =	ssettag $0x1  }
0x1: {  	s3 =	rddreg [dreg:$0x0];
	s1 =	srdreg.scid  }
0x2: {  	s0 =	stileid.u32;
	s4 =	rddreg [dreg:$0x1];
	s9 =	simm.s32 $0x5400  }
0x3: {  	s10 =	simm.s32 $0x400;
	s11 =	simm.s32 $0x0;
	s5 =	sand.u32 $0x1, s1  }
0x4: {  	s2 =	sshll.u32 s0, $0x1;
	s1 =	rddreg [dreg:$0x2];
	s7 =	sshrl.u32 s0, $0x2  }
0x5: {  	s6 =	sor.u32 s5, s2;
	s2 =	simm.s32 $0x0;
	s7 =	smul.u32 $0x54000, s7  }
0x6: {  	s5 =	ssub.s32 $0x2, s5;
	s8 =	sshll.u32 s6, $0x7;
	[smem:$0x7FF] =	sst s2  }
0x7: {  	s6 =	smul.u32 $0x1500, s6;
	s31 =	sshrl.u32 s5, $0x1;
	s8 =	sand.u32 $0x380, s8  }
0x8: {  	_ =	strace $0x80000047;
	s5 =	ssub.s32 s5, s31;
	s7 =	sor.u32 s7, s8  }
0x9: {  	s3 =	sadd.s32 s6, s3;
	s5 =	smax.u32 s5, $0x1;
	s7 =	sshrl.u32 s7, $0x3  }
0xa: {  	s6 =	simm.s32 $0x80;
	s8 =	simm.s32 $0x1;
	s4 =	sadd.s32 s7, s4  }
0xb: {  	v0 =	vimm.f32 $0.0e+00;
	s3 =	sadd.s32 $0x10, s3;
	s7 =	simm.s32 $0x100;
	s4 =	sadd.s32 $0x3E00, s4  }
.LBB2_1:
0xc: {  	[tilespmem:s2], [sflag:$0x1] =	stream.strided.gather [hbm4b:s3+s6], $0x5400, s7, s6, $0x38;
	[tilespmem:$0xFC00] =	vst v63  }
0xd: {  	_ =	swait.ge [sflag:s8], $0x5400  }
0xe: {  	[sflag:s8] =	ssyncset.done $0x0  }
0xf: {  	s12 =	simm.s32 $0x0;
	[sflag:s8] =	ssyncadd.s32 $0xFFFFAC00  }
.LBB2_2:
0x10: {  	p0 =	sne.s32 s12, $0x29FC0  }
.Ltmp0:
0x11: {  	_ = 	snop;
	(pc) =	sbr.rel @p0 .LBB2_2-.Ltmp0, $3  }
0x12: {  	_ =	sdelay $0x1  }
0x13: {  	s13 =	sshra.s32 s12, $0x2  }
0x14: {  	s12 =	sadd.s32 $0x40, s12;
	[tilespmem:s13+$0x5400] =	vst v0  }
0x15: {  	s12 =	simm.s32 $0x0  }
.LBB2_4:
0x16: {  	s13 =	sshra.s32 s12, $0x2  }
0x17: {  	v1 =	vld [tilespmem:s13+$0x0];
	_ =	sdelay $0x4  }
0x18: {  	(xrf1) =	vunique.msk.u32 $0xffff, v1;
	_ =	sdelay $0xd  }
0x19: {  	_, v2, vm0 =	vpop (xrf1);
	_ =	sdelay $0x3  }
0x1a: {  	v2 =	vcvt.s32.f32 v2;
	_ =	sdelay $0x1  }
0x1b: {  	[tilespmem:v1+s9+$0x0] =	vst.idx.add.f32.msk vm0, v2  }
0x1c: {  	v1 =	vld [tilespmem:s13+$0x10];
	_ =	sdelay $0x4  }
0x1d: {  	(xrf1) =	vunique.msk.u32 $0xffff, v1;
	_ =	sdelay $0xd  }
0x1e: {  	_, v2, vm0 =	vpop (xrf1);
	_ =	sdelay $0x3  }
0x1f: {  	v2 =	vcvt.s32.f32 v2;
	_ =	sdelay $0x1  }
0x20: {  	[tilespmem:v1+s9+$0x0] =	vst.idx.add.f32.msk vm0, v2  }
0x21: {  	v1 =	vld [tilespmem:s13+$0x20];
	_ =	sdelay $0x4  }
0x22: {  	(xrf1) =	vunique.msk.u32 $0xffff, v1;
	_ =	sdelay $0xd  }
0x23: {  	_, v2, vm0 =	vpop (xrf1);
	_ =	sdelay $0x3  }
0x24: {  	v2 =	vcvt.s32.f32 v2;
	_ =	sdelay $0x1  }
0x25: {  	[tilespmem:v1+s9+$0x0] =	vst.idx.add.f32.msk vm0, v2  }
0x26: {  	v1 =	vld [tilespmem:s13+$0x30];
	_ =	sdelay $0x4  }
0x27: {  	(xrf1) =	vunique.msk.u32 $0xffff, v1;
	_ =	sdelay $0xd  }
0x28: {  	_, v2, vm0 =	vpop (xrf1);
	_ =	sdelay $0x3  }
0x29: {  	v2 =	vcvt.s32.f32 v2;
	_ =	sdelay $0x1  }
0x2a: {  	[tilespmem:v1+s9+$0x0] =	vst.idx.add.f32.msk vm0, v2  }
0x2b: {  	v1 =	vld [tilespmem:s13+$0x40];
	_ =	sdelay $0x4  }
0x2c: {  	(xrf1) =	vunique.msk.u32 $0xffff, v1;
	_ =	sdelay $0xd  }
0x2d: {  	_, v2, vm0 =	vpop (xrf1);
	_ =	sdelay $0x3  }
0x2e: {  	v2 =	vcvt.s32.f32 v2;
	_ =	sdelay $0x1  }
0x2f: {  	[tilespmem:v1+s9+$0x0] =	vst.idx.add.f32.msk vm0, v2  }
0x30: {  	v1 =	vld [tilespmem:s13+$0x50];
	_ =	sdelay $0x4  }
0x31: {  	(xrf1) =	vunique.msk.u32 $0xffff, v1;
	_ =	sdelay $0xd  }
0x32: {  	_, v2, vm0 =	vpop (xrf1);
	_ =	sdelay $0x3  }
0x33: {  	v2 =	vcvt.s32.f32 v2;
	_ =	sdelay $0x1  }
0x34: {  	[tilespmem:v1+s9+$0x0] =	vst.idx.add.f32.msk vm0, v2  }
0x35: {  	v1 =	vld [tilespmem:s13+$0x60];
	_ =	sdelay $0x4  }
0x36: {  	(xrf1) =	vunique.msk.u32 $0xffff, v1;
	_ =	sdelay $0xd  }
0x37: {  	_, v2, vm0 =	vpop (xrf1);
	_ =	sdelay $0x3  }
0x38: {  	v2 =	vcvt.s32.f32 v2;
	_ =	sdelay $0x1  }
0x39: {  	[tilespmem:v1+s9+$0x0] =	vst.idx.add.f32.msk vm0, v2  }
0x3a: {  	v1 =	vld [tilespmem:s13+$0x70];
	_ =	sdelay $0x4  }
0x3b: {  	(xrf1) =	vunique.msk.u32 $0xffff, v1;
	_ =	sdelay $0xd  }
0x3c: {  	_, v2, vm0 =	vpop (xrf1)  }
0x3d: {  	p0 =	sne.s32 s12, $0x14E00  }
.Ltmp1:
0x3e: {  	_ = 	snop;
	(pc) =	sbr.rel @p0 .LBB2_4-.Ltmp1, $3  }
0x3f: {  	_ = 	snop  }
0x40: {  	v2 =	vcvt.s32.f32 v2;
	_ =	sdelay $0x1  }
0x41: {  	s12 =	sadd.s32 $0x200, s12;
	[tilespmem:v1+s9+$0x0] =	vst.idx.add.f32.msk vm0, v2  }
0x42: {  	s11 =	sadd.s32 $0x1, s11  }
0x43: {  	p0 =	sne.s32 s11, s5  }
.Ltmp2:
0x44: {  	_ = 	snop;
	(pc) =	sbr.rel @p0 .LBB2_1-.Ltmp2, $4  }
0x45: {  	[hbm4b:s4+s6] =	stream.strided.scatter [tilespmem:s9], [sflag:$0x1], $0xA800, s10, s6, $0x38;
	[tilespmem:$0xFC00] =	vst v63  }
0x46: {  	_ =	swait.ge [sflag:s8], $0xA800  }
0x47: {  	[sflag:s8] =	ssyncset.done $0x0  }
0x48: {  	[sflag:s8] =	ssyncadd.s32 $0xFFFF5800  }
0x49: {  	_ =	sfence.sel $0x180000  }
0x4a: {  	[bflag:$0x0] =	sbarrier.arrive $0xFFFF  }
0x4b: {  	p0 =	sne.s32 s0, $0x0;
	_ =	strace $0x90000047  }
0x4c: {  	s0 =	sadd.s32 @!p0 $0x100000, s1;
	[bflag:$0x2] =	sbarrier.arrive $0xFFFF  }
0x4d: {  	[sflag:s0] =	ssyncadd.tile.s32 @!p0 $0x1;
	_ =	shalt  }
.Lfunc_end2:
_tile_overlayer_lowered:
.L_overlay_start_2:
0x4e: {  	(tag) =	ssettag $0x2  }
0x4f: {  	s0 =	rddreg [dreg:$0x0];
	s2 =	stileid.u32  }
0x50: {  	s1 =	rddreg [dreg:$0x1];
	p0 =	sne.s32 s2, $0x0  }
0x51: {  	s3 =	rddreg [dreg:$0x2];
	[bflag:$0x3] =	sbarrier.arrive $0xFFFF;
	s2 =	simm.s32 @!p0 $0x1C01  }
0x52: {  	[timem:s3], [sflag:s2] =	dma.local @!p0 [hbm:s0], s1  }
0x53: {  	s0 =	simm.s32 @!p0 $0x1  }
0x54: {  	_ =	swait.ge @!p0 [sflag:s0], s1  }
0x55: {  	s1 =	ssub.s32 @!p0 $0x0, s1;
	[sflag:s0] =	ssyncset.done @!p0 $0x0  }
0x56: {  	[sflag:s0] =	ssyncadd.s32 @!p0 s1  }
0x57: {  	[bflag:$0x3] =	sbarrier.arrive $0xFFFF  }
0x58: {  	_ =	shalt  }

// kernel: kernel.9.cloned.1.call-start
scs
__scs_entry_jumppad:
0x0: {  	(pc) =	sbr.rel $0x88, $3  }
0x1: {  	(tag) =	ssettag $0x0;
	lr =	simm.s32 $0x1  }
0x2: {  	[smem:$0x3F93] =	sst lr;
	_ =	strace $0xD0000000  }
0x3: {  	_ = 	snop  }
0x4: {  	_ = 	snop  }
0x5: {  	_ = 	snop  }
0x6: {  	_ = 	snop  }
0x7: {  	_ = 	snop  }
__scs_overlays_trampoline_lowered:
0x8: {  	[smem:$0x3FA2] =	sst s0  }
0x9: {  	[smem:$0x3FA3] =	sst s1  }
0xa: {  	[smem:$0x3FA4] =	sst s2  }
0xb: {  	[smem:$0x3FA5] =	sst s3  }
0xc: {  	[smem:$0x3FA6] =	sst s4  }
0xd: {  	[smem:$0x3FA7] =	sst s5  }
0xe: {  	[smem:$0x3FA8] =	sst s6  }
0xf: {  	[smem:$0x3FA9] =	sst s7  }
0x10: {  	[smem:$0x3FAA] =	sst s8  }
0x11: {  	[smem:$0x3FAB] =	sst s9;
	s0 =	simm.s32 @!p0 $0x0  }
0x12: {  	s1 =	sld [smem:$0x3F91];
	s0 =	simm.s32 @p0 $0x1  }
0x13: {  	[smem:$0x3FAC] =	sst s0;
	s0 =	simm.s32 @!p1 $0x0  }
0x14: {  	s2 =	sld [smem:$0x3F90];
	s0 =	simm.s32 @p1 $0x1  }
0x15: {  	[smem:$0x3FAD] =	sst s0;
	s0 =	simm.s32 @!p2 $0x0  }
0x16: {  	s3 =	sld [smem:$0x3FDB];
	s0 =	simm.s32 @p2 $0x1  }
0x17: {  	s4 =	simm.s32 $0x1BF5;
	[smem:$0x3FAF] =	sst s0  }
0x18: {  	s0 =	sld [smem:$0x3F92];
	_ =	swait.ge [sflag:s4], $0x0  }
0x19: {  	s7 =	sld [smem:$0x3F93]  }
0x1a: {  	s8 =	sadd.s32 $0xFFFFE003, lr  }
0x1b: {  	s9 =	sadd.s32 $0xFFFFFEF7, lr;
	s5 =	simm.s32 $0xFFFFFFFF;
	p2 =	slt.u32 s8, $0xFFFFF086  }
0x1c: {  	p1 =	slt.u32 s9, $0xF7A;
	s5 =	simm.s32 @!p2 $0x0  }
0x1d: {  	s5 =	simm.s32 @p1 $0x1;
	p0 =	seq.s32 s7, s2  }
0x1e: {  	s7 =	smul.u32 @!p0 $0xF7A, s2;
	p2 =	seq.s32 @!p0 s5, $0x0  }
0x1f: {  	s9 =	smul.u32 $0xF7A, s1;
	s8 =	simm.s32 @!p0 $0x1BF5;
	p2 =	por !p2, p0  }
0x20: {  	[sflag:s8] =	ssyncset.s32 @!p0 $0xFFFFF086;
	s6 =	sadd.s32 @!p0 s3, s7;
	s7 =	simm.s32 @!p0 $0x108  }
0x21: {  	s3 =	sadd.s32 s3, s9;
	s6 =	sadd.s32 @!p0 $0x88, s6;
	s7 =	simm.s32 @p2 $0x1082  }
0x22: {  	[simem:s7], [sflag:s8] =	dma.local @!p0 [hbm:s6], $0xF7A  }
0x23: {  	s9 =	sor.u32 $0xD0000000, s2;
	s6 =	simm.s32 $0x108;
	_ =	swait.ge @!p0 [sflag:s8], $0x0  }
0x24: {  	s3 =	sadd.s32 $0x88, s3;
	s6 =	simm.s32 @!p1 $0x1082;
	[sflag:s4] =	ssyncset.s32 $0xFFFFF086  }
0x25: {  	[simem:s6], [sflag:s4] =	dma.local [hbm:s3], $0xF7A  }
0x26: {  	[smem:$0x3F93] =	sst s1;
	(tag) =	ssettag s2;
	_ =	strace s9  }
0x27: {  	s1 =	sld [smem:$0x3FA3]  }
0x28: {  	s2 =	sld [smem:$0x3FA4]  }
0x29: {  	s4 =	sld [smem:$0x3FA6]  }
0x2a: {  	p0 =	seq.s32 s5, $0x0;
	s5 =	sld [smem:$0x3FA7]  }
0x2b: {  	s6 =	sld [smem:$0x3FA8]  }
0x2c: {  	s7 =	sld [smem:$0x3FA9]  }
0x2d: {  	s3 =	simm.s32 $0x108;
	s8 =	sld [smem:$0x3FAA]  }
0x2e: {  	s3 =	simm.s32 @!p0 $0x1082;
	s9 =	sld [smem:$0x3FAB]  }
0x2f: {  	lr =	sadd.s32 s0, s3;
	s0 =	sld [smem:$0x3FA2]  }
0x30: {  	s3 =	sld [smem:$0x3FA5]  }
0x31: {  	[smem:$0x3FAE] =	sst s10  }
0x32: {  	s10 =	sld [smem:$0x3FAC];
	_ =	sdelay $0x3  }
0x33: {  	p0 =	seq.s32 s10, $0x1;
	s10 =	sld [smem:$0x3FAE];
	_ =	sdelay $0x3  }
0x34: {  	[smem:$0x3FAE] =	sst s10  }
0x35: {  	s10 =	sld [smem:$0x3FAD];
	_ =	sdelay $0x3  }
0x36: {  	p1 =	seq.s32 s10, $0x1;
	s10 =	sld [smem:$0x3FAE];
	_ =	sdelay $0x3  }
0x37: {  	[smem:$0x3FAE] =	sst s10  }
0x38: {  	s10 =	sld [smem:$0x3FAF]  }
0x39: {  	_ = 	snop;
	(pc) =	sbr.ind lr, $3  }
0x3a: {  	_ = 	snop  }
0x3b: {  	_ = 	snop  }
0x3c: {  	p2 =	seq.s32 s10, $0x1;
	s10 =	sld [smem:$0x3FAE]  }
0x3d: {  	_ =	shalt  }
0x3e: {  	_ =	shalt  }
0x3f: {  	_ =	shalt  }
0x40: {  	_ =	shalt  }
0x41: {  	_ =	shalt  }
0x42: {  	_ =	shalt  }
0x43: {  	_ =	shalt  }
0x44: {  	_ =	shalt  }
0x45: {  	_ =	shalt  }
0x46: {  	_ =	shalt  }
0x47: {  	_ =	shalt  }
0x48: {  	_ =	shalt  }
0x49: {  	_ =	shalt  }
0x4a: {  	_ =	shalt  }
0x4b: {  	_ =	shalt  }
0x4c: {  	_ =	shalt  }
0x4d: {  	_ =	shalt  }
0x4e: {  	_ =	shalt  }
0x4f: {  	_ =	shalt  }
0x50: {  	_ =	shalt  }
0x51: {  	_ =	shalt  }
0x52: {  	_ =	shalt  }
0x53: {  	_ =	shalt  }
0x54: {  	_ =	shalt  }
0x55: {  	_ =	shalt  }
0x56: {  	_ =	shalt  }
0x57: {  	_ =	shalt  }
0x58: {  	_ =	shalt  }
0x59: {  	_ =	shalt  }
0x5a: {  	_ =	shalt  }
0x5b: {  	_ =	shalt  }
0x5c: {  	_ =	shalt  }
0x5d: {  	_ =	shalt  }
0x5e: {  	_ =	shalt  }
0x5f: {  	_ =	shalt  }
0x60: {  	_ =	shalt  }
0x61: {  	_ =	shalt  }
0x62: {  	_ =	shalt  }
0x63: {  	_ =	shalt  }
0x64: {  	_ =	shalt  }
0x65: {  	_ =	shalt  }
0x66: {  	_ =	shalt  }
0x67: {  	_ =	shalt  }
0x68: {  	_ =	shalt  }
0x69: {  	_ =	shalt  }
0x6a: {  	_ =	shalt  }
0x6b: {  	_ =	shalt  }
0x6c: {  	_ =	shalt  }
0x6d: {  	_ =	shalt  }
0x6e: {  	_ =	shalt  }
0x6f: {  	_ =	shalt  }
0x70: {  	_ =	shalt  }
0x71: {  	_ =	shalt  }
0x72: {  	_ =	shalt  }
0x73: {  	_ =	shalt  }
0x74: {  	_ =	shalt  }
0x75: {  	_ =	shalt  }
0x76: {  	_ =	shalt  }
0x77: {  	_ =	shalt  }
0x78: {  	_ =	shalt  }
0x79: {  	_ =	shalt  }
0x7a: {  	_ =	shalt  }
0x7b: {  	_ =	shalt  }
0x7c: {  	_ =	shalt  }
0x7d: {  	_ =	shalt  }
0x7e: {  	_ =	shalt  }
0x7f: {  	_ =	shalt  }
0x80: {  	_ =	shalt  }
0x81: {  	_ =	shalt  }
0x82: {  	_ =	shalt  }
0x83: {  	_ =	shalt  }
0x84: {  	_ =	shalt  }
0x85: {  	_ =	shalt  }
0x86: {  	_ =	shalt  }
0x87: {  	_ =	shalt  }
.Lfunc_end0:
.L_simem_size_0:
called_computation.1_lowered:
.L_overlay_start_0:
0x88: {  	s2 =	sld [smem:$0x3FD9]  }
0x89: {  	s3 =	sld [smem:$0x3FFE];
	_ =	sdelay $0x1  }
0x8a: {  	s1 =	srdreg.scid  }
0x8b: {  	s0 =	sand.u32 $0x1, s1  }
0x8c: {  	s17 =	sshll.u32 s0, $0xA;
	s2 =	sadd.s32 s3, s2  }
0x8d: {  	s2 =	sadd.s32 s2, s17  }
0x8e: {  	[smem:$0x3FBA] =	sst s2  }
0x8f: {  	_ = 	snop  }
0x90: {  	s2 =	sld [smem:$0x3FBE];
	(tm) =	ssettm $0x1  }
0x91: {  	s18 =	sld [smem:$0x3FFB];
	_ =	sdelay $0x3  }
0x92: {  	_ =	strace s18  }
0x93: {  	s3 =	sld [smem:$0x3FFC];
	_ =	sdelay $0x3  }
0x94: {  	_ =	strace s3  }
0x95: {  	s3 =	sld [smem:$0x3FFD];
	_ =	sdelay $0x3  }
0x96: {  	_ =	strace s3  }
0x97: {  	_ =	strace $0x8FFFFFFF  }
0x98: {  	s19 =	sld [smem:$0x3FDB];
	_ =	sdelay $0x1  }
0x99: {  	s4 =	simm.s32 $_scs_section_size  }
0x9a: {  	s5 =	simm.s32 $_size__tile_overlayer_lowered;
	s6 =	simm.s32 $_tile_overlayer_lowered  }
0x9b: {  	s22 =	simm.s32 $0x1BFF;
	s21 =	sshll.u32 s6, $0x1;
	s3 =	sadd.s32 s4, s19  }
0x9c: {  	s7 =	simm.s32 $0x0;
	s20 =	sshll.u32 s5, $0x1;
	s5 =	sadd.s32 s21, s3  }
0x9d: {  	[timem:s7], [sflag:s22] =	dma.local [hbm:s5], s20  }
0x9e: {  	_ =	swait.ge [sflag:s22], s20  }
0x9f: {  	s4 =	ssub.s32 $0x0, s20;
	[sflag:s22] =	ssyncset.done $0x0  }
0xa0: {  	[sflag:s22] =	ssyncadd.s32 s4;
	_ =	sdelay $0x1  }
0xa1: {  	s23 =	simm.s32 $0x1B8B  }
0xa2: {  	_ =	swait.ge [sflag:s23], $0x1  }
0xa3: {  	[sflag:s23] =	ssyncset.done $0x0  }
0xa4: {  	s25 =	simm.s32 $0x1B8E;
	s24 =	sld [smem:$0x3FFE];
	[sflag:s23] =	ssyncadd.s32 $0xFFFFFFFF  }
0xa5: {  	s26 =	simm.s32 $execute0_lowered;
	[smem:$0x3FD2] =	sst s25  }
0xa6: {  	s5 =	sshll.u32 s26, $0x1;
	_ =	strace $0x80000049;
	[dreg:$0x1] =	wrdreg $0xFFFFFFFF  }
0xa7: {  	s28 =	simm.s32 $_size_execute0_lowered;
	s3 =	sadd.s32 s3, s5;
	[dreg:$0x0] =	wrdreg $0x0  }
0xa8: {  	s5 =	sshll.u32 s28, $0x1;
	[dreg:$0x2] =	wrdreg s3  }
0xa9: {  	[dreg:$0x3] =	wrdreg s5  }
0xaa: {  	[dreg:$0x4] =	wrdreg $0xC0  }
0xab: {  	_ =	task [dreg:s7], $0x5FFFF  }
0xac: {  	[dreg:$0x1] =	wrdreg $0xFFFFFFFF  }
0xad: {  	[dreg:$0x0] =	wrdreg $0x60  }
0xae: {  	[dreg:$0x2] =	wrdreg s2  }
0xaf: {  	[dreg:$0x3] =	wrdreg s24  }
0xb0: {  	[dreg:$0x4] =	wrdreg $0xAC000  }
0xb1: {  	[dreg:$0x5] =	wrdreg $0x9  }
0xb2: {  	_ =	task.clear_ibuf [dreg:s7], $0x6FFFF;
	_ =	strace $0x90000049  }
0xb3: {  	s29 =	simm.s32 $0x9;
	_ =	strace $0x8000004B  }
0xb4: {  	_ =	swait.ge [sflag:s29], $0x1  }
0xb5: {  	[sflag:s29] =	ssyncadd.s32 $0xFFFFFFFF  }
0xb6: {  	_ =	strace $0x9000004B  }
0xb7: {  	_ =	sfence  }
0xb8: {  	s30 =	sld [smem:$0x0];
	_ =	sdelay $0x2  }
0xb9: {  	s31 =	sshll.u32 s1, $0xD;
	s1 =	sshrl.u32 s1, $0x2  }
0xba: {  	s3 =	sand.u32 $0x4000, s31;
	s1 =	sadd.s32 s1, s30  }
0xbb: {  	s0 =	sor.u32 s3, s0;
	s1 =	sshll.u32 s1, $0x11  }
0xbc: {  	s0 =	sor.u32 s1, s0  }
0xbd: {  	s0 =	sadd.s32 $0x8F2B, s0  }
0xbe: {  	[sflag:s0] =	ssyncadd.remote.s32 $0x1  }
0xbf: {  	_ =	sfence.sel $0xFFFF  }
0xc0: {  	[dreg:$0x0] =	wrdreg $0xFFFFFFFF;
	(pc) =	sbr.abs _section_cstart, $3  }
0xc1: {  	[dreg:$0x1] =	wrdreg $0xFFFFFFFF  }
0xc2: {  	_ =	task.clear_ibuf [dreg:s7], $0x2FFFF;
	_ =	strace $0x9FFFFFFF  }
0xc3: {  	(tm) =	ssettm $0x7FFFFFFF  }
tec
execute0_lowered:
.L_overlay_start_1:
0x0: {  	(tag) =	ssettag $0x1  }
0x1: {  	s1 =	rddreg [dreg:$0x0]  }
0x2: {  	s0 =	rddreg [dreg:$0x1]  }
0x3: {  	s2 =	rddreg [dreg:$0x2];
	s4 =	simm.s32 $0x0;
	s3 =	srdreg.scid  }
0x4: {  	s12 =	stileid.u32;
	s28 =	simm.s32 $0x2000;
	s29 =	simm.s32 $0x1500  }
0x5: {  	s30 =	simm.s32 $0x1;
	s31 =	simm.s32 $0x0;
	s8 =	smul.u32 $0x54C00, s12  }
0x6: {  	[smem:$0x7FF] =	sst s4;
	s3 =	sand.u32 $0x1, s3;
	s9 =	smul.u32 $0xA800, s12  }
0x7: {  	s5 =	sadd.s32 $0x225E00, s0;
	s6 =	sadd.s32 $0x3E00, s0;
	s18 =	smul.u32 $0x2A00, s12  }
0x8: {  	s0 =	sadd.s32 $0x4600, s0;
	s15 =	sshll.u32 s12, $0x6;
	s20 =	smul.u32 $0x2A0, s12  }
0x9: {  	s12 =	smul.u32 $0x54000, s12;
	_ =	strace $0x8000004A;
	s13 =	ssub.s32 $0x2, s3  }
0xa: {  	s3 =	smul.u32 $0x5400, s3;
	s7 =	sshrl.u32 s13, $0x1;
	s14 =	sshrl.u32 s8, $0x2  }
0xb: {  	s22 =	sshrl.u32 s12, $0x2;
	s4 =	ssub.s32 s13, s7;
	s10 =	sadd.s32 s14, s2  }
0xc: {  	s7 =	sor.u32 $0x1C05, s15;
	s14 =	sadd.s32 s1, s18;
	s21 =	sadd.s32 $0x2A00, s3  }
0xd: {  	s23 =	sadd.s32 s20, s3;
	s16 =	sadd.s32 $0x3880, s10;
	[dreg:$0x9] =	wrdreg s14  }
0xe: {  	v0 =	vmov s3;
	s3 =	sadd.s32 $0x5400, s3;
	s17 =	sadd.s32 $0x7100, s10;
	[dreg:$0x4] =	wrdreg s16  }
0xf: {  	s11 =	sadd.s32 $0xA980, s10;
	s19 =	sadd.s32 $0xE200, s10;
	[dreg:$0x5] =	wrdreg s17  }
0x10: {  	s13 =	sadd.s32 $0x11A80, s10;
	s12 =	sshll.u32 s23, $0x4;
	[dreg:$0x6] =	wrdreg s11  }
0x11: {  	s8 =	sadd.s32 s20, s21;
	s26 =	smax.u32 s4, $0x1;
	[dreg:$0x7] =	wrdreg s19  }
0x12: {  	v2 =	vlaneseq.u32;
	v1 =	vmov s21;
	s21 =	sshrl.u32 s10, $0x3;
	s23 =	simm.s32 $0x80;
	[dreg:$0x8] =	wrdreg s13  }
.Ltmp0:
0x13: {  	v4 =	vimm.s32 $0x0;
	v5 =	vor.u32 $0x2A00, v2;
	v6 =	vor.u32 $0x10, v2;
	s13 =	sadd.s32 $0x10, s1;
	s16 =	sadd.s32 $0xA80, s9;
	(pc) =	sbr.rel .LBB2_1-.Ltmp0, $4  }
0x14: {  	v7 =	vor.u32 $0x2A10, v2;
	v8 =	vor.u32 $0x20, v2;
	v9 =	vor.u32 $0x2A20, v2;
	s9 =	sadd.s32 s22, s2;
	s24 =	sadd.s32 s0, s12;
	[dreg:$0xd] =	wrdreg s26  }
0x15: {  	v10 =	vor.u32 $0x30, v2;
	v11 =	vor.u32 $0x2A30, v2;
	v12 =	vor.u32 $0x40, v2;
	s25 =	sshll.u32 s8, $0x4;
	s22 =	simm.s32 $0x5;
	[dreg:$0xa] =	wrdreg s9  }
0x16: {  	v13 =	vor.u32 $0x2A40, v2;
	v14 =	vor.u32 $0x50, v2;
	v15 =	vor.u32 $0x2A50, v2;
	s26 =	simm.s32 $0x2;
	[dreg:$0xb] =	wrdreg s24;
	s0 =	sadd.s32 s0, s25  }
0x17: {  	v16 =	vor.u32 $0x60, v2;
	v17 =	vor.u32 $0x70, v2;
	v3 =	vmov s3;
	s15 =	sadd.s32 s18, s13;
	s24 =	simm.s32 $0x100;
	[dreg:$0xc] =	wrdreg s0  }
.LBB2_25:
0x18: {  	[bflag:$0x0] =	sbarrier.arrive $0xFFFF  }
0x19: {  	s0 =	rddreg [dreg:$0xc]  }
0x1a: {  	[hbm:s0], [sflag:s7] =	dma.local [spmem:s10], $0x2A00  }
0x1b: {  	_ =	swait.ge [sflag:s22], $0x2A00  }
0x1c: {  	s31 =	sadd.s32 $0x1, s31;
	s25 =	rddreg [dreg:$0xd]  }
0x1d: {  	p0 =	sne.s32 s31, s25  }
.Ltmp1:
0x1e: {  	_ = 	snop;
	(pc) =	sbr.rel @!p0 .LBB2_26-.Ltmp1, $3  }
0x1f: {  	[sflag:s22] =	ssyncset.done $0x0  }
0x20: {  	[sflag:s22] =	ssyncadd.s32 $0xFFFFD600  }
0x21: {  	[bflag:$0x0] =	sbarrier.arrive $0xFFFF;
	_ =	sdelay $0x1  }
.LBB2_1:
0x22: {  	[spmem:s21], [sflag:s7] =	dma.local [hbm:s6], $0x710  }
0x23: {  	_ =	swait.ge [sflag:s22], $0x710  }
0x24: {  	[sflag:s22] =	ssyncset.done $0x0;
	s0 =	rddreg [dreg:$0x4]  }
0x25: {  	[sflag:s22] =	ssyncadd.s32 $0xFFFFF8F0;
	s0 =	sshrl.u32 s0, $0x3  }
0x26: {  	[spmem:s0], [sflag:s7] =	dma.local [hbm:s6], $0x710  }
0x27: {  	_ =	swait.ge [sflag:s22], $0x710  }
0x28: {  	[sflag:s22] =	ssyncset.done $0x0;
	s3 =	rddreg [dreg:$0x5]  }
0x29: {  	[sflag:s22] =	ssyncadd.s32 $0xFFFFF8F0;
	s4 =	sshrl.u32 s3, $0x3  }
0x2a: {  	[spmem:s4], [sflag:s7] =	dma.local [hbm:s6], $0x710  }
0x2b: {  	_ =	swait.ge [sflag:s22], $0x710  }
0x2c: {  	[sflag:s22] =	ssyncset.done $0x0;
	s20 =	rddreg [dreg:$0x6]  }
0x2d: {  	[sflag:s22] =	ssyncadd.s32 $0xFFFFF8F0;
	s3 =	sshrl.u32 s20, $0x3  }
0x2e: {  	[spmem:s3], [sflag:s7] =	dma.local [hbm:s6], $0x710  }
0x2f: {  	_ =	swait.ge [sflag:s22], $0x710  }
0x30: {  	[sflag:s22] =	ssyncset.done $0x0;
	s8 =	rddreg [dreg:$0x7]  }
0x31: {  	[sflag:s22] =	ssyncadd.s32 $0xFFFFF8F0;
	s8 =	sshrl.u32 s8, $0x3  }
0x32: {  	[spmem:s8], [sflag:s7] =	dma.local [hbm:s6], $0x710  }
0x33: {  	_ =	swait.ge [sflag:s22], $0x710  }
0x34: {  	[sflag:s22] =	ssyncset.done $0x0;
	s9 =	rddreg [dreg:$0x8]  }
0x35: {  	[sflag:s22] =	ssyncadd.s32 $0xFFFFF8F0;
	s9 =	sshrl.u32 s9, $0x3  }
0x36: {  	[spmem:s9], [sflag:s7] =	dma.local [hbm:s6], $0x710  }
0x37: {  	_ =	swait.ge [sflag:s22], $0x710  }
0x38: {  	[sflag:s22] =	ssyncset.done $0x0  }
0x39: {  	s10 =	simm.s32 $0x0;
	s11 =	rddreg [dreg:$0x9];
	[sflag:s22] =	ssyncadd.s32 $0xFFFFF8F0  }
0x3a: {  	[tilespmem:s10], [sflag:$0x2] =	stream.strided.gather [hbm4b:s11+s23], $0xA80, s24, s23, $0x38;
	[tilespmem:$0x1FF00] =	vst v63  }
.Ltmp2:
0x3b: {  	_ = 	snop;
	(pc) =	sbr.rel .LBB2_2-.Ltmp2, $4  }
0x3c: {  	s25 =	simm.s32 $0xA80  }
0x3d: {  	[tilespmem:s25], [sflag:$0x2] =	stream.strided.gather [hbm4b:s15+s23], $0xA80, s24, s23, $0x38;
	[tilespmem:$0x1FF00] =	vst v63  }
0x3e: {  	[bflag:$0x0] =	sbarrier.arrive $0xFFFF  }
0x3f: {  	s10 =	simm.s32 $0x0  }
.LBB2_12:
0x40: {  	s10 =	sadd.s32 $0x1, s10  }
0x41: {  	p0 =	sne.s32 s10, $0x10  }
.Ltmp3:
0x42: {  	_ = 	snop;
	(pc) =	sbr.rel @!p0 .LBB2_13-.Ltmp3, $1  }
0x43: {  	_ =	sdelay $0x3  }
.LBB2_2:
0x44: {  	_ =	swait.ge [sflag:s26], $0xA80  }
0x45: {  	[sflag:s26] =	ssyncset.done $0x0  }
0x46: {  	[sflag:s26] =	ssyncadd.s32 $0xFFFFF580  }
0x47: {  	_ =	swait.ge [sflag:s26], $0xA80  }
0x48: {  	[sflag:s26] =	ssyncset.done $0x0  }
0x49: {  	s11 =	simm.s32 $0x0;
	[sflag:s26] =	ssyncadd.s32 $0xFFFFF580  }
0x4a: {  	v19 =	vld [tilespmem:s11+$0xA80];
	_ =	sdelay $0x1  }
0x4b: {  	v20 =	vld [tilespmem:s11+$0xA90];
	_ =	sdelay $0x1  }
0x4c: {  	v21 =	vld [tilespmem:s11+$0xAA0]  }
0x4d: {  	vm0 =	vge.s32 v19, v0;
	vm1 =	vlt.s32 v19, v1  }
0x4e: {  	v22 =	vld [tilespmem:s11+$0xAB0];
	vm6 =	vmand vm0, vm1  }
0x4f: {  	vm0 =	vge.s32 v20, v0;
	vm1 =	vlt.s32 v20, v1;
	v18 =	vsel vm6, $0x1, v4  }
0x50: {  	v23 =	vld [tilespmem:s11+$0xAC0];
	vm4 =	vmand vm0, vm1;
	(xrf0) =	vadd.scan.msk.s32 $0xffff, v18  }
0x51: {  	v24 =	vld [tilespmem:s11+$0xAD0];
	vm0 =	vge.s32 v21, v0;
	vm1 =	vlt.s32 v21, v1;
	v18 =	vsel vm4, $0x1, v4  }
0x52: {  	vm1 =	vmand vm0, vm1;
	(xrf0) =	vadd.scan.msk.s32 $0xffff, v18  }
0x53: {  	v26 =	vld [tilespmem:s11+$0xAE0];
	vm2 =	vlt.s32 v22, v1;
	vm0 =	vge.s32 v22, v0;
	v25 =	vsel vm1, $0x1, v4  }
0x54: {  	vm2 =	vmand vm0, vm2;
	(xrf0) =	vadd.scan.msk.s32 $0xffff, v25  }
0x55: {  	vm3 =	vlt.s32 v23, v1;
	vm0 =	vge.s32 v23, v0;
	v18 =	vsel vm2, $0x1, v4  }
0x56: {  	vm5 =	vlt.s32 v24, v1;
	vm3 =	vmand vm0, vm3;
	v27, _, _ =	vpop (xrf0);
	(xrf0) =	vadd.scan.msk.s32 $0xffff, v18  }
0x57: {  	vm0 =	vge.s32 v24, v0;
	v43 =	vsel vm3, $0x1, v4;
	(v2sf) =	vpush v27, $0xF  }
0x58: {  	vm7 =	vlt.s32 v26, v1;
	vm5 =	vmand vm0, vm5;
	(xrf0) =	vadd.scan.msk.s32 $0xffff, v43;
	v44, _, _ =	vpop (xrf0)  }
0x59: {  	vm0 =	vge.s32 v26, v0;
	v18 =	vsel vm5, $0x1, v4;
	(v2sf) =	vpush v44, $0xF  }
0x5a: {  	vm7 =	vmand vm0, vm7;
	v28, _, _ =	vpop (xrf0);
	(xrf0) =	vadd.scan.msk.s32 $0xffff, v18  }
0x5b: {  	v18 =	vsel vm7, $0x1, v4;
	(v2sf) =	vpush v28, $0xF  }
0x5c: {  	(xrf0) =	vadd.scan.msk.s32 $0xffff, v18;
	v29, _, _ =	vpop (xrf0)  }
0x5d: {  	(v2sf) =	vpush v29, $0xF  }
0x5e: {  	v31 =	vld [tilespmem:s11+$0xAF0];
	v30, _, _ =	vpop (xrf0)  }
0x5f: {  	(v2sf) =	vpush v30, $0xF  }
0x60: {  	v32, _, _ =	vpop (xrf0)  }
0x61: {  	(v2sf) =	vpush v32, $0xF  }
0x62: {  	v33, _, _ =	vpop (xrf0)  }
0x63: {  	vm8 =	vlt.s32 v31, v1;
	vm0 =	vge.s32 v31, v0;
	(v2sf) =	vpush v33, $0xF  }
0x64: {  	vm0 =	vmand vm0, vm8  }
0x65: {  	s12 =	simm.s32 $0x0;
	v34 =	vsel vm0, $0x1, v4  }
0x66: {  	v18 =	vmov s12;
	(xrf0) =	vadd.scan.msk.s32 $0xffff, v34;
	s20 =	spop (v2sf)  }
0x67: {  	v35 =	vadd.s32 $0xFFFFFFFF, v18;
	s12 =	sadd.s32 $0x0, s20  }
0x68: {  	v46 =	vld [tilespmem:s11+$0x60];
	v45 =	vbroadcast v35, $0x0;
	s17 =	spop (v2sf);
	v36 =	vmov s12  }
0x69: {  	v37 =	vld [tilespmem:s11+$0x50];
	s12 =	sadd.s32 s12, s17;
	v36 =	vadd.s32 $0xFFFFFFFF, v36  }
0x6a: {  	v47 =	vld [tilespmem:s11+$0x40];
	v27 =	vadd.s32 v27, v45;
	s25 =	spop (v2sf);
	v38 =	vmov s12;
	v36 =	vbroadcast v36, $0x0  }
0x6b: {  	v39 =	vld [tilespmem:s11+$0x0];
	s12 =	sadd.s32 s12, s25;
	v38 =	vadd.s32 $0xFFFFFFFF, v38  }
0x6c: {  	v41 =	vld [tilespmem:s11+$0x30];
	v42, _, _ =	vpop (xrf0);
	v40 =	vmov s12;
	v48 =	vbroadcast v38, $0x0;
	v25 =	vadd.s32 v44, v36;
	s14 =	spop (v2sf)  }
0x6d: {  	v50 =	vld [tilespmem:s11+$0x10];
	v19 =	vsub.s32 v19, v0;
	(v2sf) =	vpush v42, $0xF;
	v49 =	vadd.s32 $0xFFFFFFFF, v40;
	s12 =	sadd.s32 s12, s14  }
0x6e: {  	v43 =	vld [tilespmem:s11+$0x20];
	v38 =	vbroadcast v49, $0x0;
	s18 =	spop (v2sf);
	v28 =	vadd.s32 v28, v48;
	v51 =	vmov s12  }
0x6f: {  	v18 =	vld [tilespmem:s11+$0x70];
	[tilespmem:v27+s28+$0x0] =	vst.idx.msk vm6, v19;
	v19 =	vsub.s32 v20, v0;
	s19 =	sadd.s32 s12, s18;
	v20 =	vadd.s32 $0xFFFFFFFF, v51  }
0x70: {  	[tilespmem:v27+s29+$0x0] =	vst.idx.msk vm6, v39;
	v53 =	vadd.s32 v29, v38;
	s20 =	spop (v2sf);
	v52 =	vmov s19;
	v20 =	vbroadcast v20, $0x0  }
0x71: {  	v21 =	vsub.s32 v21, v0;
	s11 =	sadd.s32 s19, s20;
	v54 =	vadd.s32 $0xFFFFFFFF, v52;
	[tilespmem:v25+s28+$0x0] =	vst.idx.msk vm4, v19  }
0x72: {  	s25 =	spop (v2sf);
	v55 =	vmov s11;
	v19 =	vbroadcast v54, $0x0;
	[tilespmem:v25+s29+$0x0] =	vst.idx.msk vm4, v50;
	v20 =	vadd.s32 v30, v20  }
0x73: {  	v56 =	vsub.s32 v22, v0;
	s17 =	sadd.s32 s11, s25;
	v57 =	vadd.s32 $0xFFFFFFFF, v55;
	[tilespmem:v28+s28+$0x0] =	vst.idx.msk vm1, v21  }
0x74: {  	v58 =	vmov s17;
	v59 =	vadd.s32 v32, v19;
	v19 =	vbroadcast v57, $0x0;
	[tilespmem:v28+s29+$0x0] =	vst.idx.msk vm1, v43  }
0x75: {  	v60 =	vadd.s32 $0xFFFFFFFF, v58;
	[tilespmem:v53+s28+$0x0] =	vst.idx.msk vm2, v56  }
0x76: {  	v62 =	vsub.s32 v23, v0;
	v61 =	vbroadcast v60, $0x0;
	v63 =	vadd.s32 v33, v19;
	[tilespmem:v53+s29+$0x0] =	vst.idx.msk vm2, v41  }
0x77: {  	[tilespmem:v20+s28+$0x0] =	vst.idx.msk vm3, v62  }
0x78: {  	v19 =	vadd.s32 v42, v61;
	[tilespmem:v20+s29+$0x0] =	vst.idx.msk vm3, v47;
	v20 =	vsub.s32 v24, v0  }
0x79: {  	[tilespmem:v59+s28+$0x0] =	vst.idx.msk vm5, v20  }
0x7a: {  	v20 =	vsub.s32 v26, v0;
	[tilespmem:v59+s29+$0x0] =	vst.idx.msk vm5, v37  }
0x7b: {  	[tilespmem:v63+s28+$0x0] =	vst.idx.msk vm7, v20  }
0x7c: {  	v20 =	vsub.s32 v31, v0;
	[tilespmem:v63+s29+$0x0] =	vst.idx.msk vm7, v46  }
0x7d: {  	s19 =	simm.s32 $0x400;
	s11 =	simm.s32 $0x200;
	s18 =	spop (v2sf);
	[tilespmem:v19+s28+$0x0] =	vst.idx.msk vm0, v20  }
.LBB2_3:
0x7e: {  	s25 =	sshra.s32 s11, $0x2  }
0x7f: {  	[tilespmem:v19+s29+$0x0] =	vst.idx.msk vm0, v18;
	s17 =	sadd.s32 s17, s18;
	s11 =	smov.u32 s19;
	s12 =	sadd.s32 $0x200, s19  }
0x80: {  	p0 =	sne.s32 s19, $0x2800;
	v26 =	vld [tilespmem:s25+$0xA80];
	v18 =	vmov s17  }
0x81: {  	v25 =	vld [tilespmem:s25+$0xA90];
	v18 =	vadd.s32 $0xFFFFFFFF, v18;
	_ =	sdelay $0x1  }
0x82: {  	v24 =	vld [tilespmem:s25+$0xAA0]  }
0x83: {  	v21 =	vld [tilespmem:s25+$0xAB0]  }
0x84: {  	vm0 =	vge.s32 v26, v0;
	vm1 =	vlt.s32 v26, v1  }
0x85: {  	vm5 =	vmand vm0, vm1;
	vm0 =	vge.s32 v25, v0;
	vm1 =	vlt.s32 v25, v1  }
0x86: {  	v22 =	vsel vm5, $0x1, v4;
	v20 =	vld [tilespmem:s25+$0xAC0]  }
0x87: {  	vm4 =	vmand vm0, vm1;
	vm0 =	vge.s32 v24, v0;
	vm1 =	vlt.s32 v24, v1;
	v19 =	vld [tilespmem:s25+$0xAD0];
	(xrf0) =	vadd.scan.msk.s32 $0xffff, v22  }
0x88: {  	v22 =	vsel vm4, $0x1, v4;
	vm1 =	vmand vm0, vm1;
	vm0 =	vge.s32 v21, v0  }
0x89: {  	vm2 =	vlt.s32 v21, v1;
	v23 =	vsel vm1, $0x1, v4;
	(xrf0) =	vadd.scan.msk.s32 $0xffff, v22  }
0x8a: {  	v18 =	vbroadcast v18, $0x0;
	v22 =	vld [tilespmem:s25+$0xAE0];
	(xrf0) =	vadd.scan.msk.s32 $0xffff, v23  }
0x8b: {  	vm2 =	vmand vm0, vm2;
	vm0 =	vge.s32 v20, v0;
	vm3 =	vlt.s32 v20, v1;
	v23 =	vld [tilespmem:s25+$0xAF0]  }
0x8c: {  	v27 =	vsel vm2, $0x1, v4;
	vm3 =	vmand vm0, vm3;
	vm0 =	vge.s32 v19, v0  }
0x8d: {  	vm6 =	vlt.s32 v19, v1;
	v30 =	vsel vm3, $0x1, v4;
	v29, _, _ =	vpop (xrf0);
	(xrf0) =	vadd.scan.msk.s32 $0xffff, v27  }
0x8e: {  	v27 =	vadd.s32 v29, v18;
	(xrf0) =	vadd.scan.msk.s32 $0xffff, v30;
	(v2sf) =	vpush v29, $0xF  }
0x8f: {  	vm6 =	vmand vm0, vm6;
	vm0 =	vge.s32 v22, v0;
	vm7 =	vlt.s32 v22, v1;
	v28, _, _ =	vpop (xrf0)  }
0x90: {  	v18 =	vsel vm6, $0x1, v4;
	vm7 =	vmand vm0, vm7;
	v29, _, _ =	vpop (xrf0);
	(v2sf) =	vpush v28, $0xF  }
0x91: {  	vm0 =	vge.s32 v23, v0;
	v31 =	vsel vm7, $0x1, v4;
	(xrf0) =	vadd.scan.msk.s32 $0xffff, v18;
	(v2sf) =	vpush v29, $0xF  }
0x92: {  	(xrf0) =	vadd.scan.msk.s32 $0xffff, v31  }
0x93: {  	v30, _, _ =	vpop (xrf0)  }
0x94: {  	v31, _, _ =	vpop (xrf0);
	(v2sf) =	vpush v30, $0xF  }
0x95: {  	(v2sf) =	vpush v31, $0xF;
	_ =	sdelay $0x1  }
0x96: {  	v32, _, _ =	vpop (xrf0)  }
0x97: {  	v33, _, _ =	vpop (xrf0);
	(v2sf) =	vpush v32, $0xF  }
0x98: {  	(v2sf) =	vpush v33, $0xF;
	_ =	sdelay $0x1  }
0x99: {  	vm8 =	vlt.s32 v23, v1  }
0x9a: {  	vm0 =	vmand vm0, vm8  }
0x9b: {  	v34 =	vsel vm0, $0x1, v4;
	s18 =	spop (v2sf)  }
0x9c: {  	v18 =	vld [tilespmem:s25+$0x70];
	s17 =	sadd.s32 s17, s18;
	(xrf0) =	vadd.scan.msk.s32 $0xffff, v34  }
0x9d: {  	v34 =	vld [tilespmem:s25+$0x60];
	v35 =	vmov s17;
	s18 =	spop (v2sf)  }
0x9e: {  	v36 =	vld [tilespmem:s25+$0x50];
	v35 =	vadd.s32 $0xFFFFFFFF, v35;
	s17 =	sadd.s32 s17, s18;
	s18 =	spop (v2sf)  }
0x9f: {  	v37 =	vld [tilespmem:s25+$0x40];
	v35 =	vbroadcast v35, $0x0;
	v38 =	vmov s17;
	s17 =	sadd.s32 s17, s18  }
0xa0: {  	v39 =	vld [tilespmem:s25+$0x0];
	v38 =	vadd.s32 $0xFFFFFFFF, v38;
	v40 =	vmov s17  }
0xa1: {  	v41 =	vld [tilespmem:s25+$0x30];
	v28 =	vadd.s32 v28, v35;
	v35 =	vbroadcast v38, $0x0;
	v38 =	vadd.s32 $0xFFFFFFFF, v40;
	s18 =	spop (v2sf)  }
0xa2: {  	v26 =	vsub.s32 v26, v0;
	v40 =	vld [tilespmem:s25+$0x10];
	v38 =	vbroadcast v38, $0x0;
	s17 =	sadd.s32 s17, s18;
	v42, _, _ =	vpop (xrf0);
	s18 =	spop (v2sf)  }
0xa3: {  	v43 =	vld [tilespmem:s25+$0x20];
	v29 =	vadd.s32 v29, v35;
	v35 =	vmov s17;
	s17 =	sadd.s32 s17, s18;
	(v2sf) =	vpush v42, $0xF  }
0xa4: {  	v25 =	vsub.s32 v25, v0;
	[tilespmem:v27+s28+$0x0] =	vst.idx.msk vm5, v26;
	v26 =	vadd.s32 $0xFFFFFFFF, v35;
	v35 =	vmov s17  }
0xa5: {  	[tilespmem:v27+s29+$0x0] =	vst.idx.msk vm5, v39;
	v27 =	vadd.s32 v30, v38;
	v26 =	vbroadcast v26, $0x0;
	v30 =	vadd.s32 $0xFFFFFFFF, v35;
	s18 =	spop (v2sf)  }
0xa6: {  	[tilespmem:v28+s28+$0x0] =	vst.idx.msk vm4, v25;
	v25 =	vbroadcast v30, $0x0;
	s17 =	sadd.s32 s17, s18;
	s18 =	spop (v2sf)  }
0xa7: {  	v24 =	vsub.s32 v24, v0;
	[tilespmem:v28+s29+$0x0] =	vst.idx.msk vm4, v40;
	v26 =	vadd.s32 v31, v26;
	v28 =	vmov s17;
	s17 =	sadd.s32 s17, s18  }
0xa8: {  	v21 =	vsub.s32 v21, v0;
	[tilespmem:v29+s28+$0x0] =	vst.idx.msk vm1, v24;
	v24 =	vadd.s32 $0xFFFFFFFF, v28;
	v28 =	vmov s17  }
0xa9: {  	v25 =	vadd.s32 v32, v25;
	[tilespmem:v29+s29+$0x0] =	vst.idx.msk vm1, v43;
	v24 =	vbroadcast v24, $0x0;
	v28 =	vadd.s32 $0xFFFFFFFF, v28  }
0xaa: {  	[tilespmem:v27+s28+$0x0] =	vst.idx.msk vm2, v21;
	v21 =	vbroadcast v28, $0x0  }
0xab: {  	v20 =	vsub.s32 v20, v0;
	[tilespmem:v27+s29+$0x0] =	vst.idx.msk vm2, v41;
	v24 =	vadd.s32 v33, v24  }
0xac: {  	[tilespmem:v26+s28+$0x0] =	vst.idx.msk vm3, v20  }
0xad: {  	v20 =	vsub.s32 v19, v0;
	v19 =	vadd.s32 v42, v21;
	[tilespmem:v26+s29+$0x0] =	vst.idx.msk vm3, v37  }
.Ltmp4:
0xae: {  	[tilespmem:v25+s28+$0x0] =	vst.idx.msk vm6, v20;
	(pc) =	sbr.rel @p0 .LBB2_3-.Ltmp4, $4  }
0xaf: {  	v20 =	vsub.s32 v22, v0;
	[tilespmem:v25+s29+$0x0] =	vst.idx.msk vm6, v36  }
0xb0: {  	[tilespmem:v24+s28+$0x0] =	vst.idx.msk vm7, v20  }
0xb1: {  	v20 =	vsub.s32 v23, v0;
	[tilespmem:v24+s29+$0x0] =	vst.idx.msk vm7, v34  }
0xb2: {  	s19 =	smov.u32 s12;
	[tilespmem:v19+s28+$0x0] =	vst.idx.msk vm0, v20;
	s18 =	spop (v2sf)  }
0xb3: {  	_ =	sdelay $0x4  }
0xb4: {  	s11 =	sshra.s32 s11, $0x2;
	[tilespmem:v19+s29+$0x0] =	vst.idx.msk vm0, v18  }
0xb5: {  	v18 =	vld [tilespmem:s11+$0xA80];
	_ =	sdelay $0x1  }
0xb6: {  	v19 =	vld [tilespmem:s11+$0xA90];
	_ =	sdelay $0x1  }
0xb7: {  	v20 =	vld [tilespmem:s11+$0xAA0]  }
0xb8: {  	vm6 =	vge.s32 v18, v0;
	vm1 =	vlt.s32 v18, v1  }
0xb9: {  	v21 =	vld [tilespmem:s11+$0xAB0];
	vm6 =	vmand vm6, vm1  }
0xba: {  	vm7 =	vge.s32 v19, v0;
	vm8 =	vlt.s32 v19, v1;
	v22 =	vsel vm6, $0x1, v4  }
0xbb: {  	v23 =	vld [tilespmem:s11+$0xAC0];
	vm3 =	vmand vm7, vm8;
	(xrf0) =	vadd.scan.msk.s32 $0xffff, v22  }
0xbc: {  	v24 =	vld [tilespmem:s11+$0xAD0];
	vm9 =	vge.s32 v20, v0;
	vm10 =	vlt.s32 v20, v1;
	v62 =	vsel vm3, $0x1, v4  }
0xbd: {  	vm0 =	vmand vm9, vm10;
	(xrf0) =	vadd.scan.msk.s32 $0xffff, v62  }
0xbe: {  	v63 =	vld [tilespmem:s11+$0xAE0];
	vm11 =	vge.s32 v21, v0;
	vm2 =	vlt.s32 v21, v1;
	v25 =	vsel vm0, $0x1, v4  }
0xbf: {  	vm1 =	vmand vm11, vm2;
	(xrf0) =	vadd.scan.msk.s32 $0xffff, v25  }
0xc0: {  	vm12 =	vge.s32 v23, v0;
	vm4 =	vlt.s32 v23, v1;
	v44 =	vsel vm1, $0x1, v4  }
0xc1: {  	vm13 =	vge.s32 v24, v0;
	vm2 =	vmand vm12, vm4;
	v27, _, _ =	vpop (xrf0);
	(xrf0) =	vadd.scan.msk.s32 $0xffff, v44  }
0xc2: {  	vm5 =	vlt.s32 v24, v1;
	v26 =	vsel vm2, $0x1, v4;
	(v2sf) =	vpush v27, $0xF  }
0xc3: {  	vm14 =	vge.s32 v63, v0;
	vm4 =	vmand vm13, vm5;
	(xrf0) =	vadd.scan.msk.s32 $0xffff, v26;
	v45, _, _ =	vpop (xrf0)  }
0xc4: {  	vm7 =	vlt.s32 v63, v1;
	v46 =	vsel vm4, $0x1, v4;
	(v2sf) =	vpush v45, $0xF  }
0xc5: {  	vm5 =	vmand vm14, vm7;
	v28, _, _ =	vpop (xrf0);
	(xrf0) =	vadd.scan.msk.s32 $0xffff, v46  }
0xc6: {  	v47 =	vsel vm5, $0x1, v4;
	(v2sf) =	vpush v28, $0xF  }
0xc7: {  	v29 =	vld [tilespmem:s11+$0xAF0];
	(xrf0) =	vadd.scan.msk.s32 $0xffff, v47;
	v48, _, _ =	vpop (xrf0)  }
0xc8: {  	(v2sf) =	vpush v48, $0xF  }
0xc9: {  	v30, _, _ =	vpop (xrf0)  }
0xca: {  	(v2sf) =	vpush v30, $0xF  }
0xcb: {  	v31, _, _ =	vpop (xrf0)  }
0xcc: {  	vm15 =	vge.s32 v29, v0;
	vm8 =	vlt.s32 v29, v1;
	(v2sf) =	vpush v31, $0xF  }
0xcd: {  	vm7 =	vmand vm15, vm8;
	v32, _, _ =	vpop (xrf0)  }
0xce: {  	v33 =	vsel vm7, $0x1, v4;
	(v2sf) =	vpush v32, $0xF  }
0xcf: {  	(xrf0) =	vadd.scan.msk.s32 $0xffff, v33  }
0xd0: {  	s12 =	sadd.s32 s17, s18  }
0xd1: {  	v49 =	vmov s12;
	s18 =	spop (v2sf)  }
0xd2: {  	v33 =	vadd.s32 $0xFFFFFFFF, v49;
	s12 =	sadd.s32 s12, s18  }
0xd3: {  	v34 =	vld [tilespmem:s11+$0x70];
	v33 =	vbroadcast v33, $0x0;
	s19 =	spop (v2sf);
	v36 =	vmov s12  }
0xd4: {  	v35 =	vld [tilespmem:s11+$0x60];
	s12 =	sadd.s32 s12, s19;
	v36 =	vadd.s32 $0xFFFFFFFF, v36  }
0xd5: {  	v37 =	vld [tilespmem:s11+$0x50];
	v27 =	vadd.s32 v27, v33;
	v41, _, _ =	vpop (xrf0);
	s20 =	spop (v2sf);
	v38 =	vmov s12;
	v36 =	vbroadcast v36, $0x0  }
0xd6: {  	v39 =	vld [tilespmem:s11+$0x0];
	(v2sf) =	vpush v41, $0xF;
	s12 =	sadd.s32 s12, s20;
	v38 =	vadd.s32 $0xFFFFFFFF, v38  }
0xd7: {  	v50 =	vld [tilespmem:s11+$0x40];
	v40 =	vmov s12;
	v51 =	vbroadcast v38, $0x0;
	v25 =	vadd.s32 v45, v36;
	s25 =	spop (v2sf)  }
0xd8: {  	v53 =	vld [tilespmem:s11+$0x10];
	v18 =	vsub.s32 v18, v0;
	v52 =	vadd.s32 $0xFFFFFFFF, v40;
	s12 =	sadd.s32 s12, s25  }
0xd9: {  	v42 =	vld [tilespmem:s11+$0x30];
	v38 =	vbroadcast v52, $0x0;
	s14 =	spop (v2sf);
	v28 =	vadd.s32 v28, v51;
	v54 =	vmov s12  }
0xda: {  	v43 =	vld [tilespmem:s11+$0x20];
	[tilespmem:v27+s28+$0x0] =	vst.idx.msk vm6, v18;
	v18 =	vsub.s32 v19, v0;
	s18 =	sadd.s32 s12, s14;
	v19 =	vadd.s32 $0xFFFFFFFF, v54  }
0xdb: {  	[tilespmem:v27+s29+$0x0] =	vst.idx.msk vm6, v39;
	v26 =	vadd.s32 v48, v38;
	s19 =	spop (v2sf);
	v55 =	vmov s18;
	v19 =	vbroadcast v19, $0x0  }
0xdc: {  	v20 =	vsub.s32 v20, v0;
	s11 =	sadd.s32 s18, s19;
	v56 =	vadd.s32 $0xFFFFFFFF, v55;
	[tilespmem:v25+s28+$0x0] =	vst.idx.msk vm3, v18  }
0xdd: {  	s20 =	spop (v2sf);
	v57 =	vmov s11;
	v18 =	vbroadcast v56, $0x0;
	[tilespmem:v25+s29+$0x0] =	vst.idx.msk vm3, v53;
	v19 =	vadd.s32 v30, v19  }
0xde: {  	v58 =	vsub.s32 v21, v0;
	s11 =	sadd.s32 s11, s20;
	v59 =	vadd.s32 $0xFFFFFFFF, v57;
	[tilespmem:v28+s28+$0x0] =	vst.idx.msk vm0, v20  }
0xdf: {  	v60 =	vmov s11;
	v21 =	vbroadcast v59, $0x0;
	v18 =	vadd.s32 v31, v18;
	[tilespmem:v28+s29+$0x0] =	vst.idx.msk vm0, v43  }
0xe0: {  	v25 =	vadd.s32 $0xFFFFFFFF, v60;
	[tilespmem:v26+s28+$0x0] =	vst.idx.msk vm1, v58  }
0xe1: {  	v23 =	vsub.s32 v23, v0;
	v61 =	vbroadcast v25, $0x0;
	v21 =	vadd.s32 v32, v21;
	[tilespmem:v26+s29+$0x0] =	vst.idx.msk vm1, v42  }
0xe2: {  	[tilespmem:v19+s28+$0x0] =	vst.idx.msk vm2, v23  }
0xe3: {  	v20 =	vadd.s32 v41, v61;
	[tilespmem:v19+s29+$0x0] =	vst.idx.msk vm2, v50;
	v19 =	vsub.s32 v24, v0  }
0xe4: {  	p0 =	seq.s32 s10, $0xF;
	[tilespmem:v18+s28+$0x0] =	vst.idx.msk vm4, v19  }
0xe5: {  	s12 =	smul.u32 @!p0 $0xA80, s10;
	[tilespmem:v18+s29+$0x0] =	vst.idx.msk vm4, v37;
	v18 =	vsub.s32 v63, v0  }
0xe6: {  	s25 =	spop (v2sf);
	[tilespmem:v21+s28+$0x0] =	vst.idx.msk vm5, v18  }
0xe7: {  	s12 =	sadd.s32 @!p0 s12, s16;
	s11 =	sadd.s32 s11, s25;
	v18 =	vsub.s32 v29, v0;
	[tilespmem:v21+s29+$0x0] =	vst.idx.msk vm5, v35  }
0xe8: {  	s18 =	simm.s32 @!p0 $0x80;
	s12 =	sshrl.u32 @!p0 s12, $0x2;
	[tilespmem:v20+s28+$0x0] =	vst.idx.msk vm7, v18;
	v18 =	vadd.s32 s11, v2  }
0xe9: {  	s19 =	simm.s32 @!p0 $0x100;
	s17 =	sadd.s32 @!p0 s1, s12;
	s25 =	simm.s32 @!p0 $0x0;
	[tilespmem:v20+s29+$0x0] =	vst.idx.msk vm7, v34  }
0xea: {  	v19 =	vadd.s32 s11, v6;
	[tilespmem:s25], [sflag:$0x2] =	stream.strided.gather @!p0 [hbm4b:s17+s18], $0xA80, s19, s18, $0x38;
	[tilespmem:$0x1FF00] =	vst v63  }
0xeb: {  	s12 =	sadd.s32 @!p0 s12, s13;
	s17 =	simm.s32 @!p0 $0xA80  }
0xec: {  	v62 =	vadd.s32 s11, v8;
	[tilespmem:s17], [sflag:$0x2] =	stream.strided.gather @!p0 [hbm4b:s12+s18], $0xA80, s19, s18, $0x38;
	[tilespmem:$0x1FF00] =	vst v63  }
0xed: {  	[tilespmem:v18+s29+$0x0] =	vst.idx.msk $0xffff, v2  }
0xee: {  	[tilespmem:v18+s28+$0x0] =	vst.idx.msk $0xffff, v5;
	v18 =	vadd.s32 s11, v10  }
0xef: {  	[tilespmem:v19+s29+$0x0] =	vst.idx.msk $0xffff, v6  }
0xf0: {  	[tilespmem:v19+s28+$0x0] =	vst.idx.msk $0xffff, v7;
	v19 =	vadd.s32 s11, v12  }
0xf1: {  	[tilespmem:v62+s29+$0x0] =	vst.idx.msk $0xffff, v8  }
0xf2: {  	v63 =	vadd.s32 s11, v14;
	[tilespmem:v62+s28+$0x0] =	vst.idx.msk $0xffff, v9  }
0xf3: {  	[tilespmem:v18+s29+$0x0] =	vst.idx.msk $0xffff, v10  }
0xf4: {  	[tilespmem:v18+s28+$0x0] =	vst.idx.msk $0xffff, v11;
	v18 =	vadd.s32 s11, v16  }
0xf5: {  	[tilespmem:v19+s29+$0x0] =	vst.idx.msk $0xffff, v12  }
0xf6: {  	[tilespmem:v19+s28+$0x0] =	vst.idx.msk $0xffff, v13;
	v19 =	vadd.s32 s11, v17  }
0xf7: {  	[tilespmem:v63+s29+$0x0] =	vst.idx.msk $0xffff, v14  }
0xf8: {  	[tilespmem:v63+s28+$0x0] =	vst.idx.msk $0xffff, v15  }
0xf9: {  	[tilespmem:v18+s29+$0x0] =	vst.idx.msk $0xffff, v16  }
.Ltmp5:
0xfa: {  	[tilespmem:v18+s28+$0x0] =	vst.idx.msk $0xffff, v5;
	(pc) =	sbr.rel .LBB2_5-.Ltmp5, $4  }
0xfb: {  	s25 =	simm.s32 $0x2040;
	p0 =	slt.s32 s11, $0x1;
	[tilespmem:v19+s29+$0x0] =	vst.idx.msk $0xffff, v17  }
0xfc: {  	s12 =	simm.s32 @!p0 $0x80;
	s17 =	simm.s32 @!p0 $0x1500;
	s18 =	simm.s32 @!p0 $0x2C00;
	[tilespmem:v19+s28+$0x0] =	vst.idx.msk $0xffff, v7  }
0xfd: {  	[tilespmem:s18], [sflag:$0x1] =	stream.indirect.gather @!p0 [hbm4b:s5+s12], $0x80, s17, s12, $0xb8;
	[tilespmem:$0x1FF00] =	vst v63  }
0xfe: {  	s12 =	simm.s32 $0x0;
	s17 =	simm.s32 $0x1580;
	s18 =	simm.s32 $0x0  }
.LBB2_8:
0xff: {  	s20 =	sadd.s32 $0x80, s12  }
0x100: {  	_ =	swait.ge [sflag:s30], $0x4000;
	p0 =	sge.u32 s20, s11  }
0x101: {  	[sflag:s30] =	ssyncset.done $0x0;
	s20 =	sshll.u32 @!p0 s19, $0xE  }
0x102: {  	[sflag:s30] =	ssyncadd.s32 $0xFFFFC000;
	s14 =	simm.s32 @!p0 $0x80;
	s20 =	sxor.u32 @!p0 $0x6C00, s20  }
0x103: {  	[tilespmem:s20], [sflag:$0x1] =	stream.indirect.gather @!p0 [hbm4b:s5+s14], $0x80, s17, s14, $0xb8;
	[tilespmem:$0x1FF00] =	vst v63  }
0x104: {  	v18 =	vld [tilespmem:s25+$0xFFFFFFC0];
	_ =	sdelay $0x3  }
0x105: {  	p0 =	sne.s32 s19, $0x0  }
0x106: {  	[tilespmem:$0x2B80] =	vst @p0 v18  }
0x107: {  	v19 =	vld @p0 [tilespmem:s25+$0xFFFFFFD0];
	_ =	sdelay $0x4  }
0x108: {  	[tilespmem:$0x2B90] =	vst @p0 v19  }
0x109: {  	v19 =	vld @p0 [tilespmem:s25+$0xFFFFFFE0];
	_ =	sdelay $0x4  }
0x10a: {  	[tilespmem:$0x2BA0] =	vst @p0 v19  }
0x10b: {  	v19 =	vld @p0 [tilespmem:s25+$0xFFFFFFF0];
	_ =	sdelay $0x4  }
0x10c: {  	[tilespmem:$0x2BB0] =	vst @p0 v19  }
0x10d: {  	v19 =	vld @p0 [tilespmem:s25+$0x0];
	_ =	sdelay $0x4  }
0x10e: {  	[tilespmem:$0x2BC0] =	vst @p0 v19  }
0x10f: {  	v19 =	vld @p0 [tilespmem:s25+$0x10];
	_ =	sdelay $0x4  }
0x110: {  	[tilespmem:$0x2BD0] =	vst @p0 v19  }
0x111: {  	v19 =	vld @p0 [tilespmem:s25+$0x20];
	_ =	sdelay $0x4  }
0x112: {  	[tilespmem:$0x2BE0] =	vst @p0 v19  }
0x113: {  	v19 =	vld @p0 [tilespmem:s25+$0x30];
	_ =	sdelay $0x4  }
0x114: {  	s14 =	simm.s32 @p0 $0x80;
	s19 =	simm.s32 @p0 $0x2B80;
	s20 =	simm.s32 @p0 $0x6C00;
	[tilespmem:$0x2BF0] =	vst @p0 v19  }
0x115: {  	[spmem:s2] =	stream.indirect.scatter.add.f32 @p0 [tilespmem:s20], [sflag:$0x4], $0x80, s19, s14, $0xb8;
	[tilespmem:$0x1FF00] =	vst v63  }
0x116: {  	[tilespmem:$0x2B00] =	vst @!p0 v18  }
0x117: {  	v18 =	vld @!p0 [tilespmem:s25+$0xFFFFFFD0];
	_ =	sdelay $0x4  }
0x118: {  	[tilespmem:$0x2B10] =	vst @!p0 v18  }
0x119: {  	v18 =	vld @!p0 [tilespmem:s25+$0xFFFFFFE0];
	_ =	sdelay $0x4  }
0x11a: {  	[tilespmem:$0x2B20] =	vst @!p0 v18  }
0x11b: {  	v18 =	vld @!p0 [tilespmem:s25+$0xFFFFFFF0];
	_ =	sdelay $0x4  }
0x11c: {  	[tilespmem:$0x2B30] =	vst @!p0 v18  }
0x11d: {  	v18 =	vld @!p0 [tilespmem:s25+$0x0];
	_ =	sdelay $0x4  }
0x11e: {  	[tilespmem:$0x2B40] =	vst @!p0 v18  }
0x11f: {  	v18 =	vld @!p0 [tilespmem:s25+$0x10];
	_ =	sdelay $0x4  }
0x120: {  	[tilespmem:$0x2B50] =	vst @!p0 v18  }
0x121: {  	v18 =	vld @!p0 [tilespmem:s25+$0x20];
	_ =	sdelay $0x4  }
0x122: {  	[tilespmem:$0x2B60] =	vst @!p0 v18  }
0x123: {  	v18 =	vld @!p0 [tilespmem:s25+$0x30];
	_ =	sdelay $0x4  }
0x124: {  	s14 =	simm.s32 @!p0 $0x80;
	s19 =	simm.s32 @!p0 $0x2B00;
	s20 =	simm.s32 @!p0 $0x2C00;
	[tilespmem:$0x2B70] =	vst @!p0 v18  }
0x125: {  	[spmem:s2] =	stream.indirect.scatter.add.f32 @!p0 [tilespmem:s20], [sflag:$0x3], $0x80, s19, s14, $0xb8;
	[tilespmem:$0x1FF00] =	vst v63  }
.LBB2_9:
0x126: {  	s18 =	sadd.s32 $0x1, s18  }
0x127: {  	p0 =	sne.s32 s18, $0x16  }
.Ltmp6:
0x128: {  	_ = 	snop;
	(pc) =	sbr.rel @!p0 .LBB2_10-.Ltmp6, $2  }
0x129: {  	_ =	sdelay $0x2  }
0x12a: {  	s12 =	sadd.s32 $0x80, s12;
	s17 =	sadd.s32 $0x80, s17;
	s25 =	sadd.s32 $0x80, s25  }
.LBB2_5:
0x12b: {  	p0 =	sge.s32 s12, s11  }
.Ltmp7:
0x12c: {  	_ = 	snop;
	(pc) =	sbr.rel @p0 .LBB2_9-.Ltmp7, $1  }
0x12d: {  	_ =	sdelay $0x3  }
0x12e: {  	s19 =	sand.u32 $0x1, s18;
	p0 =	sgt.u32 s18, $0x1  }
0x12f: {  	p1 =	seq.s32 @!p0 s19, $0x0  }
0x130: {  	p1 =	por p0, !p1  }
.Ltmp8:
0x131: {  	_ = 	snop;
	(pc) =	sbr.rel @!p1 .LBB2_8-.Ltmp8, $1  }
0x132: {  	_ =	sdelay $0x3  }
0x133: {  	p1 =	seq.s32 s19, $0x0;
	s20 =	simm.s32 $0x4  }
.Ltmp9:
0x134: {  	s20 =	simm.s32 @!p1 $0x3;
	(pc) =	sbr.rel .LBB2_8-.Ltmp9, $4  }
0x135: {  	s20 =	simm.s32 @!p0 $0x3  }
0x136: {  	_ =	swait.ge [sflag:s20], $0x4000  }
0x137: {  	[sflag:s20] =	ssyncset.done $0x0  }
0x138: {  	[sflag:s20] =	ssyncadd.s32 $0xFFFFC000  }
.LBB2_10:
0x139: {  	s11 =	sadd.s32 $0x7F, s11  }
0x13a: {  	s12 =	sand.u32 $0x7F, s11  }
0x13b: {  	s25 =	sshra.s32 s11, $0x1F;
	p1 =	slt.s32 s11, $0x1;
	p0 =	sne.s32 s12, $0x0  }
0x13c: {  	s12 =	sshrl.u32 s25, $0x19;
	p0 =	por !p1, !p0  }
0x13d: {  	s11 =	sadd.s32 s12, s11;
	s12 =	simm.s32 $0x1;
	p0 =	por !p0, !p0  }
0x13e: {  	s11 =	sshra.s32 s11, $0x7;
	s12 =	simm.s32 @!p0 $0x0  }
0x13f: {  	s11 =	ssub.s32 s11, s12  }
0x140: {  	s12 =	sshrl.u32 s11, $0x1F  }
0x141: {  	s12 =	sadd.s32 s12, s11  }
0x142: {  	s12 =	sand.u32 $0xFFFFFFFE, s12  }
0x143: {  	s12 =	ssub.s32 s11, s12  }
0x144: {  	p0 =	seq.s32 s12, $0x1  }
0x145: {  	p1 =	slt.s32 @!p0 s11, $0x1  }
0x146: {  	p2 =	por p1, p0  }
0x147: {  	p2 =	sne.s32 @!p2 s12, $0x0  }
0x148: {  	p1 =	por @!p0 p1, p2  }
0x149: {  	p1 =	por p0, !p1  }
.Ltmp10:
0x14a: {  	_ = 	snop;
	(pc) =	sbr.rel @!p1 .LBB2_12-.Ltmp10, $1  }
0x14b: {  	_ =	sdelay $0x3  }
.Ltmp11:
0x14c: {  	s11 =	simm.s32 @!p0 $0x4;
	(pc) =	sbr.rel .LBB2_12-.Ltmp11, $4  }
0x14d: {  	s11 =	simm.s32 @p0 $0x3  }
0x14e: {  	_ =	swait.ge [sflag:s11], $0x4000  }
0x14f: {  	[sflag:s11] =	ssyncset.done $0x0  }
0x150: {  	[sflag:s11] =	ssyncadd.s32 $0xFFFFC000  }
.LBB2_13:
0x151: {  	[bflag:$0x0] =	sbarrier.arrive $0xFFFF  }
0x152: {  	s10 =	rddreg [dreg:$0xa]  }
0x153: {  	s11 =	rddreg [dreg:$0xb];
	s10 =	sshrl.u32 s10, $0x3  }
0x154: {  	[hbm:s11], [sflag:s7] =	dma.local [spmem:s10], $0x2A00  }
0x155: {  	_ =	swait.ge [sflag:s22], $0x2A00  }
0x156: {  	[sflag:s22] =	ssyncset.done $0x0  }
0x157: {  	[sflag:s22] =	ssyncadd.s32 $0xFFFFD600  }
0x158: {  	[bflag:$0x0] =	sbarrier.arrive $0xFFFF  }
0x159: {  	[spmem:s21], [sflag:s7] =	dma.local [hbm:s6], $0x710  }
0x15a: {  	_ =	swait.ge [sflag:s22], $0x710  }
0x15b: {  	[sflag:s22] =	ssyncset.done $0x0  }
0x15c: {  	[sflag:s22] =	ssyncadd.s32 $0xFFFFF8F0  }
0x15d: {  	[spmem:s0], [sflag:s7] =	dma.local [hbm:s6], $0x710  }
0x15e: {  	_ =	swait.ge [sflag:s22], $0x710  }
0x15f: {  	[sflag:s22] =	ssyncset.done $0x0  }
0x160: {  	[sflag:s22] =	ssyncadd.s32 $0xFFFFF8F0  }
0x161: {  	[spmem:s4], [sflag:s7] =	dma.local [hbm:s6], $0x710  }
0x162: {  	_ =	swait.ge [sflag:s22], $0x710  }
0x163: {  	[sflag:s22] =	ssyncset.done $0x0  }
0x164: {  	[sflag:s22] =	ssyncadd.s32 $0xFFFFF8F0  }
0x165: {  	[spmem:s3], [sflag:s7] =	dma.local [hbm:s6], $0x710  }
0x166: {  	_ =	swait.ge [sflag:s22], $0x710  }
0x167: {  	[sflag:s22] =	ssyncset.done $0x0  }
0x168: {  	[sflag:s22] =	ssyncadd.s32 $0xFFFFF8F0  }
0x169: {  	[spmem:s8], [sflag:s7] =	dma.local [hbm:s6], $0x710  }
0x16a: {  	_ =	swait.ge [sflag:s22], $0x710  }
0x16b: {  	[sflag:s22] =	ssyncset.done $0x0  }
0x16c: {  	[sflag:s22] =	ssyncadd.s32 $0xFFFFF8F0  }
0x16d: {  	[spmem:s9], [sflag:s7] =	dma.local [hbm:s6], $0x710  }
0x16e: {  	_ =	swait.ge [sflag:s22], $0x710  }
0x16f: {  	[sflag:s22] =	ssyncset.done $0x0  }
0x170: {  	s0 =	simm.s32 $0x0;
	s20 =	rddreg [dreg:$0x9];
	[sflag:s22] =	ssyncadd.s32 $0xFFFFF8F0  }
0x171: {  	[tilespmem:s0], [sflag:$0x2] =	stream.strided.gather [hbm4b:s20+s23], $0xA80, s24, s23, $0x38;
	[tilespmem:$0x1FF00] =	vst v63  }
.Ltmp12:
0x172: {  	_ = 	snop;
	(pc) =	sbr.rel .LBB2_14-.Ltmp12, $4  }
0x173: {  	s25 =	simm.s32 $0xA80  }
0x174: {  	[tilespmem:s25], [sflag:$0x2] =	stream.strided.gather [hbm4b:s15+s23], $0xA80, s24, s23, $0x38;
	[tilespmem:$0x1FF00] =	vst v63  }
0x175: {  	[bflag:$0x0] =	sbarrier.arrive $0xFFFF  }
0x176: {  	s3 =	simm.s32 $0x0  }
.LBB2_24:
0x177: {  	s3 =	sadd.s32 $0x1, s3  }
0x178: {  	p0 =	sne.s32 s3, $0x10  }
.Ltmp13:
0x179: {  	_ = 	snop;
	(pc) =	sbr.rel @!p0 .LBB2_25-.Ltmp13, $1  }
0x17a: {  	_ =	sdelay $0x3  }
.LBB2_14:
0x17b: {  	_ =	swait.ge [sflag:s26], $0xA80  }
0x17c: {  	[sflag:s26] =	ssyncset.done $0x0  }
0x17d: {  	[sflag:s26] =	ssyncadd.s32 $0xFFFFF580  }
0x17e: {  	_ =	swait.ge [sflag:s26], $0xA80  }
0x17f: {  	[sflag:s26] =	ssyncset.done $0x0  }
0x180: {  	s4 =	simm.s32 $0x0;
	[sflag:s26] =	ssyncadd.s32 $0xFFFFF580  }
0x181: {  	v19 =	vld [tilespmem:s4+$0xA80];
	_ =	sdelay $0x1  }
0x182: {  	v20 =	vld [tilespmem:s4+$0xA90];
	_ =	sdelay $0x1  }
0x183: {  	v21 =	vld [tilespmem:s4+$0xAA0]  }
0x184: {  	vm0 =	vge.s32 v19, v1;
	vm1 =	vlt.s32 v19, v3  }
0x185: {  	v22 =	vld [tilespmem:s4+$0xAB0];
	vm6 =	vmand vm0, vm1  }
0x186: {  	vm0 =	vge.s32 v20, v1;
	vm1 =	vlt.s32 v20, v3;
	v18 =	vsel vm6, $0x1, v4  }
0x187: {  	v23 =	vld [tilespmem:s4+$0xAC0];
	vm4 =	vmand vm0, vm1;
	(xrf0) =	vadd.scan.msk.s32 $0xffff, v18  }
0x188: {  	v24 =	vld [tilespmem:s4+$0xAD0];
	vm0 =	vge.s32 v21, v1;
	vm1 =	vlt.s32 v21, v3;
	v18 =	vsel vm4, $0x1, v4  }
0x189: {  	vm1 =	vmand vm0, vm1;
	(xrf0) =	vadd.scan.msk.s32 $0xffff, v18  }
0x18a: {  	v26 =	vld [tilespmem:s4+$0xAE0];
	vm2 =	vlt.s32 v22, v3;
	vm0 =	vge.s32 v22, v1;
	v25 =	vsel vm1, $0x1, v4  }
0x18b: {  	vm2 =	vmand vm0, vm2;
	(xrf0) =	vadd.scan.msk.s32 $0xffff, v25  }
0x18c: {  	vm3 =	vlt.s32 v23, v3;
	vm0 =	vge.s32 v23, v1;
	v18 =	vsel vm2, $0x1, v4  }
0x18d: {  	vm5 =	vlt.s32 v24, v3;
	vm3 =	vmand vm0, vm3;
	v27, _, _ =	vpop (xrf0);
	(xrf0) =	vadd.scan.msk.s32 $0xffff, v18  }
0x18e: {  	vm0 =	vge.s32 v24, v1;
	v43 =	vsel vm3, $0x1, v4;
	(v2sf) =	vpush v27, $0xF  }
0x18f: {  	vm7 =	vlt.s32 v26, v3;
	vm5 =	vmand vm0, vm5;
	(xrf0) =	vadd.scan.msk.s32 $0xffff, v43;
	v44, _, _ =	vpop (xrf0)  }
0x190: {  	vm0 =	vge.s32 v26, v1;
	v18 =	vsel vm5, $0x1, v4;
	(v2sf) =	vpush v44, $0xF  }
0x191: {  	vm7 =	vmand vm0, vm7;
	v28, _, _ =	vpop (xrf0);
	(xrf0) =	vadd.scan.msk.s32 $0xffff, v18  }
0x192: {  	v18 =	vsel vm7, $0x1, v4;
	(v2sf) =	vpush v28, $0xF  }
0x193: {  	(xrf0) =	vadd.scan.msk.s32 $0xffff, v18;
	v29, _, _ =	vpop (xrf0)  }
0x194: {  	(v2sf) =	vpush v29, $0xF  }
0x195: {  	v31 =	vld [tilespmem:s4+$0xAF0];
	v30, _, _ =	vpop (xrf0)  }
0x196: {  	(v2sf) =	vpush v30, $0xF  }
0x197: {  	v32, _, _ =	vpop (xrf0)  }
0x198: {  	(v2sf) =	vpush v32, $0xF  }
0x199: {  	v33, _, _ =	vpop (xrf0)  }
0x19a: {  	vm8 =	vlt.s32 v31, v3;
	vm0 =	vge.s32 v31, v1;
	(v2sf) =	vpush v33, $0xF  }
0x19b: {  	vm0 =	vmand vm0, vm8  }
0x19c: {  	v34 =	vsel vm0, $0x1, v4  }
0x19d: {  	v18 =	vmov s0;
	(xrf0) =	vadd.scan.msk.s32 $0xffff, v34;
	s8 =	spop (v2sf)  }
0x19e: {  	v35 =	vadd.s32 $0xFFFFFFFF, v18;
	s8 =	sadd.s32 $0x0, s8  }
0x19f: {  	v46 =	vld [tilespmem:s4+$0x60];
	v45 =	vbroadcast v35, $0x0;
	s9 =	spop (v2sf);
	v36 =	vmov s8  }
0x1a0: {  	v37 =	vld [tilespmem:s4+$0x50];
	s8 =	sadd.s32 s8, s9;
	v36 =	vadd.s32 $0xFFFFFFFF, v36  }
0x1a1: {  	v47 =	vld [tilespmem:s4+$0x40];
	v27 =	vadd.s32 v27, v45;
	s14 =	spop (v2sf);
	v38 =	vmov s8;
	v36 =	vbroadcast v36, $0x0  }
0x1a2: {  	v39 =	vld [tilespmem:s4+$0x0];
	s8 =	sadd.s32 s8, s14;
	v38 =	vadd.s32 $0xFFFFFFFF, v38  }
0x1a3: {  	v41 =	vld [tilespmem:s4+$0x30];
	v42, _, _ =	vpop (xrf0);
	v40 =	vmov s8;
	v48 =	vbroadcast v38, $0x0;
	v25 =	vadd.s32 v44, v36;
	s17 =	spop (v2sf)  }
0x1a4: {  	v50 =	vld [tilespmem:s4+$0x10];
	v19 =	vsub.s32 v19, v1;
	(v2sf) =	vpush v42, $0xF;
	v49 =	vadd.s32 $0xFFFFFFFF, v40;
	s8 =	sadd.s32 s8, s17  }
0x1a5: {  	v43 =	vld [tilespmem:s4+$0x20];
	v38 =	vbroadcast v49, $0x0;
	s18 =	spop (v2sf);
	v28 =	vadd.s32 v28, v48;
	v51 =	vmov s8  }
0x1a6: {  	v18 =	vld [tilespmem:s4+$0x70];
	[tilespmem:v27+s28+$0x0] =	vst.idx.msk vm6, v19;
	v19 =	vsub.s32 v20, v1;
	s19 =	sadd.s32 s8, s18;
	v20 =	vadd.s32 $0xFFFFFFFF, v51  }
0x1a7: {  	[tilespmem:v27+s29+$0x0] =	vst.idx.msk vm6, v39;
	v53 =	vadd.s32 v29, v38;
	s20 =	spop (v2sf);
	v52 =	vmov s19;
	v20 =	vbroadcast v20, $0x0  }
0x1a8: {  	v21 =	vsub.s32 v21, v1;
	s4 =	sadd.s32 s19, s20;
	v54 =	vadd.s32 $0xFFFFFFFF, v52;
	[tilespmem:v25+s28+$0x0] =	vst.idx.msk vm4, v19  }
0x1a9: {  	s25 =	spop (v2sf);
	v55 =	vmov s4;
	v19 =	vbroadcast v54, $0x0;
	[tilespmem:v25+s29+$0x0] =	vst.idx.msk vm4, v50;
	v20 =	vadd.s32 v30, v20  }
0x1aa: {  	v56 =	vsub.s32 v22, v1;
	s11 =	sadd.s32 s4, s25;
	v57 =	vadd.s32 $0xFFFFFFFF, v55;
	[tilespmem:v28+s28+$0x0] =	vst.idx.msk vm1, v21  }
0x1ab: {  	v58 =	vmov s11;
	v59 =	vadd.s32 v32, v19;
	v19 =	vbroadcast v57, $0x0;
	[tilespmem:v28+s29+$0x0] =	vst.idx.msk vm1, v43  }
0x1ac: {  	v60 =	vadd.s32 $0xFFFFFFFF, v58;
	[tilespmem:v53+s28+$0x0] =	vst.idx.msk vm2, v56  }
0x1ad: {  	v62 =	vsub.s32 v23, v1;
	v61 =	vbroadcast v60, $0x0;
	v63 =	vadd.s32 v33, v19;
	[tilespmem:v53+s29+$0x0] =	vst.idx.msk vm2, v41  }
0x1ae: {  	[tilespmem:v20+s28+$0x0] =	vst.idx.msk vm3, v62  }
0x1af: {  	v19 =	vadd.s32 v42, v61;
	[tilespmem:v20+s29+$0x0] =	vst.idx.msk vm3, v47;
	v20 =	vsub.s32 v24, v1  }
0x1b0: {  	[tilespmem:v59+s28+$0x0] =	vst.idx.msk vm5, v20  }
0x1b1: {  	v20 =	vsub.s32 v26, v1;
	[tilespmem:v59+s29+$0x0] =	vst.idx.msk vm5, v37  }
0x1b2: {  	[tilespmem:v63+s28+$0x0] =	vst.idx.msk vm7, v20  }
0x1b3: {  	v20 =	vsub.s32 v31, v1;
	[tilespmem:v63+s29+$0x0] =	vst.idx.msk vm7, v46  }
0x1b4: {  	s17 =	simm.s32 $0x400;
	s4 =	simm.s32 $0x200;
	s12 =	spop (v2sf);
	[tilespmem:v19+s28+$0x0] =	vst.idx.msk vm0, v20  }
.LBB2_15:
0x1b5: {  	s9 =	sshra.s32 s4, $0x2  }
0x1b6: {  	[tilespmem:v19+s29+$0x0] =	vst.idx.msk vm0, v18;
	s11 =	sadd.s32 s11, s12;
	s4 =	smov.u32 s17;
	s8 =	sadd.s32 $0x200, s17  }
0x1b7: {  	p0 =	sne.s32 s17, $0x2800;
	v26 =	vld [tilespmem:s9+$0xA80];
	v18 =	vmov s11  }
0x1b8: {  	v25 =	vld [tilespmem:s9+$0xA90];
	v18 =	vadd.s32 $0xFFFFFFFF, v18;
	_ =	sdelay $0x1  }
0x1b9: {  	v24 =	vld [tilespmem:s9+$0xAA0]  }
0x1ba: {  	v21 =	vld [tilespmem:s9+$0xAB0]  }
0x1bb: {  	vm0 =	vge.s32 v26, v1;
	vm1 =	vlt.s32 v26, v3  }
0x1bc: {  	vm5 =	vmand vm0, vm1;
	vm0 =	vge.s32 v25, v1;
	vm1 =	vlt.s32 v25, v3  }
0x1bd: {  	v22 =	vsel vm5, $0x1, v4;
	v20 =	vld [tilespmem:s9+$0xAC0]  }
0x1be: {  	vm4 =	vmand vm0, vm1;
	vm0 =	vge.s32 v24, v1;
	vm1 =	vlt.s32 v24, v3;
	v19 =	vld [tilespmem:s9+$0xAD0];
	(xrf0) =	vadd.scan.msk.s32 $0xffff, v22  }
0x1bf: {  	v22 =	vsel vm4, $0x1, v4;
	vm1 =	vmand vm0, vm1;
	vm0 =	vge.s32 v21, v1  }
0x1c0: {  	vm2 =	vlt.s32 v21, v3;
	v23 =	vsel vm1, $0x1, v4;
	(xrf0) =	vadd.scan.msk.s32 $0xffff, v22  }
0x1c1: {  	v18 =	vbroadcast v18, $0x0;
	v22 =	vld [tilespmem:s9+$0xAE0];
	(xrf0) =	vadd.scan.msk.s32 $0xffff, v23  }
0x1c2: {  	vm2 =	vmand vm0, vm2;
	vm0 =	vge.s32 v20, v1;
	vm3 =	vlt.s32 v20, v3;
	v23 =	vld [tilespmem:s9+$0xAF0]  }
0x1c3: {  	v27 =	vsel vm2, $0x1, v4;
	vm3 =	vmand vm0, vm3;
	vm0 =	vge.s32 v19, v1  }
0x1c4: {  	vm6 =	vlt.s32 v19, v3;
	v30 =	vsel vm3, $0x1, v4;
	v29, _, _ =	vpop (xrf0);
	(xrf0) =	vadd.scan.msk.s32 $0xffff, v27  }
0x1c5: {  	v27 =	vadd.s32 v29, v18;
	(xrf0) =	vadd.scan.msk.s32 $0xffff, v30;
	(v2sf) =	vpush v29, $0xF  }
0x1c6: {  	vm6 =	vmand vm0, vm6;
	vm0 =	vge.s32 v22, v1;
	vm7 =	vlt.s32 v22, v3;
	v28, _, _ =	vpop (xrf0)  }
0x1c7: {  	v18 =	vsel vm6, $0x1, v4;
	vm7 =	vmand vm0, vm7;
	v29, _, _ =	vpop (xrf0);
	(v2sf) =	vpush v28, $0xF  }
0x1c8: {  	vm0 =	vge.s32 v23, v1;
	v31 =	vsel vm7, $0x1, v4;
	(xrf0) =	vadd.scan.msk.s32 $0xffff, v18;
	(v2sf) =	vpush v29, $0xF  }
0x1c9: {  	(xrf0) =	vadd.scan.msk.s32 $0xffff, v31  }
0x1ca: {  	v30, _, _ =	vpop (xrf0)  }
0x1cb: {  	v31, _, _ =	vpop (xrf0);
	(v2sf) =	vpush v30, $0xF  }
0x1cc: {  	(v2sf) =	vpush v31, $0xF;
	_ =	sdelay $0x1  }
0x1cd: {  	v32, _, _ =	vpop (xrf0)  }
0x1ce: {  	v33, _, _ =	vpop (xrf0);
	(v2sf) =	vpush v32, $0xF  }
0x1cf: {  	(v2sf) =	vpush v33, $0xF;
	_ =	sdelay $0x1  }
0x1d0: {  	vm8 =	vlt.s32 v23, v3  }
0x1d1: {  	vm0 =	vmand vm0, vm8  }
0x1d2: {  	v34 =	vsel vm0, $0x1, v4;
	s12 =	spop (v2sf)  }
0x1d3: {  	v18 =	vld [tilespmem:s9+$0x70];
	s11 =	sadd.s32 s11, s12;
	(xrf0) =	vadd.scan.msk.s32 $0xffff, v34  }
0x1d4: {  	v34 =	vld [tilespmem:s9+$0x60];
	v35 =	vmov s11;
	s12 =	spop (v2sf)  }
0x1d5: {  	v36 =	vld [tilespmem:s9+$0x50];
	v35 =	vadd.s32 $0xFFFFFFFF, v35;
	s11 =	sadd.s32 s11, s12;
	s12 =	spop (v2sf)  }
0x1d6: {  	v37 =	vld [tilespmem:s9+$0x40];
	v35 =	vbroadcast v35, $0x0;
	v38 =	vmov s11;
	s11 =	sadd.s32 s11, s12  }
0x1d7: {  	v39 =	vld [tilespmem:s9+$0x0];
	v38 =	vadd.s32 $0xFFFFFFFF, v38;
	v40 =	vmov s11  }
0x1d8: {  	v41 =	vld [tilespmem:s9+$0x30];
	v28 =	vadd.s32 v28, v35;
	v35 =	vbroadcast v38, $0x0;
	v38 =	vadd.s32 $0xFFFFFFFF, v40;
	s12 =	spop (v2sf)  }
0x1d9: {  	v26 =	vsub.s32 v26, v1;
	v40 =	vld [tilespmem:s9+$0x10];
	v38 =	vbroadcast v38, $0x0;
	s11 =	sadd.s32 s11, s12;
	v42, _, _ =	vpop (xrf0);
	s12 =	spop (v2sf)  }
0x1da: {  	v43 =	vld [tilespmem:s9+$0x20];
	v29 =	vadd.s32 v29, v35;
	v35 =	vmov s11;
	s9 =	sadd.s32 s11, s12;
	(v2sf) =	vpush v42, $0xF  }
0x1db: {  	v25 =	vsub.s32 v25, v1;
	[tilespmem:v27+s28+$0x0] =	vst.idx.msk vm5, v26;
	v26 =	vadd.s32 $0xFFFFFFFF, v35;
	v35 =	vmov s9  }
0x1dc: {  	[tilespmem:v27+s29+$0x0] =	vst.idx.msk vm5, v39;
	v27 =	vadd.s32 v30, v38;
	v26 =	vbroadcast v26, $0x0;
	v30 =	vadd.s32 $0xFFFFFFFF, v35;
	s11 =	spop (v2sf)  }
0x1dd: {  	[tilespmem:v28+s28+$0x0] =	vst.idx.msk vm4, v25;
	v25 =	vbroadcast v30, $0x0;
	s9 =	sadd.s32 s9, s11;
	s11 =	spop (v2sf)  }
0x1de: {  	v24 =	vsub.s32 v24, v1;
	[tilespmem:v28+s29+$0x0] =	vst.idx.msk vm4, v40;
	v26 =	vadd.s32 v31, v26;
	v28 =	vmov s9;
	s11 =	sadd.s32 s9, s11  }
0x1df: {  	v21 =	vsub.s32 v21, v1;
	[tilespmem:v29+s28+$0x0] =	vst.idx.msk vm1, v24;
	v24 =	vadd.s32 $0xFFFFFFFF, v28;
	v28 =	vmov s11  }
0x1e0: {  	v25 =	vadd.s32 v32, v25;
	[tilespmem:v29+s29+$0x0] =	vst.idx.msk vm1, v43;
	v24 =	vbroadcast v24, $0x0;
	v28 =	vadd.s32 $0xFFFFFFFF, v28  }
0x1e1: {  	[tilespmem:v27+s28+$0x0] =	vst.idx.msk vm2, v21;
	v21 =	vbroadcast v28, $0x0  }
0x1e2: {  	v20 =	vsub.s32 v20, v1;
	[tilespmem:v27+s29+$0x0] =	vst.idx.msk vm2, v41;
	v24 =	vadd.s32 v33, v24  }
0x1e3: {  	[tilespmem:v26+s28+$0x0] =	vst.idx.msk vm3, v20  }
0x1e4: {  	v20 =	vsub.s32 v19, v1;
	v19 =	vadd.s32 v42, v21;
	[tilespmem:v26+s29+$0x0] =	vst.idx.msk vm3, v37  }
.Ltmp14:
0x1e5: {  	[tilespmem:v25+s28+$0x0] =	vst.idx.msk vm6, v20;
	(pc) =	sbr.rel @p0 .LBB2_15-.Ltmp14, $4  }
0x1e6: {  	v20 =	vsub.s32 v22, v1;
	[tilespmem:v25+s29+$0x0] =	vst.idx.msk vm6, v36  }
0x1e7: {  	[tilespmem:v24+s28+$0x0] =	vst.idx.msk vm7, v20  }
0x1e8: {  	v20 =	vsub.s32 v23, v1;
	[tilespmem:v24+s29+$0x0] =	vst.idx.msk vm7, v34  }
0x1e9: {  	s17 =	smov.u32 s8;
	[tilespmem:v19+s28+$0x0] =	vst.idx.msk vm0, v20;
	s12 =	spop (v2sf)  }
0x1ea: {  	_ =	sdelay $0x4  }
0x1eb: {  	s4 =	sshra.s32 s4, $0x2;
	[tilespmem:v19+s29+$0x0] =	vst.idx.msk vm0, v18  }
0x1ec: {  	v18 =	vld [tilespmem:s4+$0xA80];
	_ =	sdelay $0x1  }
0x1ed: {  	v19 =	vld [tilespmem:s4+$0xA90];
	_ =	sdelay $0x1  }
0x1ee: {  	v20 =	vld [tilespmem:s4+$0xAA0]  }
0x1ef: {  	vm6 =	vge.s32 v18, v1;
	vm1 =	vlt.s32 v18, v3  }
0x1f0: {  	v21 =	vld [tilespmem:s4+$0xAB0];
	vm6 =	vmand vm6, vm1  }
0x1f1: {  	vm7 =	vge.s32 v19, v1;
	vm8 =	vlt.s32 v19, v3;
	v22 =	vsel vm6, $0x1, v4  }
0x1f2: {  	v23 =	vld [tilespmem:s4+$0xAC0];
	vm3 =	vmand vm7, vm8;
	(xrf0) =	vadd.scan.msk.s32 $0xffff, v22  }
0x1f3: {  	v24 =	vld [tilespmem:s4+$0xAD0];
	vm9 =	vge.s32 v20, v1;
	vm10 =	vlt.s32 v20, v3;
	v62 =	vsel vm3, $0x1, v4  }
0x1f4: {  	vm0 =	vmand vm9, vm10;
	(xrf0) =	vadd.scan.msk.s32 $0xffff, v62  }
0x1f5: {  	v63 =	vld [tilespmem:s4+$0xAE0];
	vm11 =	vge.s32 v21, v1;
	vm2 =	vlt.s32 v21, v3;
	v25 =	vsel vm0, $0x1, v4  }
0x1f6: {  	vm1 =	vmand vm11, vm2;
	(xrf0) =	vadd.scan.msk.s32 $0xffff, v25  }
0x1f7: {  	vm12 =	vge.s32 v23, v1;
	vm4 =	vlt.s32 v23, v3;
	v44 =	vsel vm1, $0x1, v4  }
0x1f8: {  	vm13 =	vge.s32 v24, v1;
	vm2 =	vmand vm12, vm4;
	v27, _, _ =	vpop (xrf0);
	(xrf0) =	vadd.scan.msk.s32 $0xffff, v44  }
0x1f9: {  	vm5 =	vlt.s32 v24, v3;
	v26 =	vsel vm2, $0x1, v4;
	(v2sf) =	vpush v27, $0xF  }
0x1fa: {  	vm14 =	vge.s32 v63, v1;
	vm4 =	vmand vm13, vm5;
	(xrf0) =	vadd.scan.msk.s32 $0xffff, v26;
	v45, _, _ =	vpop (xrf0)  }
0x1fb: {  	vm7 =	vlt.s32 v63, v3;
	v46 =	vsel vm4, $0x1, v4;
	(v2sf) =	vpush v45, $0xF  }
0x1fc: {  	vm5 =	vmand vm14, vm7;
	v28, _, _ =	vpop (xrf0);
	(xrf0) =	vadd.scan.msk.s32 $0xffff, v46  }
0x1fd: {  	v47 =	vsel vm5, $0x1, v4;
	(v2sf) =	vpush v28, $0xF  }
0x1fe: {  	v29 =	vld [tilespmem:s4+$0xAF0];
	(xrf0) =	vadd.scan.msk.s32 $0xffff, v47;
	v48, _, _ =	vpop (xrf0)  }
0x1ff: {  	(v2sf) =	vpush v48, $0xF  }
0x200: {  	v30, _, _ =	vpop (xrf0)  }
0x201: {  	(v2sf) =	vpush v30, $0xF  }
0x202: {  	v31, _, _ =	vpop (xrf0)  }
0x203: {  	vm15 =	vge.s32 v29, v1;
	vm8 =	vlt.s32 v29, v3;
	(v2sf) =	vpush v31, $0xF  }
0x204: {  	vm7 =	vmand vm15, vm8;
	v32, _, _ =	vpop (xrf0)  }
0x205: {  	v33 =	vsel vm7, $0x1, v4;
	(v2sf) =	vpush v32, $0xF  }
0x206: {  	(xrf0) =	vadd.scan.msk.s32 $0xffff, v33  }
0x207: {  	s8 =	sadd.s32 s11, s12  }
0x208: {  	v49 =	vmov s8;
	s9 =	spop (v2sf)  }
0x209: {  	v33 =	vadd.s32 $0xFFFFFFFF, v49;
	s8 =	sadd.s32 s8, s9  }
0x20a: {  	v34 =	vld [tilespmem:s4+$0x70];
	v33 =	vbroadcast v33, $0x0;
	s11 =	spop (v2sf);
	v36 =	vmov s8  }
0x20b: {  	v35 =	vld [tilespmem:s4+$0x60];
	s8 =	sadd.s32 s8, s11;
	v36 =	vadd.s32 $0xFFFFFFFF, v36  }
0x20c: {  	v37 =	vld [tilespmem:s4+$0x50];
	v27 =	vadd.s32 v27, v33;
	v41, _, _ =	vpop (xrf0);
	s12 =	spop (v2sf);
	v38 =	vmov s8;
	v36 =	vbroadcast v36, $0x0  }
0x20d: {  	v39 =	vld [tilespmem:s4+$0x0];
	(v2sf) =	vpush v41, $0xF;
	s8 =	sadd.s32 s8, s12;
	v38 =	vadd.s32 $0xFFFFFFFF, v38  }
0x20e: {  	v50 =	vld [tilespmem:s4+$0x40];
	v40 =	vmov s8;
	v51 =	vbroadcast v38, $0x0;
	v25 =	vadd.s32 v45, v36;
	s14 =	spop (v2sf)  }
0x20f: {  	v53 =	vld [tilespmem:s4+$0x10];
	v18 =	vsub.s32 v18, v1;
	v52 =	vadd.s32 $0xFFFFFFFF, v40;
	s8 =	sadd.s32 s8, s14  }
0x210: {  	v42 =	vld [tilespmem:s4+$0x30];
	v38 =	vbroadcast v52, $0x0;
	s17 =	spop (v2sf);
	v28 =	vadd.s32 v28, v51;
	v54 =	vmov s8  }
0x211: {  	v43 =	vld [tilespmem:s4+$0x20];
	[tilespmem:v27+s28+$0x0] =	vst.idx.msk vm6, v18;
	v18 =	vsub.s32 v19, v1;
	s18 =	sadd.s32 s8, s17;
	v19 =	vadd.s32 $0xFFFFFFFF, v54  }
0x212: {  	[tilespmem:v27+s29+$0x0] =	vst.idx.msk vm6, v39;
	v26 =	vadd.s32 v48, v38;
	s19 =	spop (v2sf);
	v55 =	vmov s18;
	v19 =	vbroadcast v19, $0x0  }
0x213: {  	v20 =	vsub.s32 v20, v1;
	s4 =	sadd.s32 s18, s19;
	v56 =	vadd.s32 $0xFFFFFFFF, v55;
	[tilespmem:v25+s28+$0x0] =	vst.idx.msk vm3, v18  }
0x214: {  	s20 =	spop (v2sf);
	v57 =	vmov s4;
	v18 =	vbroadcast v56, $0x0;
	[tilespmem:v25+s29+$0x0] =	vst.idx.msk vm3, v53;
	v19 =	vadd.s32 v30, v19  }
0x215: {  	v58 =	vsub.s32 v21, v1;
	s4 =	sadd.s32 s4, s20;
	v59 =	vadd.s32 $0xFFFFFFFF, v57;
	[tilespmem:v28+s28+$0x0] =	vst.idx.msk vm0, v20  }
0x216: {  	v60 =	vmov s4;
	v21 =	vbroadcast v59, $0x0;
	v18 =	vadd.s32 v31, v18;
	[tilespmem:v28+s29+$0x0] =	vst.idx.msk vm0, v43  }
0x217: {  	v25 =	vadd.s32 $0xFFFFFFFF, v60;
	[tilespmem:v26+s28+$0x0] =	vst.idx.msk vm1, v58  }
0x218: {  	v23 =	vsub.s32 v23, v1;
	v61 =	vbroadcast v25, $0x0;
	v21 =	vadd.s32 v32, v21;
	[tilespmem:v26+s29+$0x0] =	vst.idx.msk vm1, v42  }
0x219: {  	[tilespmem:v19+s28+$0x0] =	vst.idx.msk vm2, v23  }
0x21a: {  	v20 =	vadd.s32 v41, v61;
	[tilespmem:v19+s29+$0x0] =	vst.idx.msk vm2, v50;
	v19 =	vsub.s32 v24, v1  }
0x21b: {  	p0 =	seq.s32 s3, $0xF;
	[tilespmem:v18+s28+$0x0] =	vst.idx.msk vm4, v19  }
0x21c: {  	s8 =	smul.u32 @!p0 $0xA80, s3;
	[tilespmem:v18+s29+$0x0] =	vst.idx.msk vm4, v37;
	v18 =	vsub.s32 v63, v1  }
0x21d: {  	s25 =	spop (v2sf);
	[tilespmem:v21+s28+$0x0] =	vst.idx.msk vm5, v18  }
0x21e: {  	s8 =	sadd.s32 @!p0 s8, s16;
	s4 =	sadd.s32 s4, s25;
	v18 =	vsub.s32 v29, v1;
	[tilespmem:v21+s29+$0x0] =	vst.idx.msk vm5, v35  }
0x21f: {  	s11 =	simm.s32 @!p0 $0x80;
	s8 =	sshrl.u32 @!p0 s8, $0x2;
	[tilespmem:v20+s28+$0x0] =	vst.idx.msk vm7, v18;
	v18 =	vadd.s32 s4, v2  }
0x220: {  	s12 =	simm.s32 @!p0 $0x100;
	s14 =	simm.s32 @!p0 $0x0;
	s9 =	sadd.s32 @!p0 s1, s8;
	[tilespmem:v20+s29+$0x0] =	vst.idx.msk vm7, v34  }
0x221: {  	v19 =	vadd.s32 s4, v6;
	[tilespmem:s14], [sflag:$0x2] =	stream.strided.gather @!p0 [hbm4b:s9+s11], $0xA80, s12, s11, $0x38;
	[tilespmem:$0x1FF00] =	vst v63  }
0x222: {  	s8 =	sadd.s32 @!p0 s8, s13;
	s9 =	simm.s32 @!p0 $0xA80  }
0x223: {  	v62 =	vadd.s32 s4, v8;
	[tilespmem:s9], [sflag:$0x2] =	stream.strided.gather @!p0 [hbm4b:s8+s11], $0xA80, s12, s11, $0x38;
	[tilespmem:$0x1FF00] =	vst v63  }
0x224: {  	[tilespmem:v18+s29+$0x0] =	vst.idx.msk $0xffff, v2  }
0x225: {  	[tilespmem:v18+s28+$0x0] =	vst.idx.msk $0xffff, v5;
	v18 =	vadd.s32 s4, v10  }
0x226: {  	[tilespmem:v19+s29+$0x0] =	vst.idx.msk $0xffff, v6  }
0x227: {  	[tilespmem:v19+s28+$0x0] =	vst.idx.msk $0xffff, v7;
	v19 =	vadd.s32 s4, v12  }
0x228: {  	[tilespmem:v62+s29+$0x0] =	vst.idx.msk $0xffff, v8  }
0x229: {  	v63 =	vadd.s32 s4, v14;
	[tilespmem:v62+s28+$0x0] =	vst.idx.msk $0xffff, v9  }
0x22a: {  	[tilespmem:v18+s29+$0x0] =	vst.idx.msk $0xffff, v10  }
0x22b: {  	[tilespmem:v18+s28+$0x0] =	vst.idx.msk $0xffff, v11;
	v18 =	vadd.s32 s4, v16  }
0x22c: {  	[tilespmem:v19+s29+$0x0] =	vst.idx.msk $0xffff, v12  }
0x22d: {  	[tilespmem:v19+s28+$0x0] =	vst.idx.msk $0xffff, v13;
	v19 =	vadd.s32 s4, v17  }
0x22e: {  	[tilespmem:v63+s29+$0x0] =	vst.idx.msk $0xffff, v14  }
0x22f: {  	[tilespmem:v63+s28+$0x0] =	vst.idx.msk $0xffff, v15  }
0x230: {  	[tilespmem:v18+s29+$0x0] =	vst.idx.msk $0xffff, v16  }
.Ltmp15:
0x231: {  	[tilespmem:v18+s28+$0x0] =	vst.idx.msk $0xffff, v5;
	(pc) =	sbr.rel .LBB2_17-.Ltmp15, $4  }
0x232: {  	p0 =	slt.s32 s4, $0x1;
	s12 =	simm.s32 $0x0;
	[tilespmem:v19+s29+$0x0] =	vst.idx.msk $0xffff, v17  }
0x233: {  	s8 =	simm.s32 @!p0 $0x80;
	s9 =	simm.s32 @!p0 $0x1500;
	s11 =	simm.s32 @!p0 $0x2C00;
	[tilespmem:v19+s28+$0x0] =	vst.idx.msk $0xffff, v7  }
0x234: {  	[tilespmem:s11], [sflag:$0x1] =	stream.indirect.gather @!p0 [hbm4b:s5+s8], $0x80, s9, s8, $0xb8;
	[tilespmem:$0x1FF00] =	vst v63  }
0x235: {  	s8 =	simm.s32 $0x0;
	s9 =	simm.s32 $0x1580;
	s11 =	simm.s32 $0x2040  }
.LBB2_20:
0x236: {  	s14 =	sadd.s32 $0x80, s8  }
0x237: {  	_ =	swait.ge [sflag:s30], $0x4000;
	p0 =	sge.u32 s14, s4  }
0x238: {  	[sflag:s30] =	ssyncset.done $0x0;
	s14 =	sshll.u32 @!p0 s17, $0xE  }
0x239: {  	[sflag:s30] =	ssyncadd.s32 $0xFFFFC000;
	s18 =	simm.s32 @!p0 $0x80;
	s14 =	sxor.u32 @!p0 $0x6C00, s14  }
0x23a: {  	[tilespmem:s14], [sflag:$0x1] =	stream.indirect.gather @!p0 [hbm4b:s5+s18], $0x80, s9, s18, $0xb8;
	[tilespmem:$0x1FF00] =	vst v63  }
0x23b: {  	v18 =	vld [tilespmem:s11+$0xFFFFFFC0];
	_ =	sdelay $0x3  }
0x23c: {  	p0 =	sne.s32 s17, $0x0  }
0x23d: {  	[tilespmem:$0x2B80] =	vst @p0 v18  }
0x23e: {  	v19 =	vld @p0 [tilespmem:s11+$0xFFFFFFD0];
	_ =	sdelay $0x4  }
0x23f: {  	[tilespmem:$0x2B90] =	vst @p0 v19  }
0x240: {  	v19 =	vld @p0 [tilespmem:s11+$0xFFFFFFE0];
	_ =	sdelay $0x4  }
0x241: {  	[tilespmem:$0x2BA0] =	vst @p0 v19  }
0x242: {  	v19 =	vld @p0 [tilespmem:s11+$0xFFFFFFF0];
	_ =	sdelay $0x4  }
0x243: {  	[tilespmem:$0x2BB0] =	vst @p0 v19  }
0x244: {  	v19 =	vld @p0 [tilespmem:s11+$0x0];
	_ =	sdelay $0x4  }
0x245: {  	[tilespmem:$0x2BC0] =	vst @p0 v19  }
0x246: {  	v19 =	vld @p0 [tilespmem:s11+$0x10];
	_ =	sdelay $0x4  }
0x247: {  	[tilespmem:$0x2BD0] =	vst @p0 v19  }
0x248: {  	v19 =	vld @p0 [tilespmem:s11+$0x20];
	_ =	sdelay $0x4  }
0x249: {  	[tilespmem:$0x2BE0] =	vst @p0 v19  }
0x24a: {  	v19 =	vld @p0 [tilespmem:s11+$0x30];
	_ =	sdelay $0x4  }
0x24b: {  	s14 =	simm.s32 @p0 $0x80;
	s17 =	simm.s32 @p0 $0x2B80;
	s18 =	simm.s32 @p0 $0x6C00;
	[tilespmem:$0x2BF0] =	vst @p0 v19  }
0x24c: {  	[spmem:s2] =	stream.indirect.scatter.add.f32 @p0 [tilespmem:s18], [sflag:$0x4], $0x80, s17, s14, $0xb8;
	[tilespmem:$0x1FF00] =	vst v63  }
0x24d: {  	[tilespmem:$0x2B00] =	vst @!p0 v18  }
0x24e: {  	v18 =	vld @!p0 [tilespmem:s11+$0xFFFFFFD0];
	_ =	sdelay $0x4  }
0x24f: {  	[tilespmem:$0x2B10] =	vst @!p0 v18  }
0x250: {  	v18 =	vld @!p0 [tilespmem:s11+$0xFFFFFFE0];
	_ =	sdelay $0x4  }
0x251: {  	[tilespmem:$0x2B20] =	vst @!p0 v18  }
0x252: {  	v18 =	vld @!p0 [tilespmem:s11+$0xFFFFFFF0];
	_ =	sdelay $0x4  }
0x253: {  	[tilespmem:$0x2B30] =	vst @!p0 v18  }
0x254: {  	v18 =	vld @!p0 [tilespmem:s11+$0x0];
	_ =	sdelay $0x4  }
0x255: {  	[tilespmem:$0x2B40] =	vst @!p0 v18  }
0x256: {  	v18 =	vld @!p0 [tilespmem:s11+$0x10];
	_ =	sdelay $0x4  }
0x257: {  	[tilespmem:$0x2B50] =	vst @!p0 v18  }
0x258: {  	v18 =	vld @!p0 [tilespmem:s11+$0x20];
	_ =	sdelay $0x4  }
0x259: {  	[tilespmem:$0x2B60] =	vst @!p0 v18  }
0x25a: {  	v18 =	vld @!p0 [tilespmem:s11+$0x30];
	_ =	sdelay $0x4  }
0x25b: {  	s14 =	simm.s32 @!p0 $0x80;
	s17 =	simm.s32 @!p0 $0x2B00;
	s18 =	simm.s32 @!p0 $0x2C00;
	[tilespmem:$0x2B70] =	vst @!p0 v18  }
0x25c: {  	[spmem:s2] =	stream.indirect.scatter.add.f32 @!p0 [tilespmem:s18], [sflag:$0x3], $0x80, s17, s14, $0xb8;
	[tilespmem:$0x1FF00] =	vst v63  }
.LBB2_21:
0x25d: {  	s12 =	sadd.s32 $0x1, s12  }
0x25e: {  	p0 =	sne.s32 s12, $0x16  }
.Ltmp16:
0x25f: {  	_ = 	snop;
	(pc) =	sbr.rel @!p0 .LBB2_22-.Ltmp16, $2  }
0x260: {  	_ =	sdelay $0x2  }
0x261: {  	s8 =	sadd.s32 $0x80, s8;
	s9 =	sadd.s32 $0x80, s9;
	s11 =	sadd.s32 $0x80, s11  }
.LBB2_17:
0x262: {  	p0 =	sge.s32 s8, s4  }
.Ltmp17:
0x263: {  	_ = 	snop;
	(pc) =	sbr.rel @p0 .LBB2_21-.Ltmp17, $1  }
0x264: {  	_ =	sdelay $0x3  }
0x265: {  	s17 =	sand.u32 $0x1, s12;
	p0 =	sgt.u32 s12, $0x1  }
0x266: {  	p1 =	seq.s32 @!p0 s17, $0x0  }
0x267: {  	p1 =	por p0, !p1  }
.Ltmp18:
0x268: {  	_ = 	snop;
	(pc) =	sbr.rel @!p1 .LBB2_20-.Ltmp18, $1  }
0x269: {  	_ =	sdelay $0x3  }
0x26a: {  	p1 =	seq.s32 s17, $0x0;
	s14 =	simm.s32 $0x4  }
.Ltmp19:
0x26b: {  	s14 =	simm.s32 @!p1 $0x3;
	(pc) =	sbr.rel .LBB2_20-.Ltmp19, $4  }
0x26c: {  	s14 =	simm.s32 @!p0 $0x3  }
0x26d: {  	_ =	swait.ge [sflag:s14], $0x4000  }
0x26e: {  	[sflag:s14] =	ssyncset.done $0x0  }
0x26f: {  	[sflag:s14] =	ssyncadd.s32 $0xFFFFC000  }
.LBB2_22:
0x270: {  	s4 =	sadd.s32 $0x7F, s4  }
0x271: {  	s8 =	sand.u32 $0x7F, s4  }
0x272: {  	s25 =	sshra.s32 s4, $0x1F;
	p1 =	slt.s32 s4, $0x1;
	p0 =	sne.s32 s8, $0x0  }
0x273: {  	s8 =	sshrl.u32 s25, $0x19;
	p0 =	por !p1, !p0  }
0x274: {  	s4 =	sadd.s32 s8, s4;
	s8 =	simm.s32 $0x1;
	p0 =	por !p0, !p0  }
0x275: {  	s4 =	sshra.s32 s4, $0x7;
	s8 =	simm.s32 @!p0 $0x0  }
0x276: {  	s4 =	ssub.s32 s4, s8  }
0x277: {  	s8 =	sshrl.u32 s4, $0x1F  }
0x278: {  	s8 =	sadd.s32 s8, s4  }
0x279: {  	s8 =	sand.u32 $0xFFFFFFFE, s8  }
0x27a: {  	s8 =	ssub.s32 s4, s8  }
0x27b: {  	p0 =	seq.s32 s8, $0x1  }
0x27c: {  	p1 =	slt.s32 @!p0 s4, $0x1  }
0x27d: {  	p2 =	por p1, p0  }
0x27e: {  	p2 =	sne.s32 @!p2 s8, $0x0  }
0x27f: {  	p1 =	por @!p0 p1, p2  }
0x280: {  	p1 =	por p0, !p1  }
.Ltmp20:
0x281: {  	_ = 	snop;
	(pc) =	sbr.rel @!p1 .LBB2_24-.Ltmp20, $1  }
0x282: {  	_ =	sdelay $0x3  }
.Ltmp21:
0x283: {  	s4 =	simm.s32 @!p0 $0x4;
	(pc) =	sbr.rel .LBB2_24-.Ltmp21, $4  }
0x284: {  	s4 =	simm.s32 @p0 $0x3  }
0x285: {  	_ =	swait.ge [sflag:s4], $0x4000  }
0x286: {  	[sflag:s4] =	ssyncset.done $0x0  }
0x287: {  	[sflag:s4] =	ssyncadd.s32 $0xFFFFC000  }
.LBB2_26:
0x288: {  	_ =	sfence.sel $0x180000  }
0x289: {  	[bflag:$0x0] =	sbarrier.arrive $0xFFFF  }
0x28a: {  	_ =	strace $0x9000004A  }
0x28b: {  	s0 =	stileid.u32;
	[bflag:$0x2] =	sbarrier.arrive $0xFFFF  }
0x28c: {  	p0 =	sne.s32 s0, $0x0;
	s0 =	rddreg [dreg:$0x3]  }
0x28d: {  	s0 =	sadd.s32 @!p0 $0x100000, s0  }
0x28e: {  	[sflag:s0] =	ssyncadd.tile.s32 @!p0 $0x1;
	_ =	shalt  }
.Lfunc_end2:
_tile_overlayer_lowered:
.L_overlay_start_2:
0x28f: {  	(tag) =	ssettag $0x2  }
0x290: {  	s0 =	rddreg [dreg:$0x0];
	s2 =	stileid.u32  }
0x291: {  	s1 =	rddreg [dreg:$0x1];
	p0 =	sne.s32 s2, $0x0  }
0x292: {  	s3 =	rddreg [dreg:$0x2];
	[bflag:$0x3] =	sbarrier.arrive $0xFFFF;
	s2 =	simm.s32 @!p0 $0x1C05  }
0x293: {  	[timem:s3], [sflag:s2] =	dma.local @!p0 [hbm:s0], s1  }
0x294: {  	s0 =	simm.s32 @!p0 $0x5  }
0x295: {  	_ =	swait.ge @!p0 [sflag:s0], s1  }
0x296: {  	s1 =	ssub.s32 @!p0 $0x0, s1;
	[sflag:s0] =	ssyncset.done @!p0 $0x0  }
0x297: {  	[sflag:s0] =	ssyncadd.s32 @!p0 s1  }
0x298: {  	[bflag:$0x3] =	sbarrier.arrive $0xFFFF  }
0x299: {  	_ =	shalt  }

</sc_bundles>
